<compile_context>
chip_gen: v7x
topology: tpu7x:2x2x1
jax: 0.10.2.dev20260603
libtpu: 0.0.44.dev20260713+nightly
codegen_flags: <defaults>
</compile_context>

<pallas_src>
import functools

import jax
import jax.numpy as jnp
from jax import lax
from jax.experimental import pallas as pl
from jax.experimental.pallas import tpu as pltpu
from jax.experimental.pallas import tpu_sc as plsc

NN = 10000
DD = 128
BB = 64
CC = 10

NC, NS = 2, 16
NW = NC * NS
CH = 128
NACC = 10240
RPT = NACC // NS
DEGR = NACC // DD
RB = 1000


def _spmm_body(with_deg, h, src, dst, *refs):
    if with_deg:
        out, degout, acc, deg_sh, zbuf, sidx, didx, rows, ones_v, z1, sem = refs
    else:
        out, acc, zbuf, sidx, didx, rows, sem = refs
    c = lax.axis_index("c")
    s = lax.axis_index("s")
    wid = s * NC + c
    nchunk = src.shape[0] // (NW * CH)
    epw = nchunk * CH

    def zrow(r, carry):
        for c8 in range(DD // 16):
            zbuf[r, pl.ds(c8 * 16, 16)] = jnp.zeros((16,), jnp.float32)
        return carry
    lax.fori_loop(0, CH, zrow, 0)

    for k in range(RPT // CH):
        acc_off = pl.multiple_of(s * RPT + k * CH, CH)
        pltpu.sync_copy(zbuf, acc.at[pl.ds(acc_off, CH)])

    if with_deg:
        def z1row(r, carry):
            z1[pl.ds(r * 16, 16)] = jnp.zeros((16,), jnp.float32)
            return carry
        lax.fori_loop(0, RPT // 16, z1row, 0)
        for j in range(CH // 16):
            ones_v[pl.ds(j * 16, 16)] = jnp.ones((16,), jnp.float32)
        deg_off = pl.multiple_of(s * RPT, RPT)
        pltpu.sync_copy(z1, deg_sh.at[pl.ds(deg_off, RPT)])

    plsc.subcore_barrier()

    def chunk(i, carry):
        base = pl.multiple_of(wid * epw + i * CH, CH)
        pltpu.sync_copy(src.at[pl.ds(base, CH)], sidx)
        pltpu.sync_copy(dst.at[pl.ds(base, CH)], didx)
        pltpu.async_copy(h.at[sidx], rows, sem).wait()
        pltpu.sync_copy(rows, acc.at[didx], add=True)
        if with_deg:
            pltpu.sync_copy(ones_v, deg_sh.at[didx], add=True)
        return carry
    lax.fori_loop(0, nchunk, chunk, 0)

    plsc.subcore_barrier()

    for k in range(RPT // CH):
        r0 = pl.multiple_of(s * RPT + k * CH, CH)
        pltpu.sync_copy(acc.at[pl.ds(r0, CH)], rows)
        pltpu.sync_copy(rows, out.at[c, pl.ds(r0, CH)])

    if with_deg:
        deg_off = pl.multiple_of(s * RPT, RPT)
        pltpu.sync_copy(deg_sh.at[pl.ds(deg_off, RPT)], z1)
        pltpu.sync_copy(z1, degout.at[c, pl.ds(deg_off, RPT)])


@functools.lru_cache(maxsize=4)
def _make_spmm(ep, with_deg):
    del ep
    out_type = [jax.ShapeDtypeStruct((NC, NACC, DD), jnp.float32)]
    scratch = [
        pltpu.VMEM_SHARED((NACC, DD), jnp.float32),
    ]
    if with_deg:
        out_type.append(jax.ShapeDtypeStruct((NC, NACC), jnp.float32))
        scratch.append(pltpu.VMEM_SHARED((NACC,), jnp.float32))
    scratch += [
        pltpu.VMEM((CH, DD), jnp.float32),
        pltpu.VMEM((CH,), jnp.int32),
        pltpu.VMEM((CH,), jnp.int32),
        pltpu.VMEM((CH, DD), jnp.float32),
    ]
    if with_deg:
        scratch += [
            pltpu.VMEM((CH,), jnp.float32),
            pltpu.VMEM((RPT,), jnp.float32),
        ]
    scratch.append(pltpu.SemaphoreType.DMA)
    mesh = plsc.VectorSubcoreMesh(core_axis_name="c", subcore_axis_name="s")
    return pl.kernel(
        functools.partial(_spmm_body, with_deg),
        out_type=tuple(out_type),
        mesh=mesh,
        scratch_types=scratch,
    )


def _matT(a, w):
    return lax.dot_general(a, w, (((1,), (1,)), ((), ())),
                           preferred_element_type=jnp.float32)


def _dis_body(dref, o):
    o[...] = lax.rsqrt(jnp.sum(dref[...], axis=0) + 1.0)


def _dense1_body(p0, p1, x, dis, w1r, w1o, b1, w2, o):
    aggr = p0[0] + p1[0]
    h1 = jnp.maximum(_matT(aggr, w1r[...]) + _matT(x[...], w1o[...]) + b1[...], 0.0)
    o[...] = dis[...] * _matT(h1, w2[...])


def _dense2_body(p0, p1, g, dis, b2, w3, o):
    h2 = jnp.maximum(dis[...] * (p0[0] + p1[0] + g[...]) + b2[...], 0.0)
    o[...] = dis[...] * _matT(h2, w3[...])


def _pool_body(p0, p1, g, dis, b3, bt, sums, cnts):
    i = pl.program_id(0)
    h3 = dis[...] * (p0[0] + p1[0] + g[...]) + b3[...]
    oh = (bt[...] == lax.broadcasted_iota(jnp.int32, (RB, BB), 1)
          ).astype(jnp.float32)
    s = lax.dot_general(oh, h3, (((0,), (0,)), ((), ())),
                        preferred_element_type=jnp.float32)
    cn = lax.dot_general(oh, jnp.ones((RB, DD), jnp.float32),
                         (((0,), (0,)), ((), ())),
                         preferred_element_type=jnp.float32)

    @pl.when(i == 0)
    def _():
        sums[...] = jnp.zeros_like(sums)
        cnts[...] = jnp.zeros_like(cnts)

    sums[...] += s
    cnts[...] += cn


def _head_body(sums, cnts, wl, bl, xn_ref, out_ref):
    pooled = sums[...] / jnp.maximum(cnts[...], 1.0)
    n2 = jnp.sum(pooled * pooled, axis=1, keepdims=True)
    xn = pooled * lax.rsqrt(jnp.maximum(n2, 1e-24))
    w = wl[...]
    wn2 = jnp.sum(w * w, axis=1, keepdims=True)
    wn = w * lax.rsqrt(jnp.maximum(wn2, 1e-24))
    xn_ref[...] = xn
    out_ref[...] = _matT(xn, wn) + bl[...]


def _row_specs(i_maps):
    return [pl.BlockSpec(shape, m) for shape, m in i_maps]


_GRID = NN // RB


def _dense1(part, x, dis, w1r, w1o, b1, w2):
    return pl.pallas_call(
        _dense1_body,
        grid=(_GRID,),
        in_specs=[
            pl.BlockSpec((1, RB, DD), lambda i: (0, i, 0)),
            pl.BlockSpec((1, RB, DD), lambda i: (1, i, 0)),
            pl.BlockSpec((RB, DD), lambda i: (i, 0)),
            pl.BlockSpec((RB, 1), lambda i: (i, 0)),
            pl.BlockSpec((DD, DD), lambda i: (0, 0)),
            pl.BlockSpec((DD, DD), lambda i: (0, 0)),
            pl.BlockSpec((1, DD), lambda i: (0, 0)),
            pl.BlockSpec((DD, DD), lambda i: (0, 0)),
        ],
        out_specs=pl.BlockSpec((RB, DD), lambda i: (i, 0)),
        out_shape=jax.ShapeDtypeStruct((NN, DD), jnp.float32),
    )(part, part, x, dis, w1r, w1o, b1, w2)


def _dense2(part, g, dis, b2, w3):
    return pl.pallas_call(
        _dense2_body,
        grid=(_GRID,),
        in_specs=[
            pl.BlockSpec((1, RB, DD), lambda i: (0, i, 0)),
            pl.BlockSpec((1, RB, DD), lambda i: (1, i, 0)),
            pl.BlockSpec((RB, DD), lambda i: (i, 0)),
            pl.BlockSpec((RB, 1), lambda i: (i, 0)),
            pl.BlockSpec((1, DD), lambda i: (0, 0)),
            pl.BlockSpec((DD, DD), lambda i: (0, 0)),
        ],
        out_specs=pl.BlockSpec((RB, DD), lambda i: (i, 0)),
        out_shape=jax.ShapeDtypeStruct((NN, DD), jnp.float32),
    )(part, part, g, dis, b2, w3)


def _pool(part, g, dis, b3, bt):
    return pl.pallas_call(
        _pool_body,
        grid=(_GRID,),
        in_specs=[
            pl.BlockSpec((1, RB, DD), lambda i: (0, i, 0)),
            pl.BlockSpec((1, RB, DD), lambda i: (1, i, 0)),
            pl.BlockSpec((RB, DD), lambda i: (i, 0)),
            pl.BlockSpec((RB, 1), lambda i: (i, 0)),
            pl.BlockSpec((1, DD), lambda i: (0, 0)),
            pl.BlockSpec((RB, 1), lambda i: (i, 0)),
        ],
        out_specs=[
            pl.BlockSpec((BB, DD), lambda i: (0, 0)),
            pl.BlockSpec((BB, DD), lambda i: (0, 0)),
        ],
        out_shape=[
            jax.ShapeDtypeStruct((BB, DD), jnp.float32),
            jax.ShapeDtypeStruct((BB, DD), jnp.float32),
        ],
    )(part, part, g, dis, b3, bt)


def _dis_call(degp):
    return pl.pallas_call(
        _dis_body,
        out_shape=jax.ShapeDtypeStruct((DEGR, DD), jnp.float32),
    )(degp)


def _head(sums, cnts, wlp, blp):
    return pl.pallas_call(
        _head_body,
        out_shape=[
            jax.ShapeDtypeStruct((BB, DD), jnp.float32),
            jax.ShapeDtypeStruct((BB, 16), jnp.float32),
        ],
    )(sums, cnts, wlp, blp)


def kernel(x, edge_index, batch, W1_rel, W1_root, b1, W2, b2, W3, b3, Wlin, blin):
    e = edge_index.shape[1]
    ep = -(-e // (NW * CH)) * (NW * CH)
    pad = ep - e
    src = jnp.concatenate([edge_index[0], jnp.zeros((pad,), jnp.int32)])
    dst = jnp.concatenate([edge_index[1], jnp.full((pad,), NN, jnp.int32)])

    spmm_deg = _make_spmm(ep, True)
    spmm = _make_spmm(ep, False)

    part1, degp = spmm_deg(x, src, dst)
    dis_img = _dis_call(degp.reshape(NC, DEGR, DD))
    dis = dis_img.reshape(-1)[:NN, None]

    b1r = b1.reshape(1, DD)
    b2r = b2.reshape(1, DD)
    b3r = b3.reshape(1, DD)

    g2 = _dense1(part1, x, dis, W1_rel, W1_root, b1r, W2)
    (part2,) = spmm(g2, src, dst)
    g3 = _dense2(part2, g2, dis, b2r, W3)
    (part3,) = spmm(g3, src, dst)

    bt = batch.reshape(NN, 1)
    sums, cnts = _pool(part3, g3, dis, b3r, bt)

    wlp = jnp.zeros((16, DD), jnp.float32).at[:CC].set(Wlin)
    blp = jnp.zeros((1, 16), jnp.float32).at[0, :CC].set(blin)
    xn, outp = _head(sums, cnts, wlp, blp)
    return (xn, outp[:, :CC])

# --- scband reference (transcript-rebuilt; emitter-appended) ---
"""Pipeline reference for scband-gc-gnn-drop-message-5841155523231 (READ-ONLY COPY).

The authoritative reference and input builder live on the scoring server;
editing this copy changes nothing except your own understanding.
"""

import jax, jax.numpy as jnp
import numpy as np

N = 10000
E = 320000
D = 128
H = 128
C = 10
B = 64


def _xavier(key, fan_out, fan_in):
    a = float(np.sqrt(6.0 / (fan_in + fan_out)))
    return jax.random.uniform(key, (fan_out, fan_in), dtype=jnp.float32, minval=-a, maxval=a)


def setup_inputs(seed: int = 0) -> dict:
    key = jax.random.key(seed)
    ks = jax.random.split(key, 10)
    x = jax.random.normal(ks[0], (N, D), dtype=jnp.float32)
    edge_index = jax.random.randint(ks[1], (2, E), 0, N, dtype=jnp.int32)
    batch = jnp.sort(jax.random.randint(ks[2], (N,), 0, B, dtype=jnp.int32))
    return {
        "x": x,
        "edge_index": edge_index,
        "batch": batch,
        "W1_rel": _xavier(ks[3], H, D),
        "W1_root": _xavier(ks[4], H, D),
        "b1": jnp.zeros((H,), jnp.float32),
        "W2": _xavier(ks[5], H, H),
        "b2": jnp.zeros((H,), jnp.float32),
        "W3": _xavier(ks[6], H, H),
        "b3": jnp.zeros((H,), jnp.float32),
        "Wlin": _xavier(ks[7], C, H),
        "blin": jnp.zeros((C,), jnp.float32),
    }


def _gcn_drop_message(x, edge_index, W, b):
    # eval mode: F.dropout on messages is identity
    n = x.shape[0]
    loop = jnp.arange(n, dtype=edge_index.dtype)
    src = jnp.concatenate([edge_index[0], loop])
    dst = jnp.concatenate([edge_index[1], loop])
    h = x @ W.T
    deg = jnp.zeros((n,), h.dtype).at[dst].add(1.0)
    dis = jnp.where(deg > 0, deg ** -0.5, 0.0)
    norm = dis[src] * dis[dst]
    msg = norm[:, None] * h[src]
    out = jnp.zeros_like(h).at[dst].add(msg)
    return out + b


def _graph_conv(x, edge_index, W_rel, W_root, b):
    # PyG GraphConv aggr='add': out = lin_rel(sum_j x_j) + lin_root(x)
    n = x.shape[0]
    src, dst = edge_index[0], edge_index[1]
    aggr = jnp.zeros((n, x.shape[1]), x.dtype).at[dst].add(x[src])
    return aggr @ W_rel.T + b + x @ W_root.T


def reference(x, edge_index, batch, W1_rel, W1_root, b1, W2, b2, W3, b3, Wlin, blin):
    h = jax.nn.relu(_graph_conv(x, edge_index, W1_rel, W1_root, b1))
    h = jax.nn.relu(_gcn_drop_message(h, edge_index, W2, b2))
    h = _gcn_drop_message(h, edge_index, W3, b3)
    sums = jax.ops.segment_sum(h, batch, num_segments=B)
    counts = jax.ops.segment_sum(jnp.ones((h.shape[0],), h.dtype), batch, num_segments=B)
    pooled = sums / jnp.maximum(counts, 1.0)[:, None]
    xn = pooled / jnp.maximum(jnp.linalg.norm(pooled, axis=1, keepdims=True), 1e-12)
    Wn = Wlin / jnp.maximum(jnp.linalg.norm(Wlin, axis=1, keepdims=True), 1e-12)
    # eval mode: dropout identity
    out = xn @ Wn.T + blin
    return (xn, out)

if __name__ == "__main__":
    import jax
    _d = setup_inputs()
    print(jax.jit(kernel)(*tuple(_d.values())))

</pallas_src>

<mosaic_0001>
#map = affine_map<(d0, d1) -> (0, 0)>
#map1 = affine_map<(d0, d1) -> (0)>
#map2 = affine_map<(d0, d1) -> (0, 0, 0)>
module attributes {stable_mosaic.version = 14 : i64} {
  func.func @_spmm_body(%arg0: i32, %arg1: i32, %arg2: memref<10000x128xf32, #tpu.memory_space<hbm>>, %arg3: memref<323584xi32, #tpu.memory_space<hbm>>, %arg4: memref<323584xi32, #tpu.memory_space<hbm>>, %arg5: memref<2x10240x128xf32, #tpu.memory_space<hbm>>, %arg6: memref<2x10240xf32, #tpu.memory_space<hbm>>, %arg7: memref<10240x128xf32, #tpu.memory_space<vmem_shared>>, %arg8: memref<10240xf32, #tpu.memory_space<vmem_shared>>, %arg9: memref<128x128xf32, #tpu.memory_space<vmem>>, %arg10: memref<128xi32, #tpu.memory_space<vmem>>, %arg11: memref<128xi32, #tpu.memory_space<vmem>>, %arg12: memref<128x128xf32, #tpu.memory_space<vmem>>, %arg13: memref<128xf32, #tpu.memory_space<vmem>>, %arg14: memref<640xf32, #tpu.memory_space<vmem>>, %arg15: memref<!tpu.dma_semaphore, #tpu.memory_space<semaphore_mem>>) attributes {dimension_semantics = [#tpu.dimension_semantics<core_parallel>, #tpu.dimension_semantics<subcore_parallel>], iteration_bounds = array<i64: 2, 16>, scalar_prefetch = 0 : i64, scratch_operands = 9 : i64, tpu.core_type = #tpu.core_type<sc_vector_subcore>, window_params = [{transform_indices = #map}, {transform_indices = #map1}, {transform_indices = #map1}, {transform_indices = #map2}, {transform_indices = #map}]} {
    %mul3A = arith.constant 2 : i32
    %mul3A_0 = arith.muli %arg1, %mul3A : i32
    %add3A = arith.addi %mul3A_0, %arg0 : i32
    %scan3A = arith.constant 0 : i32
    %scan3A_1 = arith.constant 0 : i32
    %scan3A_2 = arith.constant 128 : i32
    %scan3A_3 = arith.addi %scan3A_1, %scan3A_2 : i32
    %scan3A_4 = arith.constant 1 : i32
    scf.for %scan3A_120 = %scan3A_1 to %scan3A_3 step %scan3A_4  : i32 {
      %broadcast_in_dim3A_121 = arith.constant 0.000000e+00 : f32
      %broadcast_in_dim3A_122 = vector.broadcast %broadcast_in_dim3A_121 : f32 to vector<16xf32>
      %swap3A_123 = arith.index_cast %scan3A_120 : i32 to index
      %swap3A_124 = arith.constant 0 : index
      %swap3A_125 = tpu.vector_load %arg9[%swap3A_123, %swap3A_124] {strides = array<i32>} : memref<128x128xf32, #tpu.memory_space<vmem>>, vector<1x16xf32>,
      %swap3A_126 = vector.shape_cast %swap3A_125 : vector<1x16xf32> to vector<16xf32>
      %swap3A_127 = vector.shape_cast %broadcast_in_dim3A_122 : vector<16xf32> to vector<1x16xf32>
      tpu.vector_store %arg9[%swap3A_123, %swap3A_124], %swap3A_127 {strides = array<i32>} : memref<128x128xf32, #tpu.memory_space<vmem>>, vector<1x16xf32>,
      %broadcast_in_dim3A_128 = arith.constant 0.000000e+00 : f32
      %broadcast_in_dim3A_129 = vector.broadcast %broadcast_in_dim3A_128 : f32 to vector<16xf32>
      %swap3A_130 = arith.index_cast %scan3A_120 : i32 to index
      %swap3A_131 = arith.constant 16 : index
      %swap3A_132 = tpu.vector_load %arg9[%swap3A_130, %swap3A_131] {strides = array<i32>} : memref<128x128xf32, #tpu.memory_space<vmem>>, vector<1x16xf32>,
      %swap3A_133 = vector.shape_cast %swap3A_132 : vector<1x16xf32> to vector<16xf32>
      %swap3A_134 = vector.shape_cast %broadcast_in_dim3A_129 : vector<16xf32> to vector<1x16xf32>
      tpu.vector_store %arg9[%swap3A_130, %swap3A_131], %swap3A_134 {strides = array<i32>} : memref<128x128xf32, #tpu.memory_space<vmem>>, vector<1x16xf32>,
      %broadcast_in_dim3A_135 = arith.constant 0.000000e+00 : f32
      %broadcast_in_dim3A_136 = vector.broadcast %broadcast_in_dim3A_135 : f32 to vector<16xf32>
      %swap3A_137 = arith.index_cast %scan3A_120 : i32 to index
      %swap3A_138 = arith.constant 32 : index
      %swap3A_139 = tpu.vector_load %arg9[%swap3A_137, %swap3A_138] {strides = array<i32>} : memref<128x128xf32, #tpu.memory_space<vmem>>, vector<1x16xf32>,
      %swap3A_140 = vector.shape_cast %swap3A_139 : vector<1x16xf32> to vector<16xf32>
      %swap3A_141 = vector.shape_cast %broadcast_in_dim3A_136 : vector<16xf32> to vector<1x16xf32>
      tpu.vector_store %arg9[%swap3A_137, %swap3A_138], %swap3A_141 {strides = array<i32>} : memref<128x128xf32, #tpu.memory_space<vmem>>, vector<1x16xf32>,
      %broadcast_in_dim3A_142 = arith.constant 0.000000e+00 : f32
      %broadcast_in_dim3A_143 = vector.broadcast %broadcast_in_dim3A_142 : f32 to vector<16xf32>
      %swap3A_144 = arith.index_cast %scan3A_120 : i32 to index
      %swap3A_145 = arith.constant 48 : index
      %swap3A_146 = tpu.vector_load %arg9[%swap3A_144, %swap3A_145] {strides = array<i32>} : memref<128x128xf32, #tpu.memory_space<vmem>>, vector<1x16xf32>,
      %swap3A_147 = vector.shape_cast %swap3A_146 : vector<1x16xf32> to vector<16xf32>
      %swap3A_148 = vector.shape_cast %broadcast_in_dim3A_143 : vector<16xf32> to vector<1x16xf32>
      tpu.vector_store %arg9[%swap3A_144, %swap3A_145], %swap3A_148 {strides = array<i32>} : memref<128x128xf32, #tpu.memory_space<vmem>>, vector<1x16xf32>,
      %broadcast_in_dim3A_149 = arith.constant 0.000000e+00 : f32
      %broadcast_in_dim3A_150 = vector.broadcast %broadcast_in_dim3A_149 : f32 to vector<16xf32>
      %swap3A_151 = arith.index_cast %scan3A_120 : i32 to index
      %swap3A_152 = arith.constant 64 : index
      %swap3A_153 = tpu.vector_load %arg9[%swap3A_151, %swap3A_152] {strides = array<i32>} : memref<128x128xf32, #tpu.memory_space<vmem>>, vector<1x16xf32>,
      %swap3A_154 = vector.shape_cast %swap3A_153 : vector<1x16xf32> to vector<16xf32>
      %swap3A_155 = vector.shape_cast %broadcast_in_dim3A_150 : vector<16xf32> to vector<1x16xf32>
      tpu.vector_store %arg9[%swap3A_151, %swap3A_152], %swap3A_155 {strides = array<i32>} : memref<128x128xf32, #tpu.memory_space<vmem>>, vector<1x16xf32>,
      %broadcast_in_dim3A_156 = arith.constant 0.000000e+00 : f32
      %broadcast_in_dim3A_157 = vector.broadcast %broadcast_in_dim3A_156 : f32 to vector<16xf32>
      %swap3A_158 = arith.index_cast %scan3A_120 : i32 to index
      %swap3A_159 = arith.constant 80 : index
      %swap3A_160 = tpu.vector_load %arg9[%swap3A_158, %swap3A_159] {strides = array<i32>} : memref<128x128xf32, #tpu.memory_space<vmem>>, vector<1x16xf32>,
      %swap3A_161 = vector.shape_cast %swap3A_160 : vector<1x16xf32> to vector<16xf32>
      %swap3A_162 = vector.shape_cast %broadcast_in_dim3A_157 : vector<16xf32> to vector<1x16xf32>
      tpu.vector_store %arg9[%swap3A_158, %swap3A_159], %swap3A_162 {strides = array<i32>} : memref<128x128xf32, #tpu.memory_space<vmem>>, vector<1x16xf32>,
      %broadcast_in_dim3A_163 = arith.constant 0.000000e+00 : f32
      %broadcast_in_dim3A_164 = vector.broadcast %broadcast_in_dim3A_163 : f32 to vector<16xf32>
      %swap3A_165 = arith.index_cast %scan3A_120 : i32 to index
      %swap3A_166 = arith.constant 96 : index
      %swap3A_167 = tpu.vector_load %arg9[%swap3A_165, %swap3A_166] {strides = array<i32>} : memref<128x128xf32, #tpu.memory_space<vmem>>, vector<1x16xf32>,
      %swap3A_168 = vector.shape_cast %swap3A_167 : vector<1x16xf32> to vector<16xf32>
      %swap3A_169 = vector.shape_cast %broadcast_in_dim3A_164 : vector<16xf32> to vector<1x16xf32>
      tpu.vector_store %arg9[%swap3A_165, %swap3A_166], %swap3A_169 {strides = array<i32>} : memref<128x128xf32, #tpu.memory_space<vmem>>, vector<1x16xf32>,
      %broadcast_in_dim3A_170 = arith.constant 0.000000e+00 : f32
      %broadcast_in_dim3A_171 = vector.broadcast %broadcast_in_dim3A_170 : f32 to vector<16xf32>
      %swap3A_172 = arith.index_cast %scan3A_120 : i32 to index
      %swap3A_173 = arith.constant 112 : index
      %swap3A_174 = tpu.vector_load %arg9[%swap3A_172, %swap3A_173] {strides = array<i32>} : memref<128x128xf32, #tpu.memory_space<vmem>>, vector<1x16xf32>,
      %swap3A_175 = vector.shape_cast %swap3A_174 : vector<1x16xf32> to vector<16xf32>
      %swap3A_176 = vector.shape_cast %broadcast_in_dim3A_171 : vector<16xf32> to vector<1x16xf32>
      tpu.vector_store %arg9[%swap3A_172, %swap3A_173], %swap3A_176 {strides = array<i32>} : memref<128x128xf32, #tpu.memory_space<vmem>>, vector<1x16xf32>,
    }
    %scan3A_5 = arith.constant 128 : i32
    %mul3A_6 = arith.constant 640 : i32
    %mul3A_7 = arith.muli %arg1, %mul3A_6 : i32
    %add3A_8 = arith.constant 0 : i32
    %add3A_9 = arith.addi %mul3A_7, %add3A_8 : i32
    %multiple_of3A = tpu.assume_multiple %add3A_9, 128 : i32
    "tpu.region"() ({
      %run_scoped3A = tpu.sem_alloc : memref<!tpu.dma_semaphore, #tpu.memory_space<semaphore_mem>>
      %dma_start3A = arith.constant 0 : i32
      %dma_start3A_120 = tpu.memref_slice %arg7[%multiple_of3A, %dma_start3A] : memref<10240x128xf32, #tpu.memory_space<vmem_shared>> -> memref<128x128xf32, #tpu.memory_space<vmem_shared>>
      %dma_start3A_121 = arith.constant 0 : i32
      %dma_start3A_122 = tpu.memref_slice %arg7[%multiple_of3A, %dma_start3A_121] : memref<10240x128xf32, #tpu.memory_space<vmem_shared>> -> memref<128x128xf32, #tpu.memory_space<vmem_shared>>
      tpu.enqueue_dma source(%arg9 : memref<128x128xf32, #tpu.memory_space<vmem>>) target(%dma_start3A_122 : memref<128x128xf32, #tpu.memory_space<vmem_shared>>) target_semaphore(%run_scoped3A : memref<!tpu.dma_semaphore, #tpu.memory_space<semaphore_mem>>)
      %dma_wait3A = arith.constant 0 : i32
      %dma_wait3A_123 = tpu.memref_slice %arg7[%multiple_of3A, %dma_wait3A] : memref<10240x128xf32, #tpu.memory_space<vmem_shared>> -> memref<128x128xf32, #tpu.memory_space<vmem_shared>>
      %dma_wait3A_124 = arith.constant 0 : i32
      %dma_wait3A_125 = tpu.memref_slice %arg7[%multiple_of3A, %dma_wait3A_124] : memref<10240x128xf32, #tpu.memory_space<vmem_shared>> -> memref<128x128xf32, #tpu.memory_space<vmem_shared>>
      tpu.wait_dma2 semaphore(%run_scoped3A : memref<!tpu.dma_semaphore, #tpu.memory_space<semaphore_mem>>) src(%arg9 : memref<128x128xf32, #tpu.memory_space<vmem>>) dst(%dma_wait3A_125 : memref<128x128xf32, #tpu.memory_space<vmem_shared>>)
      tpu.yield
    }) : () -> ()
    %mul3A_10 = arith.constant 640 : i32
    %mul3A_11 = arith.muli %arg1, %mul3A_10 : i32
    %add3A_12 = arith.constant 128 : i32
    %add3A_13 = arith.addi %mul3A_11, %add3A_12 : i32
    %multiple_of3A_14 = tpu.assume_multiple %add3A_13, 128 : i32
    "tpu.region"() ({
      %run_scoped3A = tpu.sem_alloc : memref<!tpu.dma_semaphore, #tpu.memory_space<semaphore_mem>>
      %dma_start3A = arith.constant 0 : i32
      %dma_start3A_120 = tpu.memref_slice %arg7[%multiple_of3A_14, %dma_start3A] : memref<10240x128xf32, #tpu.memory_space<vmem_shared>> -> memref<128x128xf32, #tpu.memory_space<vmem_shared>>
      %dma_start3A_121 = arith.constant 0 : i32
      %dma_start3A_122 = tpu.memref_slice %arg7[%multiple_of3A_14, %dma_start3A_121] : memref<10240x128xf32, #tpu.memory_space<vmem_shared>> -> memref<128x128xf32, #tpu.memory_space<vmem_shared>>
      tpu.enqueue_dma source(%arg9 : memref<128x128xf32, #tpu.memory_space<vmem>>) target(%dma_start3A_122 : memref<128x128xf32, #tpu.memory_space<vmem_shared>>) target_semaphore(%run_scoped3A : memref<!tpu.dma_semaphore, #tpu.memory_space<semaphore_mem>>)
      %dma_wait3A = arith.constant 0 : i32
      %dma_wait3A_123 = tpu.memref_slice %arg7[%multiple_of3A_14, %dma_wait3A] : memref<10240x128xf32, #tpu.memory_space<vmem_shared>> -> memref<128x128xf32, #tpu.memory_space<vmem_shared>>
      %dma_wait3A_124 = arith.constant 0 : i32
      %dma_wait3A_125 = tpu.memref_slice %arg7[%multiple_of3A_14, %dma_wait3A_124] : memref<10240x128xf32, #tpu.memory_space<vmem_shared>> -> memref<128x128xf32, #tpu.memory_space<vmem_shared>>
      tpu.wait_dma2 semaphore(%run_scoped3A : memref<!tpu.dma_semaphore, #tpu.memory_space<semaphore_mem>>) src(%arg9 : memref<128x128xf32, #tpu.memory_space<vmem>>) dst(%dma_wait3A_125 : memref<128x128xf32, #tpu.memory_space<vmem_shared>>)
      tpu.yield
    }) : () -> ()
    %mul3A_15 = arith.constant 640 : i32
    %mul3A_16 = arith.muli %arg1, %mul3A_15 : i32
    %add3A_17 = arith.constant 256 : i32
    %add3A_18 = arith.addi %mul3A_16, %add3A_17 : i32
    %multiple_of3A_19 = tpu.assume_multiple %add3A_18, 128 : i32
    "tpu.region"() ({
      %run_scoped3A = tpu.sem_alloc : memref<!tpu.dma_semaphore, #tpu.memory_space<semaphore_mem>>
      %dma_start3A = arith.constant 0 : i32
      %dma_start3A_120 = tpu.memref_slice %arg7[%multiple_of3A_19, %dma_start3A] : memref<10240x128xf32, #tpu.memory_space<vmem_shared>> -> memref<128x128xf32, #tpu.memory_space<vmem_shared>>
      %dma_start3A_121 = arith.constant 0 : i32
      %dma_start3A_122 = tpu.memref_slice %arg7[%multiple_of3A_19, %dma_start3A_121] : memref<10240x128xf32, #tpu.memory_space<vmem_shared>> -> memref<128x128xf32, #tpu.memory_space<vmem_shared>>
      tpu.enqueue_dma source(%arg9 : memref<128x128xf32, #tpu.memory_space<vmem>>) target(%dma_start3A_122 : memref<128x128xf32, #tpu.memory_space<vmem_shared>>) target_semaphore(%run_scoped3A : memref<!tpu.dma_semaphore, #tpu.memory_space<semaphore_mem>>)
      %dma_wait3A = arith.constant 0 : i32
      %dma_wait3A_123 = tpu.memref_slice %arg7[%multiple_of3A_19, %dma_wait3A] : memref<10240x128xf32, #tpu.memory_space<vmem_shared>> -> memref<128x128xf32, #tpu.memory_space<vmem_shared>>
      %dma_wait3A_124 = arith.constant 0 : i32
      %dma_wait3A_125 = tpu.memref_slice %arg7[%multiple_of3A_19, %dma_wait3A_124] : memref<10240x128xf32, #tpu.memory_space<vmem_shared>> -> memref<128x128xf32, #tpu.memory_space<vmem_shared>>
      tpu.wait_dma2 semaphore(%run_scoped3A : memref<!tpu.dma_semaphore, #tpu.memory_space<semaphore_mem>>) src(%arg9 : memref<128x128xf32, #tpu.memory_space<vmem>>) dst(%dma_wait3A_125 : memref<128x128xf32, #tpu.memory_space<vmem_shared>>)
      tpu.yield
    }) : () -> ()
    %mul3A_20 = arith.constant 640 : i32
    %mul3A_21 = arith.muli %arg1, %mul3A_20 : i32
    %add3A_22 = arith.constant 384 : i32
    %add3A_23 = arith.addi %mul3A_21, %add3A_22 : i32
    %multiple_of3A_24 = tpu.assume_multiple %add3A_23, 128 : i32
    "tpu.region"() ({
      %run_scoped3A = tpu.sem_alloc : memref<!tpu.dma_semaphore, #tpu.memory_space<semaphore_mem>>
      %dma_start3A = arith.constant 0 : i32
      %dma_start3A_120 = tpu.memref_slice %arg7[%multiple_of3A_24, %dma_start3A] : memref<10240x128xf32, #tpu.memory_space<vmem_shared>> -> memref<128x128xf32, #tpu.memory_space<vmem_shared>>
      %dma_start3A_121 = arith.constant 0 : i32
      %dma_start3A_122 = tpu.memref_slice %arg7[%multiple_of3A_24, %dma_start3A_121] : memref<10240x128xf32, #tpu.memory_space<vmem_shared>> -> memref<128x128xf32, #tpu.memory_space<vmem_shared>>
      tpu.enqueue_dma source(%arg9 : memref<128x128xf32, #tpu.memory_space<vmem>>) target(%dma_start3A_122 : memref<128x128xf32, #tpu.memory_space<vmem_shared>>) target_semaphore(%run_scoped3A : memref<!tpu.dma_semaphore, #tpu.memory_space<semaphore_mem>>)
      %dma_wait3A = arith.constant 0 : i32
      %dma_wait3A_123 = tpu.memref_slice %arg7[%multiple_of3A_24, %dma_wait3A] : memref<10240x128xf32, #tpu.memory_space<vmem_shared>> -> memref<128x128xf32, #tpu.memory_space<vmem_shared>>
      %dma_wait3A_124 = arith.constant 0 : i32
      %dma_wait3A_125 = tpu.memref_slice %arg7[%multiple_of3A_24, %dma_wait3A_124] : memref<10240x128xf32, #tpu.memory_space<vmem_shared>> -> memref<128x128xf32, #tpu.memory_space<vmem_shared>>
      tpu.wait_dma2 semaphore(%run_scoped3A : memref<!tpu.dma_semaphore, #tpu.memory_space<semaphore_mem>>) src(%arg9 : memref<128x128xf32, #tpu.memory_space<vmem>>) dst(%dma_wait3A_125 : memref<128x128xf32, #tpu.memory_space<vmem_shared>>)
      tpu.yield
    }) : () -> ()
    %mul3A_25 = arith.constant 640 : i32
    %mul3A_26 = arith.muli %arg1, %mul3A_25 : i32
    %add3A_27 = arith.constant 512 : i32
    %add3A_28 = arith.addi %mul3A_26, %add3A_27 : i32
    %multiple_of3A_29 = tpu.assume_multiple %add3A_28, 128 : i32
    "tpu.region"() ({
      %run_scoped3A = tpu.sem_alloc : memref<!tpu.dma_semaphore, #tpu.memory_space<semaphore_mem>>
      %dma_start3A = arith.constant 0 : i32
      %dma_start3A_120 = tpu.memref_slice %arg7[%multiple_of3A_29, %dma_start3A] : memref<10240x128xf32, #tpu.memory_space<vmem_shared>> -> memref<128x128xf32, #tpu.memory_space<vmem_shared>>
      %dma_start3A_121 = arith.constant 0 : i32
      %dma_start3A_122 = tpu.memref_slice %arg7[%multiple_of3A_29, %dma_start3A_121] : memref<10240x128xf32, #tpu.memory_space<vmem_shared>> -> memref<128x128xf32, #tpu.memory_space<vmem_shared>>
      tpu.enqueue_dma source(%arg9 : memref<128x128xf32, #tpu.memory_space<vmem>>) target(%dma_start3A_122 : memref<128x128xf32, #tpu.memory_space<vmem_shared>>) target_semaphore(%run_scoped3A : memref<!tpu.dma_semaphore, #tpu.memory_space<semaphore_mem>>)
      %dma_wait3A = arith.constant 0 : i32
      %dma_wait3A_123 = tpu.memref_slice %arg7[%multiple_of3A_29, %dma_wait3A] : memref<10240x128xf32, #tpu.memory_space<vmem_shared>> -> memref<128x128xf32, #tpu.memory_space<vmem_shared>>
      %dma_wait3A_124 = arith.constant 0 : i32
      %dma_wait3A_125 = tpu.memref_slice %arg7[%multiple_of3A_29, %dma_wait3A_124] : memref<10240x128xf32, #tpu.memory_space<vmem_shared>> -> memref<128x128xf32, #tpu.memory_space<vmem_shared>>
      tpu.wait_dma2 semaphore(%run_scoped3A : memref<!tpu.dma_semaphore, #tpu.memory_space<semaphore_mem>>) src(%arg9 : memref<128x128xf32, #tpu.memory_space<vmem>>) dst(%dma_wait3A_125 : memref<128x128xf32, #tpu.memory_space<vmem_shared>>)
      tpu.yield
    }) : () -> ()
    %scan3A_30 = arith.constant 0 : i32
    %scan3A_31 = arith.constant 0 : i32
    %scan3A_32 = arith.constant 40 : i32
    %scan3A_33 = arith.addi %scan3A_31, %scan3A_32 : i32
    %scan3A_34 = arith.constant 1 : i32
    scf.for %scan3A_120 = %scan3A_31 to %scan3A_33 step %scan3A_34  : i32 {
      %broadcast_in_dim3A_121 = arith.constant 0.000000e+00 : f32
      %broadcast_in_dim3A_122 = vector.broadcast %broadcast_in_dim3A_121 : f32 to vector<16xf32>
      %mul3A_123 = arith.constant 16 : i32
      %mul3A_124 = arith.muli %scan3A_120, %mul3A_123 : i32
      %swap3A_125 = arith.index_cast %mul3A_124 : i32 to index
      %swap3A_126 = tpu.vector_load %arg14[%swap3A_125] {strides = array<i32>} : memref<640xf32, #tpu.memory_space<vmem>>, vector<16xf32>,
      %swap3A_127 = vector.shape_cast %swap3A_126 : vector<16xf32> to vector<16xf32>
      %swap3A_128 = vector.shape_cast %broadcast_in_dim3A_122 : vector<16xf32> to vector<16xf32>
      tpu.vector_store %arg14[%swap3A_125], %swap3A_128 {strides = array<i32>} : memref<640xf32, #tpu.memory_space<vmem>>, vector<16xf32>,
    }
    %scan3A_35 = arith.constant 40 : i32
    %broadcast_in_dim3A = arith.constant 1.000000e+00 : f32
    %broadcast_in_dim3A_36 = vector.broadcast %broadcast_in_dim3A : f32 to vector<16xf32>
    %swap3A = arith.constant 0 : index
    %swap3A_37 = tpu.vector_load %arg13[%swap3A] {strides = array<i32>} : memref<128xf32, #tpu.memory_space<vmem>>, vector<16xf32>,
    %swap3A_38 = vector.shape_cast %swap3A_37 : vector<16xf32> to vector<16xf32>
    %swap3A_39 = vector.shape_cast %broadcast_in_dim3A_36 : vector<16xf32> to vector<16xf32>
    tpu.vector_store %arg13[%swap3A], %swap3A_39 {strides = array<i32>} : memref<128xf32, #tpu.memory_space<vmem>>, vector<16xf32>,
    %broadcast_in_dim3A_40 = arith.constant 1.000000e+00 : f32
    %broadcast_in_dim3A_41 = vector.broadcast %broadcast_in_dim3A_40 : f32 to vector<16xf32>
    %swap3A_42 = arith.constant 16 : index
    %swap3A_43 = tpu.vector_load %arg13[%swap3A_42] {strides = array<i32>} : memref<128xf32, #tpu.memory_space<vmem>>, vector<16xf32>,
    %swap3A_44 = vector.shape_cast %swap3A_43 : vector<16xf32> to vector<16xf32>
    %swap3A_45 = vector.shape_cast %broadcast_in_dim3A_41 : vector<16xf32> to vector<16xf32>
    tpu.vector_store %arg13[%swap3A_42], %swap3A_45 {strides = array<i32>} : memref<128xf32, #tpu.memory_space<vmem>>, vector<16xf32>,
    %broadcast_in_dim3A_46 = arith.constant 1.000000e+00 : f32
    %broadcast_in_dim3A_47 = vector.broadcast %broadcast_in_dim3A_46 : f32 to vector<16xf32>
    %swap3A_48 = arith.constant 32 : index
    %swap3A_49 = tpu.vector_load %arg13[%swap3A_48] {strides = array<i32>} : memref<128xf32, #tpu.memory_space<vmem>>, vector<16xf32>,
    %swap3A_50 = vector.shape_cast %swap3A_49 : vector<16xf32> to vector<16xf32>
    %swap3A_51 = vector.shape_cast %broadcast_in_dim3A_47 : vector<16xf32> to vector<16xf32>
    tpu.vector_store %arg13[%swap3A_48], %swap3A_51 {strides = array<i32>} : memref<128xf32, #tpu.memory_space<vmem>>, vector<16xf32>,
    %broadcast_in_dim3A_52 = arith.constant 1.000000e+00 : f32
    %broadcast_in_dim3A_53 = vector.broadcast %broadcast_in_dim3A_52 : f32 to vector<16xf32>
    %swap3A_54 = arith.constant 48 : index
    %swap3A_55 = tpu.vector_load %arg13[%swap3A_54] {strides = array<i32>} : memref<128xf32, #tpu.memory_space<vmem>>, vector<16xf32>,
    %swap3A_56 = vector.shape_cast %swap3A_55 : vector<16xf32> to vector<16xf32>
    %swap3A_57 = vector.shape_cast %broadcast_in_dim3A_53 : vector<16xf32> to vector<16xf32>
    tpu.vector_store %arg13[%swap3A_54], %swap3A_57 {strides = array<i32>} : memref<128xf32, #tpu.memory_space<vmem>>, vector<16xf32>,
    %broadcast_in_dim3A_58 = arith.constant 1.000000e+00 : f32
    %broadcast_in_dim3A_59 = vector.broadcast %broadcast_in_dim3A_58 : f32 to vector<16xf32>
    %swap3A_60 = arith.constant 64 : index
    %swap3A_61 = tpu.vector_load %arg13[%swap3A_60] {strides = array<i32>} : memref<128xf32, #tpu.memory_space<vmem>>, vector<16xf32>,
    %swap3A_62 = vector.shape_cast %swap3A_61 : vector<16xf32> to vector<16xf32>
    %swap3A_63 = vector.shape_cast %broadcast_in_dim3A_59 : vector<16xf32> to vector<16xf32>
    tpu.vector_store %arg13[%swap3A_60], %swap3A_63 {strides = array<i32>} : memref<128xf32, #tpu.memory_space<vmem>>, vector<16xf32>,
    %broadcast_in_dim3A_64 = arith.constant 1.000000e+00 : f32
    %broadcast_in_dim3A_65 = vector.broadcast %broadcast_in_dim3A_64 : f32 to vector<16xf32>
    %swap3A_66 = arith.constant 80 : index
    %swap3A_67 = tpu.vector_load %arg13[%swap3A_66] {strides = array<i32>} : memref<128xf32, #tpu.memory_space<vmem>>, vector<16xf32>,
    %swap3A_68 = vector.shape_cast %swap3A_67 : vector<16xf32> to vector<16xf32>
    %swap3A_69 = vector.shape_cast %broadcast_in_dim3A_65 : vector<16xf32> to vector<16xf32>
    tpu.vector_store %arg13[%swap3A_66], %swap3A_69 {strides = array<i32>} : memref<128xf32, #tpu.memory_space<vmem>>, vector<16xf32>,
    %broadcast_in_dim3A_70 = arith.constant 1.000000e+00 : f32
    %broadcast_in_dim3A_71 = vector.broadcast %broadcast_in_dim3A_70 : f32 to vector<16xf32>
    %swap3A_72 = arith.constant 96 : index
    %swap3A_73 = tpu.vector_load %arg13[%swap3A_72] {strides = array<i32>} : memref<128xf32, #tpu.memory_space<vmem>>, vector<16xf32>,
    %swap3A_74 = vector.shape_cast %swap3A_73 : vector<16xf32> to vector<16xf32>
    %swap3A_75 = vector.shape_cast %broadcast_in_dim3A_71 : vector<16xf32> to vector<16xf32>
    tpu.vector_store %arg13[%swap3A_72], %swap3A_75 {strides = array<i32>} : memref<128xf32, #tpu.memory_space<vmem>>, vector<16xf32>,
    %broadcast_in_dim3A_76 = arith.constant 1.000000e+00 : f32
    %broadcast_in_dim3A_77 = vector.broadcast %broadcast_in_dim3A_76 : f32 to vector<16xf32>
    %swap3A_78 = arith.constant 112 : index
    %swap3A_79 = tpu.vector_load %arg13[%swap3A_78] {strides = array<i32>} : memref<128xf32, #tpu.memory_space<vmem>>, vector<16xf32>,
    %swap3A_80 = vector.shape_cast %swap3A_79 : vector<16xf32> to vector<16xf32>
    %swap3A_81 = vector.shape_cast %broadcast_in_dim3A_77 : vector<16xf32> to vector<16xf32>
    tpu.vector_store %arg13[%swap3A_78], %swap3A_81 {strides = array<i32>} : memref<128xf32, #tpu.memory_space<vmem>>, vector<16xf32>,
    %mul3A_82 = arith.constant 640 : i32
    %mul3A_83 = arith.muli %arg1, %mul3A_82 : i32
    %multiple_of3A_84 = tpu.assume_multiple %mul3A_83, 640 : i32
    "tpu.region"() ({
      %run_scoped3A = tpu.sem_alloc : memref<!tpu.dma_semaphore, #tpu.memory_space<semaphore_mem>>
      %dma_start3A = tpu.memref_slice %arg8[%multiple_of3A_84] : memref<10240xf32, #tpu.memory_space<vmem_shared>> -> memref<640xf32, #tpu.memory_space<vmem_shared>>
      %dma_start3A_120 = tpu.memref_slice %arg8[%multiple_of3A_84] : memref<10240xf32, #tpu.memory_space<vmem_shared>> -> memref<640xf32, #tpu.memory_space<vmem_shared>>
      tpu.enqueue_dma source(%arg14 : memref<640xf32, #tpu.memory_space<vmem>>) target(%dma_start3A_120 : memref<640xf32, #tpu.memory_space<vmem_shared>>) target_semaphore(%run_scoped3A : memref<!tpu.dma_semaphore, #tpu.memory_space<semaphore_mem>>)
      %dma_wait3A = tpu.memref_slice %arg8[%multiple_of3A_84] : memref<10240xf32, #tpu.memory_space<vmem_shared>> -> memref<640xf32, #tpu.memory_space<vmem_shared>>
      %dma_wait3A_121 = tpu.memref_slice %arg8[%multiple_of3A_84] : memref<10240xf32, #tpu.memory_space<vmem_shared>> -> memref<640xf32, #tpu.memory_space<vmem_shared>>
      tpu.wait_dma2 semaphore(%run_scoped3A : memref<!tpu.dma_semaphore, #tpu.memory_space<semaphore_mem>>) src(%arg14 : memref<640xf32, #tpu.memory_space<vmem>>) dst(%dma_wait3A_121 : memref<640xf32, #tpu.memory_space<vmem_shared>>)
      tpu.yield
    }) : () -> ()
    %barrier3A = arith.constant 0 : index
    tpu.barrier barrier_id(%barrier3A)
    %scan3A_85 = arith.constant 0 : i32
    %scan3A_86 = arith.constant 0 : i32
    %scan3A_87 = arith.constant 79 : i32
    %scan3A_88 = arith.addi %scan3A_86, %scan3A_87 : i32
    %scan3A_89 = arith.constant 1 : i32
    scf.for %scan3A_120 = %scan3A_86 to %scan3A_88 step %scan3A_89  : i32 {
      %mul3A_121 = arith.constant 10112 : i32
      %mul3A_122 = arith.muli %add3A, %mul3A_121 : i32
      %mul3A_123 = arith.constant 128 : i32
      %mul3A_124 = arith.muli %scan3A_120, %mul3A_123 : i32
      %add3A_125 = arith.addi %mul3A_122, %mul3A_124 : i32
      %multiple_of3A_126 = tpu.assume_multiple %add3A_125, 128 : i32
      "tpu.region"() ({
        %run_scoped3A = tpu.sem_alloc : memref<!tpu.dma_semaphore, #tpu.memory_space<semaphore_mem>>
        %dma_start3A_131 = tpu.memref_slice %arg3[%multiple_of3A_126] : memref<323584xi32, #tpu.memory_space<hbm>> -> memref<128xi32, #tpu.memory_space<hbm>>
        %dma_start3A_132 = tpu.memref_slice %arg3[%multiple_of3A_126] : memref<323584xi32, #tpu.memory_space<hbm>> -> memref<128xi32, #tpu.memory_space<hbm>>
        tpu.enqueue_dma source(%dma_start3A_132 : memref<128xi32, #tpu.memory_space<hbm>>) target(%arg10 : memref<128xi32, #tpu.memory_space<vmem>>) target_semaphore(%run_scoped3A : memref<!tpu.dma_semaphore, #tpu.memory_space<semaphore_mem>>)
        %dma_wait3A_133 = tpu.memref_slice %arg3[%multiple_of3A_126] : memref<323584xi32, #tpu.memory_space<hbm>> -> memref<128xi32, #tpu.memory_space<hbm>>
        %dma_wait3A_134 = tpu.memref_slice %arg3[%multiple_of3A_126] : memref<323584xi32, #tpu.memory_space<hbm>> -> memref<128xi32, #tpu.memory_space<hbm>>
        tpu.wait_dma2 semaphore(%run_scoped3A : memref<!tpu.dma_semaphore, #tpu.memory_space<semaphore_mem>>) src(%dma_wait3A_134 : memref<128xi32, #tpu.memory_space<hbm>>) dst(%arg10 : memref<128xi32, #tpu.memory_space<vmem>>)
        tpu.yield
      }) : () -> ()
      "tpu.region"() ({
        %run_scoped3A = tpu.sem_alloc : memref<!tpu.dma_semaphore, #tpu.memory_space<semaphore_mem>>
        %dma_start3A_131 = tpu.memref_slice %arg4[%multiple_of3A_126] : memref<323584xi32, #tpu.memory_space<hbm>> -> memref<128xi32, #tpu.memory_space<hbm>>
        %dma_start3A_132 = tpu.memref_slice %arg4[%multiple_of3A_126] : memref<323584xi32, #tpu.memory_space<hbm>> -> memref<128xi32, #tpu.memory_space<hbm>>
        tpu.enqueue_dma source(%dma_start3A_132 : memref<128xi32, #tpu.memory_space<hbm>>) target(%arg11 : memref<128xi32, #tpu.memory_space<vmem>>) target_semaphore(%run_scoped3A : memref<!tpu.dma_semaphore, #tpu.memory_space<semaphore_mem>>)
        %dma_wait3A_133 = tpu.memref_slice %arg4[%multiple_of3A_126] : memref<323584xi32, #tpu.memory_space<hbm>> -> memref<128xi32, #tpu.memory_space<hbm>>
        %dma_wait3A_134 = tpu.memref_slice %arg4[%multiple_of3A_126] : memref<323584xi32, #tpu.memory_space<hbm>> -> memref<128xi32, #tpu.memory_space<hbm>>
        tpu.wait_dma2 semaphore(%run_scoped3A : memref<!tpu.dma_semaphore, #tpu.memory_space<semaphore_mem>>) src(%dma_wait3A_134 : memref<128xi32, #tpu.memory_space<hbm>>) dst(%arg11 : memref<128xi32, #tpu.memory_space<vmem>>)
        tpu.yield
      }) : () -> ()
      %dma_start3A = arith.constant 0 : i32
      %dma_start3A_127 = arith.constant 0 : i32
      %dma_start3A_128 = tpu.memref_slice %arg2[%dma_start3A, %dma_start3A_127] : memref<10000x128xf32, #tpu.memory_space<hbm>> -> memref<10000x128xf32, #tpu.memory_space<hbm>>
      tpu.enqueue_indirect_dma source(%dma_start3A_128 : memref<10000x128xf32, #tpu.memory_space<hbm>>) target(%arg12 : memref<128x128xf32, #tpu.memory_space<vmem>>) offsets(%arg10 : memref<128xi32, #tpu.memory_space<vmem>>) semaphore(%arg15 : memref<!tpu.dma_semaphore, #tpu.memory_space<semaphore_mem>>)
      %dma_wait3A = arith.constant 0 : i32
      %dma_wait3A_129 = arith.constant 0 : i32
      %dma_wait3A_130 = tpu.memref_slice %arg2[%dma_wait3A, %dma_wait3A_129] : memref<10000x128xf32, #tpu.memory_space<hbm>> -> memref<10000x128xf32, #tpu.memory_space<hbm>>
      tpu.wait_indirect_dma semaphore(%arg15 : memref<!tpu.dma_semaphore, #tpu.memory_space<semaphore_mem>>) src(%dma_wait3A_130 : memref<10000x128xf32, #tpu.memory_space<hbm>>) dst(%arg12 : memref<128x128xf32, #tpu.memory_space<vmem>>)
      "tpu.region"() ({
        %run_scoped3A = tpu.sem_alloc : memref<!tpu.dma_semaphore, #tpu.memory_space<semaphore_mem>>
        %dma_start3A_131 = arith.constant 0 : i32
        %dma_start3A_132 = arith.constant 0 : i32
        %dma_start3A_133 = tpu.memref_slice %arg7[%dma_start3A_131, %dma_start3A_132] : memref<10240x128xf32, #tpu.memory_space<vmem_shared>> -> memref<10240x128xf32, #tpu.memory_space<vmem_shared>>
        tpu.enqueue_indirect_dma source(%arg12 : memref<128x128xf32, #tpu.memory_space<vmem>>) target(%dma_start3A_133 : memref<10240x128xf32, #tpu.memory_space<vmem_shared>>) offsets(%arg11 : memref<128xi32, #tpu.memory_space<vmem>>) semaphore(%run_scoped3A : memref<!tpu.dma_semaphore, #tpu.memory_space<semaphore_mem>>) {add = true}
        %dma_wait3A_134 = arith.constant 0 : i32
        %dma_wait3A_135 = arith.constant 0 : i32
        %dma_wait3A_136 = tpu.memref_slice %arg7[%dma_wait3A_134, %dma_wait3A_135] : memref<10240x128xf32, #tpu.memory_space<vmem_shared>> -> memref<10240x128xf32, #tpu.memory_space<vmem_shared>>
        tpu.wait_indirect_dma semaphore(%run_scoped3A : memref<!tpu.dma_semaphore, #tpu.memory_space<semaphore_mem>>) src(%arg12 : memref<128x128xf32, #tpu.memory_space<vmem>>) dst(%dma_wait3A_136 : memref<10240x128xf32, #tpu.memory_space<vmem_shared>>)
        tpu.yield
      }) : () -> ()
      "tpu.region"() ({
        %run_scoped3A = tpu.sem_alloc : memref<!tpu.dma_semaphore, #tpu.memory_space<semaphore_mem>>
        %dma_start3A_131 = arith.constant 0 : i32
        %dma_start3A_132 = tpu.memref_slice %arg8[%dma_start3A_131] : memref<10240xf32, #tpu.memory_space<vmem_shared>> -> memref<10240xf32, #tpu.memory_space<vmem_shared>>
        tpu.enqueue_indirect_dma source(%arg13 : memref<128xf32, #tpu.memory_space<vmem>>) target(%dma_start3A_132 : memref<10240xf32, #tpu.memory_space<vmem_shared>>) offsets(%arg11 : memref<128xi32, #tpu.memory_space<vmem>>) semaphore(%run_scoped3A : memref<!tpu.dma_semaphore, #tpu.memory_space<semaphore_mem>>) {add = true}
        %dma_wait3A_133 = arith.constant 0 : i32
        %dma_wait3A_134 = tpu.memref_slice %arg8[%dma_wait3A_133] : memref<10240xf32, #tpu.memory_space<vmem_shared>> -> memref<10240xf32, #tpu.memory_space<vmem_shared>>
        tpu.wait_indirect_dma semaphore(%run_scoped3A : memref<!tpu.dma_semaphore, #tpu.memory_space<semaphore_mem>>) src(%arg13 : memref<128xf32, #tpu.memory_space<vmem>>) dst(%dma_wait3A_134 : memref<10240xf32, #tpu.memory_space<vmem_shared>>)
        tpu.yield
      }) : () -> ()
    }
    %scan3A_90 = arith.constant 79 : i32
    %barrier3A_91 = arith.constant 0 : index
    tpu.barrier barrier_id(%barrier3A_91)
    %mul3A_92 = arith.constant 640 : i32
    %mul3A_93 = arith.muli %arg1, %mul3A_92 : i32
    %add3A_94 = arith.constant 0 : i32
    %add3A_95 = arith.addi %mul3A_93, %add3A_94 : i32
    %multiple_of3A_96 = tpu.assume_multiple %add3A_95, 128 : i32
    "tpu.region"() ({
      %run_scoped3A = tpu.sem_alloc : memref<!tpu.dma_semaphore, #tpu.memory_space<semaphore_mem>>
      %dma_start3A = arith.constant 0 : i32
      %dma_start3A_120 = tpu.memref_slice %arg7[%multiple_of3A_96, %dma_start3A] : memref<10240x128xf32, #tpu.memory_space<vmem_shared>> -> memref<128x128xf32, #tpu.memory_space<vmem_shared>>
      %dma_start3A_121 = arith.constant 0 : i32
      %dma_start3A_122 = tpu.memref_slice %arg7[%multiple_of3A_96, %dma_start3A_121] : memref<10240x128xf32, #tpu.memory_space<vmem_shared>> -> memref<128x128xf32, #tpu.memory_space<vmem_shared>>
      tpu.enqueue_dma source(%dma_start3A_122 : memref<128x128xf32, #tpu.memory_space<vmem_shared>>) target(%arg12 : memref<128x128xf32, #tpu.memory_space<vmem>>) target_semaphore(%run_scoped3A : memref<!tpu.dma_semaphore, #tpu.memory_space<semaphore_mem>>)
      %dma_wait3A = arith.constant 0 : i32
      %dma_wait3A_123 = tpu.memref_slice %arg7[%multiple_of3A_96, %dma_wait3A] : memref<10240x128xf32, #tpu.memory_space<vmem_shared>> -> memref<128x128xf32, #tpu.memory_space<vmem_shared>>
      %dma_wait3A_124 = arith.constant 0 : i32
      %dma_wait3A_125 = tpu.memref_slice %arg7[%multiple_of3A_96, %dma_wait3A_124] : memref<10240x128xf32, #tpu.memory_space<vmem_shared>> -> memref<128x128xf32, #tpu.memory_space<vmem_shared>>
      tpu.wait_dma2 semaphore(%run_scoped3A : memref<!tpu.dma_semaphore, #tpu.memory_space<semaphore_mem>>) src(%dma_wait3A_125 : memref<128x128xf32, #tpu.memory_space<vmem_shared>>) dst(%arg12 : memref<128x128xf32, #tpu.memory_space<vmem>>)
      tpu.yield
    }) : () -> ()
    "tpu.region"() ({
      %run_scoped3A = tpu.sem_alloc : memref<!tpu.dma_semaphore, #tpu.memory_space<semaphore_mem>>
      %dma_start3A = arith.constant 0 : i32
      %dma_start3A_120 = tpu.memref_slice %arg5[%arg0, %multiple_of3A_96, %dma_start3A] : memref<2x10240x128xf32, #tpu.memory_space<hbm>> -> memref<1x128x128xf32, #tpu.memory_space<hbm>>
      %dma_start3A_121 = tpu.memref_squeeze %dma_start3A_120 : memref<1x128x128xf32, #tpu.memory_space<hbm>> -> memref<128x128xf32, #tpu.memory_space<hbm>>
      %dma_start3A_122 = arith.constant 0 : i32
      %dma_start3A_123 = tpu.memref_slice %arg5[%arg0, %multiple_of3A_96, %dma_start3A_122] : memref<2x10240x128xf32, #tpu.memory_space<hbm>> -> memref<1x128x128xf32, #tpu.memory_space<hbm>>
      %dma_start3A_124 = tpu.memref_squeeze %dma_start3A_123 : memref<1x128x128xf32, #tpu.memory_space<hbm>> -> memref<128x128xf32, #tpu.memory_space<hbm>>
      tpu.enqueue_dma source(%arg12 : memref<128x128xf32, #tpu.memory_space<vmem>>) target(%dma_start3A_124 : memref<128x128xf32, #tpu.memory_space<hbm>>) target_semaphore(%run_scoped3A : memref<!tpu.dma_semaphore, #tpu.memory_space<semaphore_mem>>)
      %dma_wait3A = arith.constant 0 : i32
      %dma_wait3A_125 = tpu.memref_slice %arg5[%arg0, %multiple_of3A_96, %dma_wait3A] : memref<2x10240x128xf32, #tpu.memory_space<hbm>> -> memref<1x128x128xf32, #tpu.memory_space<hbm>>
      %dma_wait3A_126 = tpu.memref_squeeze %dma_wait3A_125 : memref<1x128x128xf32, #tpu.memory_space<hbm>> -> memref<128x128xf32, #tpu.memory_space<hbm>>
      %dma_wait3A_127 = arith.constant 0 : i32
      %dma_wait3A_128 = tpu.memref_slice %arg5[%arg0, %multiple_of3A_96, %dma_wait3A_127] : memref<2x10240x128xf32, #tpu.memory_space<hbm>> -> memref<1x128x128xf32, #tpu.memory_space<hbm>>
      %dma_wait3A_129 = tpu.memref_squeeze %dma_wait3A_128 : memref<1x128x128xf32, #tpu.memory_space<hbm>> -> memref<128x128xf32, #tpu.memory_space<hbm>>
      tpu.wait_dma2 semaphore(%run_scoped3A : memref<!tpu.dma_semaphore, #tpu.memory_space<semaphore_mem>>) src(%arg12 : memref<128x128xf32, #tpu.memory_space<vmem>>) dst(%dma_wait3A_129 : memref<128x128xf32, #tpu.memory_space<hbm>>)
      tpu.yield
    }) : () -> ()
    %mul3A_97 = arith.constant 640 : i32
    %mul3A_98 = arith.muli %arg1, %mul3A_97 : i32
    %add3A_99 = arith.constant 128 : i32
    %add3A_100 = arith.addi %mul3A_98, %add3A_99 : i32
    %multiple_of3A_101 = tpu.assume_multiple %add3A_100, 128 : i32
    "tpu.region"() ({
      %run_scoped3A = tpu.sem_alloc : memref<!tpu.dma_semaphore, #tpu.memory_space<semaphore_mem>>
      %dma_start3A = arith.constant 0 : i32
      %dma_start3A_120 = tpu.memref_slice %arg7[%multiple_of3A_101, %dma_start3A] : memref<10240x128xf32, #tpu.memory_space<vmem_shared>> -> memref<128x128xf32, #tpu.memory_space<vmem_shared>>
      %dma_start3A_121 = arith.constant 0 : i32
      %dma_start3A_122 = tpu.memref_slice %arg7[%multiple_of3A_101, %dma_start3A_121] : memref<10240x128xf32, #tpu.memory_space<vmem_shared>> -> memref<128x128xf32, #tpu.memory_space<vmem_shared>>
      tpu.enqueue_dma source(%dma_start3A_122 : memref<128x128xf32, #tpu.memory_space<vmem_shared>>) target(%arg12 : memref<128x128xf32, #tpu.memory_space<vmem>>) target_semaphore(%run_scoped3A : memref<!tpu.dma_semaphore, #tpu.memory_space<semaphore_mem>>)
      %dma_wait3A = arith.constant 0 : i32
      %dma_wait3A_123 = tpu.memref_slice %arg7[%multiple_of3A_101, %dma_wait3A] : memref<10240x128xf32, #tpu.memory_space<vmem_shared>> -> memref<128x128xf32, #tpu.memory_space<vmem_shared>>
      %dma_wait3A_124 = arith.constant 0 : i32
      %dma_wait3A_125 = tpu.memref_slice %arg7[%multiple_of3A_101, %dma_wait3A_124] : memref<10240x128xf32, #tpu.memory_space<vmem_shared>> -> memref<128x128xf32, #tpu.memory_space<vmem_shared>>
      tpu.wait_dma2 semaphore(%run_scoped3A : memref<!tpu.dma_semaphore, #tpu.memory_space<semaphore_mem>>) src(%dma_wait3A_125 : memref<128x128xf32, #tpu.memory_space<vmem_shared>>) dst(%arg12 : memref<128x128xf32, #tpu.memory_space<vmem>>)
      tpu.yield
    }) : () -> ()
    "tpu.region"() ({
      %run_scoped3A = tpu.sem_alloc : memref<!tpu.dma_semaphore, #tpu.memory_space<semaphore_mem>>
      %dma_start3A = arith.constant 0 : i32
      %dma_start3A_120 = tpu.memref_slice %arg5[%arg0, %multiple_of3A_101, %dma_start3A] : memref<2x10240x128xf32, #tpu.memory_space<hbm>> -> memref<1x128x128xf32, #tpu.memory_space<hbm>>
      %dma_start3A_121 = tpu.memref_squeeze %dma_start3A_120 : memref<1x128x128xf32, #tpu.memory_space<hbm>> -> memref<128x128xf32, #tpu.memory_space<hbm>>
      %dma_start3A_122 = arith.constant 0 : i32
      %dma_start3A_123 = tpu.memref_slice %arg5[%arg0, %multiple_of3A_101, %dma_start3A_122] : memref<2x10240x128xf32, #tpu.memory_space<hbm>> -> memref<1x128x128xf32, #tpu.memory_space<hbm>>
      %dma_start3A_124 = tpu.memref_squeeze %dma_start3A_123 : memref<1x128x128xf32, #tpu.memory_space<hbm>> -> memref<128x128xf32, #tpu.memory_space<hbm>>
      tpu.enqueue_dma source(%arg12 : memref<128x128xf32, #tpu.memory_space<vmem>>) target(%dma_start3A_124 : memref<128x128xf32, #tpu.memory_space<hbm>>) target_semaphore(%run_scoped3A : memref<!tpu.dma_semaphore, #tpu.memory_space<semaphore_mem>>)
      %dma_wait3A = arith.constant 0 : i32
      %dma_wait3A_125 = tpu.memref_slice %arg5[%arg0, %multiple_of3A_101, %dma_wait3A] : memref<2x10240x128xf32, #tpu.memory_space<hbm>> -> memref<1x128x128xf32, #tpu.memory_space<hbm>>
      %dma_wait3A_126 = tpu.memref_squeeze %dma_wait3A_125 : memref<1x128x128xf32, #tpu.memory_space<hbm>> -> memref<128x128xf32, #tpu.memory_space<hbm>>
      %dma_wait3A_127 = arith.constant 0 : i32
      %dma_wait3A_128 = tpu.memref_slice %arg5[%arg0, %multiple_of3A_101, %dma_wait3A_127] : memref<2x10240x128xf32, #tpu.memory_space<hbm>> -> memref<1x128x128xf32, #tpu.memory_space<hbm>>
      %dma_wait3A_129 = tpu.memref_squeeze %dma_wait3A_128 : memref<1x128x128xf32, #tpu.memory_space<hbm>> -> memref<128x128xf32, #tpu.memory_space<hbm>>
      tpu.wait_dma2 semaphore(%run_scoped3A : memref<!tpu.dma_semaphore, #tpu.memory_space<semaphore_mem>>) src(%arg12 : memref<128x128xf32, #tpu.memory_space<vmem>>) dst(%dma_wait3A_129 : memref<128x128xf32, #tpu.memory_space<hbm>>)
      tpu.yield
    }) : () -> ()
    %mul3A_102 = arith.constant 640 : i32
    %mul3A_103 = arith.muli %arg1, %mul3A_102 : i32
    %add3A_104 = arith.constant 256 : i32
    %add3A_105 = arith.addi %mul3A_103, %add3A_104 : i32
    %multiple_of3A_106 = tpu.assume_multiple %add3A_105, 128 : i32
    "tpu.region"() ({
      %run_scoped3A = tpu.sem_alloc : memref<!tpu.dma_semaphore, #tpu.memory_space<semaphore_mem>>
      %dma_start3A = arith.constant 0 : i32
      %dma_start3A_120 = tpu.memref_slice %arg7[%multiple_of3A_106, %dma_start3A] : memref<10240x128xf32, #tpu.memory_space<vmem_shared>> -> memref<128x128xf32, #tpu.memory_space<vmem_shared>>
      %dma_start3A_121 = arith.constant 0 : i32
      %dma_start3A_122 = tpu.memref_slice %arg7[%multiple_of3A_106, %dma_start3A_121] : memref<10240x128xf32, #tpu.memory_space<vmem_shared>> -> memref<128x128xf32, #tpu.memory_space<vmem_shared>>
      tpu.enqueue_dma source(%dma_start3A_122 : memref<128x128xf32, #tpu.memory_space<vmem_shared>>) target(%arg12 : memref<128x128xf32, #tpu.memory_space<vmem>>) target_semaphore(%run_scoped3A : memref<!tpu.dma_semaphore, #tpu.memory_space<semaphore_mem>>)
      %dma_wait3A = arith.constant 0 : i32
      %dma_wait3A_123 = tpu.memref_slice %arg7[%multiple_of3A_106, %dma_wait3A] : memref<10240x128xf32, #tpu.memory_space<vmem_shared>> -> memref<128x128xf32, #tpu.memory_space<vmem_shared>>
      %dma_wait3A_124 = arith.constant 0 : i32
      %dma_wait3A_125 = tpu.memref_slice %arg7[%multiple_of3A_106, %dma_wait3A_124] : memref<10240x128xf32, #tpu.memory_space<vmem_shared>> -> memref<128x128xf32, #tpu.memory_space<vmem_shared>>
      tpu.wait_dma2 semaphore(%run_scoped3A : memref<!tpu.dma_semaphore, #tpu.memory_space<semaphore_mem>>) src(%dma_wait3A_125 : memref<128x128xf32, #tpu.memory_space<vmem_shared>>) dst(%arg12 : memref<128x128xf32, #tpu.memory_space<vmem>>)
      tpu.yield
    }) : () -> ()
    "tpu.region"() ({
      %run_scoped3A = tpu.sem_alloc : memref<!tpu.dma_semaphore, #tpu.memory_space<semaphore_mem>>
      %dma_start3A = arith.constant 0 : i32
      %dma_start3A_120 = tpu.memref_slice %arg5[%arg0, %multiple_of3A_106, %dma_start3A] : memref<2x10240x128xf32, #tpu.memory_space<hbm>> -> memref<1x128x128xf32, #tpu.memory_space<hbm>>
      %dma_start3A_121 = tpu.memref_squeeze %dma_start3A_120 : memref<1x128x128xf32, #tpu.memory_space<hbm>> -> memref<128x128xf32, #tpu.memory_space<hbm>>
      %dma_start3A_122 = arith.constant 0 : i32
      %dma_start3A_123 = tpu.memref_slice %arg5[%arg0, %multiple_of3A_106, %dma_start3A_122] : memref<2x10240x128xf32, #tpu.memory_space<hbm>> -> memref<1x128x128xf32, #tpu.memory_space<hbm>>
      %dma_start3A_124 = tpu.memref_squeeze %dma_start3A_123 : memref<1x128x128xf32, #tpu.memory_space<hbm>> -> memref<128x128xf32, #tpu.memory_space<hbm>>
      tpu.enqueue_dma source(%arg12 : memref<128x128xf32, #tpu.memory_space<vmem>>) target(%dma_start3A_124 : memref<128x128xf32, #tpu.memory_space<hbm>>) target_semaphore(%run_scoped3A : memref<!tpu.dma_semaphore, #tpu.memory_space<semaphore_mem>>)
      %dma_wait3A = arith.constant 0 : i32
      %dma_wait3A_125 = tpu.memref_slice %arg5[%arg0, %multiple_of3A_106, %dma_wait3A] : memref<2x10240x128xf32, #tpu.memory_space<hbm>> -> memref<1x128x128xf32, #tpu.memory_space<hbm>>
      %dma_wait3A_126 = tpu.memref_squeeze %dma_wait3A_125 : memref<1x128x128xf32, #tpu.memory_space<hbm>> -> memref<128x128xf32, #tpu.memory_space<hbm>>
      %dma_wait3A_127 = arith.constant 0 : i32
      %dma_wait3A_128 = tpu.memref_slice %arg5[%arg0, %multiple_of3A_106, %dma_wait3A_127] : memref<2x10240x128xf32, #tpu.memory_space<hbm>> -> memref<1x128x128xf32, #tpu.memory_space<hbm>>
      %dma_wait3A_129 = tpu.memref_squeeze %dma_wait3A_128 : memref<1x128x128xf32, #tpu.memory_space<hbm>> -> memref<128x128xf32, #tpu.memory_space<hbm>>
      tpu.wait_dma2 semaphore(%run_scoped3A : memref<!tpu.dma_semaphore, #tpu.memory_space<semaphore_mem>>) src(%arg12 : memref<128x128xf32, #tpu.memory_space<vmem>>) dst(%dma_wait3A_129 : memref<128x128xf32, #tpu.memory_space<hbm>>)
      tpu.yield
    }) : () -> ()
    %mul3A_107 = arith.constant 640 : i32
    %mul3A_108 = arith.muli %arg1, %mul3A_107 : i32
    %add3A_109 = arith.constant 384 : i32
    %add3A_110 = arith.addi %mul3A_108, %add3A_109 : i32
    %multiple_of3A_111 = tpu.assume_multiple %add3A_110, 128 : i32
    "tpu.region"() ({
      %run_scoped3A = tpu.sem_alloc : memref<!tpu.dma_semaphore, #tpu.memory_space<semaphore_mem>>
      %dma_start3A = arith.constant 0 : i32
      %dma_start3A_120 = tpu.memref_slice %arg7[%multiple_of3A_111, %dma_start3A] : memref<10240x128xf32, #tpu.memory_space<vmem_shared>> -> memref<128x128xf32, #tpu.memory_space<vmem_shared>>
      %dma_start3A_121 = arith.constant 0 : i32
      %dma_start3A_122 = tpu.memref_slice %arg7[%multiple_of3A_111, %dma_start3A_121] : memref<10240x128xf32, #tpu.memory_space<vmem_shared>> -> memref<128x128xf32, #tpu.memory_space<vmem_shared>>
      tpu.enqueue_dma source(%dma_start3A_122 : memref<128x128xf32, #tpu.memory_space<vmem_shared>>) target(%arg12 : memref<128x128xf32, #tpu.memory_space<vmem>>) target_semaphore(%run_scoped3A : memref<!tpu.dma_semaphore, #tpu.memory_space<semaphore_mem>>)
      %dma_wait3A = arith.constant 0 : i32
      %dma_wait3A_123 = tpu.memref_slice %arg7[%multiple_of3A_111, %dma_wait3A] : memref<10240x128xf32, #tpu.memory_space<vmem_shared>> -> memref<128x128xf32, #tpu.memory_space<vmem_shared>>
      %dma_wait3A_124 = arith.constant 0 : i32
      %dma_wait3A_125 = tpu.memref_slice %arg7[%multiple_of3A_111, %dma_wait3A_124] : memref<10240x128xf32, #tpu.memory_space<vmem_shared>> -> memref<128x128xf32, #tpu.memory_space<vmem_shared>>
      tpu.wait_dma2 semaphore(%run_scoped3A : memref<!tpu.dma_semaphore, #tpu.memory_space<semaphore_mem>>) src(%dma_wait3A_125 : memref<128x128xf32, #tpu.memory_space<vmem_shared>>) dst(%arg12 : memref<128x128xf32, #tpu.memory_space<vmem>>)
      tpu.yield
    }) : () -> ()
    "tpu.region"() ({
      %run_scoped3A = tpu.sem_alloc : memref<!tpu.dma_semaphore, #tpu.memory_space<semaphore_mem>>
      %dma_start3A = arith.constant 0 : i32
      %dma_start3A_120 = tpu.memref_slice %arg5[%arg0, %multiple_of3A_111, %dma_start3A] : memref<2x10240x128xf32, #tpu.memory_space<hbm>> -> memref<1x128x128xf32, #tpu.memory_space<hbm>>
      %dma_start3A_121 = tpu.memref_squeeze %dma_start3A_120 : memref<1x128x128xf32, #tpu.memory_space<hbm>> -> memref<128x128xf32, #tpu.memory_space<hbm>>
      %dma_start3A_122 = arith.constant 0 : i32
      %dma_start3A_123 = tpu.memref_slice %arg5[%arg0, %multiple_of3A_111, %dma_start3A_122] : memref<2x10240x128xf32, #tpu.memory_space<hbm>> -> memref<1x128x128xf32, #tpu.memory_space<hbm>>
      %dma_start3A_124 = tpu.memref_squeeze %dma_start3A_123 : memref<1x128x128xf32, #tpu.memory_space<hbm>> -> memref<128x128xf32, #tpu.memory_space<hbm>>
      tpu.enqueue_dma source(%arg12 : memref<128x128xf32, #tpu.memory_space<vmem>>) target(%dma_start3A_124 : memref<128x128xf32, #tpu.memory_space<hbm>>) target_semaphore(%run_scoped3A : memref<!tpu.dma_semaphore, #tpu.memory_space<semaphore_mem>>)
      %dma_wait3A = arith.constant 0 : i32
      %dma_wait3A_125 = tpu.memref_slice %arg5[%arg0, %multiple_of3A_111, %dma_wait3A] : memref<2x10240x128xf32, #tpu.memory_space<hbm>> -> memref<1x128x128xf32, #tpu.memory_space<hbm>>
      %dma_wait3A_126 = tpu.memref_squeeze %dma_wait3A_125 : memref<1x128x128xf32, #tpu.memory_space<hbm>> -> memref<128x128xf32, #tpu.memory_space<hbm>>
      %dma_wait3A_127 = arith.constant 0 : i32
      %dma_wait3A_128 = tpu.memref_slice %arg5[%arg0, %multiple_of3A_111, %dma_wait3A_127] : memref<2x10240x128xf32, #tpu.memory_space<hbm>> -> memref<1x128x128xf32, #tpu.memory_space<hbm>>
      %dma_wait3A_129 = tpu.memref_squeeze %dma_wait3A_128 : memref<1x128x128xf32, #tpu.memory_space<hbm>> -> memref<128x128xf32, #tpu.memory_space<hbm>>
      tpu.wait_dma2 semaphore(%run_scoped3A : memref<!tpu.dma_semaphore, #tpu.memory_space<semaphore_mem>>) src(%arg12 : memref<128x128xf32, #tpu.memory_space<vmem>>) dst(%dma_wait3A_129 : memref<128x128xf32, #tpu.memory_space<hbm>>)
      tpu.yield
    }) : () -> ()
    %mul3A_112 = arith.constant 640 : i32
    %mul3A_113 = arith.muli %arg1, %mul3A_112 : i32
    %add3A_114 = arith.constant 512 : i32
    %add3A_115 = arith.addi %mul3A_113, %add3A_114 : i32
    %multiple_of3A_116 = tpu.assume_multiple %add3A_115, 128 : i32
    "tpu.region"() ({
      %run_scoped3A = tpu.sem_alloc : memref<!tpu.dma_semaphore, #tpu.memory_space<semaphore_mem>>
      %dma_start3A = arith.constant 0 : i32
      %dma_start3A_120 = tpu.memref_slice %arg7[%multiple_of3A_116, %dma_start3A] : memref<10240x128xf32, #tpu.memory_space<vmem_shared>> -> memref<128x128xf32, #tpu.memory_space<vmem_shared>>
      %dma_start3A_121 = arith.constant 0 : i32
      %dma_start3A_122 = tpu.memref_slice %arg7[%multiple_of3A_116, %dma_start3A_121] : memref<10240x128xf32, #tpu.memory_space<vmem_shared>> -> memref<128x128xf32, #tpu.memory_space<vmem_shared>>
      tpu.enqueue_dma source(%dma_start3A_122 : memref<128x128xf32, #tpu.memory_space<vmem_shared>>) target(%arg12 : memref<128x128xf32, #tpu.memory_space<vmem>>) target_semaphore(%run_scoped3A : memref<!tpu.dma_semaphore, #tpu.memory_space<semaphore_mem>>)
      %dma_wait3A = arith.constant 0 : i32
      %dma_wait3A_123 = tpu.memref_slice %arg7[%multiple_of3A_116, %dma_wait3A] : memref<10240x128xf32, #tpu.memory_space<vmem_shared>> -> memref<128x128xf32, #tpu.memory_space<vmem_shared>>
      %dma_wait3A_124 = arith.constant 0 : i32
      %dma_wait3A_125 = tpu.memref_slice %arg7[%multiple_of3A_116, %dma_wait3A_124] : memref<10240x128xf32, #tpu.memory_space<vmem_shared>> -> memref<128x128xf32, #tpu.memory_space<vmem_shared>>
      tpu.wait_dma2 semaphore(%run_scoped3A : memref<!tpu.dma_semaphore, #tpu.memory_space<semaphore_mem>>) src(%dma_wait3A_125 : memref<128x128xf32, #tpu.memory_space<vmem_shared>>) dst(%arg12 : memref<128x128xf32, #tpu.memory_space<vmem>>)
      tpu.yield
    }) : () -> ()
    "tpu.region"() ({
      %run_scoped3A = tpu.sem_alloc : memref<!tpu.dma_semaphore, #tpu.memory_space<semaphore_mem>>
      %dma_start3A = arith.constant 0 : i32
      %dma_start3A_120 = tpu.memref_slice %arg5[%arg0, %multiple_of3A_116, %dma_start3A] : memref<2x10240x128xf32, #tpu.memory_space<hbm>> -> memref<1x128x128xf32, #tpu.memory_space<hbm>>
      %dma_start3A_121 = tpu.memref_squeeze %dma_start3A_120 : memref<1x128x128xf32, #tpu.memory_space<hbm>> -> memref<128x128xf32, #tpu.memory_space<hbm>>
      %dma_start3A_122 = arith.constant 0 : i32
      %dma_start3A_123 = tpu.memref_slice %arg5[%arg0, %multiple_of3A_116, %dma_start3A_122] : memref<2x10240x128xf32, #tpu.memory_space<hbm>> -> memref<1x128x128xf32, #tpu.memory_space<hbm>>
      %dma_start3A_124 = tpu.memref_squeeze %dma_start3A_123 : memref<1x128x128xf32, #tpu.memory_space<hbm>> -> memref<128x128xf32, #tpu.memory_space<hbm>>
      tpu.enqueue_dma source(%arg12 : memref<128x128xf32, #tpu.memory_space<vmem>>) target(%dma_start3A_124 : memref<128x128xf32, #tpu.memory_space<hbm>>) target_semaphore(%run_scoped3A : memref<!tpu.dma_semaphore, #tpu.memory_space<semaphore_mem>>)
      %dma_wait3A = arith.constant 0 : i32
      %dma_wait3A_125 = tpu.memref_slice %arg5[%arg0, %multiple_of3A_116, %dma_wait3A] : memref<2x10240x128xf32, #tpu.memory_space<hbm>> -> memref<1x128x128xf32, #tpu.memory_space<hbm>>
      %dma_wait3A_126 = tpu.memref_squeeze %dma_wait3A_125 : memref<1x128x128xf32, #tpu.memory_space<hbm>> -> memref<128x128xf32, #tpu.memory_space<hbm>>
      %dma_wait3A_127 = arith.constant 0 : i32
      %dma_wait3A_128 = tpu.memref_slice %arg5[%arg0, %multiple_of3A_116, %dma_wait3A_127] : memref<2x10240x128xf32, #tpu.memory_space<hbm>> -> memref<1x128x128xf32, #tpu.memory_space<hbm>>
      %dma_wait3A_129 = tpu.memref_squeeze %dma_wait3A_128 : memref<1x128x128xf32, #tpu.memory_space<hbm>> -> memref<128x128xf32, #tpu.memory_space<hbm>>
      tpu.wait_dma2 semaphore(%run_scoped3A : memref<!tpu.dma_semaphore, #tpu.memory_space<semaphore_mem>>) src(%arg12 : memref<128x128xf32, #tpu.memory_space<vmem>>) dst(%dma_wait3A_129 : memref<128x128xf32, #tpu.memory_space<hbm>>)
      tpu.yield
    }) : () -> ()
    %mul3A_117 = arith.constant 640 : i32
    %mul3A_118 = arith.muli %arg1, %mul3A_117 : i32
    %multiple_of3A_119 = tpu.assume_multiple %mul3A_118, 640 : i32
    "tpu.region"() ({
      %run_scoped3A = tpu.sem_alloc : memref<!tpu.dma_semaphore, #tpu.memory_space<semaphore_mem>>
      %dma_start3A = tpu.memref_slice %arg8[%multiple_of3A_119] : memref<10240xf32, #tpu.memory_space<vmem_shared>> -> memref<640xf32, #tpu.memory_space<vmem_shared>>
      %dma_start3A_120 = tpu.memref_slice %arg8[%multiple_of3A_119] : memref<10240xf32, #tpu.memory_space<vmem_shared>> -> memref<640xf32, #tpu.memory_space<vmem_shared>>
      tpu.enqueue_dma source(%dma_start3A_120 : memref<640xf32, #tpu.memory_space<vmem_shared>>) target(%arg14 : memref<640xf32, #tpu.memory_space<vmem>>) target_semaphore(%run_scoped3A : memref<!tpu.dma_semaphore, #tpu.memory_space<semaphore_mem>>)
      %dma_wait3A = tpu.memref_slice %arg8[%multiple_of3A_119] : memref<10240xf32, #tpu.memory_space<vmem_shared>> -> memref<640xf32, #tpu.memory_space<vmem_shared>>
      %dma_wait3A_121 = tpu.memref_slice %arg8[%multiple_of3A_119] : memref<10240xf32, #tpu.memory_space<vmem_shared>> -> memref<640xf32, #tpu.memory_space<vmem_shared>>
      tpu.wait_dma2 semaphore(%run_scoped3A : memref<!tpu.dma_semaphore, #tpu.memory_space<semaphore_mem>>) src(%dma_wait3A_121 : memref<640xf32, #tpu.memory_space<vmem_shared>>) dst(%arg14 : memref<640xf32, #tpu.memory_space<vmem>>)
      tpu.yield
    }) : () -> ()
    "tpu.region"() ({
      %run_scoped3A = tpu.sem_alloc : memref<!tpu.dma_semaphore, #tpu.memory_space<semaphore_mem>>
      %dma_start3A = tpu.memref_slice %arg6[%arg0, %multiple_of3A_119] : memref<2x10240xf32, #tpu.memory_space<hbm>> -> memref<1x640xf32, #tpu.memory_space<hbm>>
      %dma_start3A_120 = tpu.memref_squeeze %dma_start3A : memref<1x640xf32, #tpu.memory_space<hbm>> -> memref<640xf32, #tpu.memory_space<hbm>>
      %dma_start3A_121 = tpu.memref_slice %arg6[%arg0, %multiple_of3A_119] : memref<2x10240xf32, #tpu.memory_space<hbm>> -> memref<1x640xf32, #tpu.memory_space<hbm>>
      %dma_start3A_122 = tpu.memref_squeeze %dma_start3A_121 : memref<1x640xf32, #tpu.memory_space<hbm>> -> memref<640xf32, #tpu.memory_space<hbm>>
      tpu.enqueue_dma source(%arg14 : memref<640xf32, #tpu.memory_space<vmem>>) target(%dma_start3A_122 : memref<640xf32, #tpu.memory_space<hbm>>) target_semaphore(%run_scoped3A : memref<!tpu.dma_semaphore, #tpu.memory_space<semaphore_mem>>)
      %dma_wait3A = tpu.memref_slice %arg6[%arg0, %multiple_of3A_119] : memref<2x10240xf32, #tpu.memory_space<hbm>> -> memref<1x640xf32, #tpu.memory_space<hbm>>
      %dma_wait3A_123 = tpu.memref_squeeze %dma_wait3A : memref<1x640xf32, #tpu.memory_space<hbm>> -> memref<640xf32, #tpu.memory_space<hbm>>
      %dma_wait3A_124 = tpu.memref_slice %arg6[%arg0, %multiple_of3A_119] : memref<2x10240xf32, #tpu.memory_space<hbm>> -> memref<1x640xf32, #tpu.memory_space<hbm>>
      %dma_wait3A_125 = tpu.memref_squeeze %dma_wait3A_124 : memref<1x640xf32, #tpu.memory_space<hbm>> -> memref<640xf32, #tpu.memory_space<hbm>>
      tpu.wait_dma2 semaphore(%run_scoped3A : memref<!tpu.dma_semaphore, #tpu.memory_space<semaphore_mem>>) src(%arg14 : memref<640xf32, #tpu.memory_space<vmem>>) dst(%dma_wait3A_125 : memref<640xf32, #tpu.memory_space<hbm>>)
      tpu.yield
    }) : () -> ()
    return
  }
}

#map = affine_map<(d0, d1) -> (0, 0)>
#map1 = affine_map<(d0, d1) -> (0)>
#map2 = affine_map<(d0, d1) -> (0, 0, 0)>
module attributes {stable_mosaic.version = 14 : i64} {
  func.func @_spmm_body(%arg0: i32, %arg1: i32, %arg2: memref<10000x128xf32, #tpu.memory_space<hbm>>, %arg3: memref<323584xi32, #tpu.memory_space<hbm>>, %arg4: memref<323584xi32, #tpu.memory_space<hbm>>, %arg5: memref<2x10240x128xf32, #tpu.memory_space<hbm>>, %arg6: memref<10240x128xf32, #tpu.memory_space<vmem_shared>>, %arg7: memref<128x128xf32, #tpu.memory_space<vmem>>, %arg8: memref<128xi32, #tpu.memory_space<vmem>>, %arg9: memref<128xi32, #tpu.memory_space<vmem>>, %arg10: memref<128x128xf32, #tpu.memory_space<vmem>>, %arg11: memref<!tpu.dma_semaphore, #tpu.memory_space<semaphore_mem>>) attributes {dimension_semantics = [#tpu.dimension_semantics<core_parallel>, #tpu.dimension_semantics<subcore_parallel>], iteration_bounds = array<i64: 2, 16>, scalar_prefetch = 0 : i64, scratch_operands = 6 : i64, tpu.core_type = #tpu.core_type<sc_vector_subcore>, window_params = [{transform_indices = #map}, {transform_indices = #map1}, {transform_indices = #map1}, {transform_indices = #map2}]} {
    %mul3A = arith.constant 2 : i32
    %mul3A_0 = arith.muli %arg1, %mul3A : i32
    %add3A = arith.addi %mul3A_0, %arg0 : i32
    %scan3A = arith.constant 0 : i32
    %scan3A_1 = arith.constant 0 : i32
    %scan3A_2 = arith.constant 128 : i32
    %scan3A_3 = arith.addi %scan3A_1, %scan3A_2 : i32
    %scan3A_4 = arith.constant 1 : i32
    scf.for %scan3A_62 = %scan3A_1 to %scan3A_3 step %scan3A_4  : i32 {
      %broadcast_in_dim3A = arith.constant 0.000000e+00 : f32
      %broadcast_in_dim3A_63 = vector.broadcast %broadcast_in_dim3A : f32 to vector<16xf32>
      %swap3A = arith.index_cast %scan3A_62 : i32 to index
      %swap3A_64 = arith.constant 0 : index
      %swap3A_65 = tpu.vector_load %arg7[%swap3A, %swap3A_64] {strides = array<i32>} : memref<128x128xf32, #tpu.memory_space<vmem>>, vector<1x16xf32>,
      %swap3A_66 = vector.shape_cast %swap3A_65 : vector<1x16xf32> to vector<16xf32>
      %swap3A_67 = vector.shape_cast %broadcast_in_dim3A_63 : vector<16xf32> to vector<1x16xf32>
      tpu.vector_store %arg7[%swap3A, %swap3A_64], %swap3A_67 {strides = array<i32>} : memref<128x128xf32, #tpu.memory_space<vmem>>, vector<1x16xf32>,
      %broadcast_in_dim3A_68 = arith.constant 0.000000e+00 : f32
      %broadcast_in_dim3A_69 = vector.broadcast %broadcast_in_dim3A_68 : f32 to vector<16xf32>
      %swap3A_70 = arith.index_cast %scan3A_62 : i32 to index
      %swap3A_71 = arith.constant 16 : index
      %swap3A_72 = tpu.vector_load %arg7[%swap3A_70, %swap3A_71] {strides = array<i32>} : memref<128x128xf32, #tpu.memory_space<vmem>>, vector<1x16xf32>,
      %swap3A_73 = vector.shape_cast %swap3A_72 : vector<1x16xf32> to vector<16xf32>
      %swap3A_74 = vector.shape_cast %broadcast_in_dim3A_69 : vector<16xf32> to vector<1x16xf32>
      tpu.vector_store %arg7[%swap3A_70, %swap3A_71], %swap3A_74 {strides = array<i32>} : memref<128x128xf32, #tpu.memory_space<vmem>>, vector<1x16xf32>,
      %broadcast_in_dim3A_75 = arith.constant 0.000000e+00 : f32
      %broadcast_in_dim3A_76 = vector.broadcast %broadcast_in_dim3A_75 : f32 to vector<16xf32>
      %swap3A_77 = arith.index_cast %scan3A_62 : i32 to index
      %swap3A_78 = arith.constant 32 : index
      %swap3A_79 = tpu.vector_load %arg7[%swap3A_77, %swap3A_78] {strides = array<i32>} : memref<128x128xf32, #tpu.memory_space<vmem>>, vector<1x16xf32>,
      %swap3A_80 = vector.shape_cast %swap3A_79 : vector<1x16xf32> to vector<16xf32>
      %swap3A_81 = vector.shape_cast %broadcast_in_dim3A_76 : vector<16xf32> to vector<1x16xf32>
      tpu.vector_store %arg7[%swap3A_77, %swap3A_78], %swap3A_81 {strides = array<i32>} : memref<128x128xf32, #tpu.memory_space<vmem>>, vector<1x16xf32>,
      %broadcast_in_dim3A_82 = arith.constant 0.000000e+00 : f32
      %broadcast_in_dim3A_83 = vector.broadcast %broadcast_in_dim3A_82 : f32 to vector<16xf32>
      %swap3A_84 = arith.index_cast %scan3A_62 : i32 to index
      %swap3A_85 = arith.constant 48 : index
      %swap3A_86 = tpu.vector_load %arg7[%swap3A_84, %swap3A_85] {strides = array<i32>} : memref<128x128xf32, #tpu.memory_space<vmem>>, vector<1x16xf32>,
      %swap3A_87 = vector.shape_cast %swap3A_86 : vector<1x16xf32> to vector<16xf32>
      %swap3A_88 = vector.shape_cast %broadcast_in_dim3A_83 : vector<16xf32> to vector<1x16xf32>
      tpu.vector_store %arg7[%swap3A_84, %swap3A_85], %swap3A_88 {strides = array<i32>} : memref<128x128xf32, #tpu.memory_space<vmem>>, vector<1x16xf32>,
      %broadcast_in_dim3A_89 = arith.constant 0.000000e+00 : f32
      %broadcast_in_dim3A_90 = vector.broadcast %broadcast_in_dim3A_89 : f32 to vector<16xf32>
      %swap3A_91 = arith.index_cast %scan3A_62 : i32 to index
      %swap3A_92 = arith.constant 64 : index
      %swap3A_93 = tpu.vector_load %arg7[%swap3A_91, %swap3A_92] {strides = array<i32>} : memref<128x128xf32, #tpu.memory_space<vmem>>, vector<1x16xf32>,
      %swap3A_94 = vector.shape_cast %swap3A_93 : vector<1x16xf32> to vector<16xf32>
      %swap3A_95 = vector.shape_cast %broadcast_in_dim3A_90 : vector<16xf32> to vector<1x16xf32>
      tpu.vector_store %arg7[%swap3A_91, %swap3A_92], %swap3A_95 {strides = array<i32>} : memref<128x128xf32, #tpu.memory_space<vmem>>, vector<1x16xf32>,
      %broadcast_in_dim3A_96 = arith.constant 0.000000e+00 : f32
      %broadcast_in_dim3A_97 = vector.broadcast %broadcast_in_dim3A_96 : f32 to vector<16xf32>
      %swap3A_98 = arith.index_cast %scan3A_62 : i32 to index
      %swap3A_99 = arith.constant 80 : index
      %swap3A_100 = tpu.vector_load %arg7[%swap3A_98, %swap3A_99] {strides = array<i32>} : memref<128x128xf32, #tpu.memory_space<vmem>>, vector<1x16xf32>,
      %swap3A_101 = vector.shape_cast %swap3A_100 : vector<1x16xf32> to vector<16xf32>
      %swap3A_102 = vector.shape_cast %broadcast_in_dim3A_97 : vector<16xf32> to vector<1x16xf32>
      tpu.vector_store %arg7[%swap3A_98, %swap3A_99], %swap3A_102 {strides = array<i32>} : memref<128x128xf32, #tpu.memory_space<vmem>>, vector<1x16xf32>,
      %broadcast_in_dim3A_103 = arith.constant 0.000000e+00 : f32
      %broadcast_in_dim3A_104 = vector.broadcast %broadcast_in_dim3A_103 : f32 to vector<16xf32>
      %swap3A_105 = arith.index_cast %scan3A_62 : i32 to index
      %swap3A_106 = arith.constant 96 : index
      %swap3A_107 = tpu.vector_load %arg7[%swap3A_105, %swap3A_106] {strides = array<i32>} : memref<128x128xf32, #tpu.memory_space<vmem>>, vector<1x16xf32>,
      %swap3A_108 = vector.shape_cast %swap3A_107 : vector<1x16xf32> to vector<16xf32>
      %swap3A_109 = vector.shape_cast %broadcast_in_dim3A_104 : vector<16xf32> to vector<1x16xf32>
      tpu.vector_store %arg7[%swap3A_105, %swap3A_106], %swap3A_109 {strides = array<i32>} : memref<128x128xf32, #tpu.memory_space<vmem>>, vector<1x16xf32>,
      %broadcast_in_dim3A_110 = arith.constant 0.000000e+00 : f32
      %broadcast_in_dim3A_111 = vector.broadcast %broadcast_in_dim3A_110 : f32 to vector<16xf32>
      %swap3A_112 = arith.index_cast %scan3A_62 : i32 to index
      %swap3A_113 = arith.constant 112 : index
      %swap3A_114 = tpu.vector_load %arg7[%swap3A_112, %swap3A_113] {strides = array<i32>} : memref<128x128xf32, #tpu.memory_space<vmem>>, vector<1x16xf32>,
      %swap3A_115 = vector.shape_cast %swap3A_114 : vector<1x16xf32> to vector<16xf32>
      %swap3A_116 = vector.shape_cast %broadcast_in_dim3A_111 : vector<16xf32> to vector<1x16xf32>
      tpu.vector_store %arg7[%swap3A_112, %swap3A_113], %swap3A_116 {strides = array<i32>} : memref<128x128xf32, #tpu.memory_space<vmem>>, vector<1x16xf32>,
    }
    %scan3A_5 = arith.constant 128 : i32
    %mul3A_6 = arith.constant 640 : i32
    %mul3A_7 = arith.muli %arg1, %mul3A_6 : i32
    %add3A_8 = arith.constant 0 : i32
    %add3A_9 = arith.addi %mul3A_7, %add3A_8 : i32
    %multiple_of3A = tpu.assume_multiple %add3A_9, 128 : i32
    "tpu.region"() ({
      %run_scoped3A = tpu.sem_alloc : memref<!tpu.dma_semaphore, #tpu.memory_space<semaphore_mem>>
      %dma_start3A = arith.constant 0 : i32
      %dma_start3A_62 = tpu.memref_slice %arg6[%multiple_of3A, %dma_start3A] : memref<10240x128xf32, #tpu.memory_space<vmem_shared>> -> memref<128x128xf32, #tpu.memory_space<vmem_shared>>
      %dma_start3A_63 = arith.constant 0 : i32
      %dma_start3A_64 = tpu.memref_slice %arg6[%multiple_of3A, %dma_start3A_63] : memref<10240x128xf32, #tpu.memory_space<vmem_shared>> -> memref<128x128xf32, #tpu.memory_space<vmem_shared>>
      tpu.enqueue_dma source(%arg7 : memref<128x128xf32, #tpu.memory_space<vmem>>) target(%dma_start3A_64 : memref<128x128xf32, #tpu.memory_space<vmem_shared>>) target_semaphore(%run_scoped3A : memref<!tpu.dma_semaphore, #tpu.memory_space<semaphore_mem>>)
      %dma_wait3A = arith.constant 0 : i32
      %dma_wait3A_65 = tpu.memref_slice %arg6[%multiple_of3A, %dma_wait3A] : memref<10240x128xf32, #tpu.memory_space<vmem_shared>> -> memref<128x128xf32, #tpu.memory_space<vmem_shared>>
      %dma_wait3A_66 = arith.constant 0 : i32
      %dma_wait3A_67 = tpu.memref_slice %arg6[%multiple_of3A, %dma_wait3A_66] : memref<10240x128xf32, #tpu.memory_space<vmem_shared>> -> memref<128x128xf32, #tpu.memory_space<vmem_shared>>
      tpu.wait_dma2 semaphore(%run_scoped3A : memref<!tpu.dma_semaphore, #tpu.memory_space<semaphore_mem>>) src(%arg7 : memref<128x128xf32, #tpu.memory_space<vmem>>) dst(%dma_wait3A_67 : memref<128x128xf32, #tpu.memory_space<vmem_shared>>)
      tpu.yield
    }) : () -> ()
    %mul3A_10 = arith.constant 640 : i32
    %mul3A_11 = arith.muli %arg1, %mul3A_10 : i32
    %add3A_12 = arith.constant 128 : i32
    %add3A_13 = arith.addi %mul3A_11, %add3A_12 : i32
    %multiple_of3A_14 = tpu.assume_multiple %add3A_13, 128 : i32
    "tpu.region"() ({
      %run_scoped3A = tpu.sem_alloc : memref<!tpu.dma_semaphore, #tpu.memory_space<semaphore_mem>>
      %dma_start3A = arith.constant 0 : i32
      %dma_start3A_62 = tpu.memref_slice %arg6[%multiple_of3A_14, %dma_start3A] : memref<10240x128xf32, #tpu.memory_space<vmem_shared>> -> memref<128x128xf32, #tpu.memory_space<vmem_shared>>
      %dma_start3A_63 = arith.constant 0 : i32
      %dma_start3A_64 = tpu.memref_slice %arg6[%multiple_of3A_14, %dma_start3A_63] : memref<10240x128xf32, #tpu.memory_space<vmem_shared>> -> memref<128x128xf32, #tpu.memory_space<vmem_shared>>
      tpu.enqueue_dma source(%arg7 : memref<128x128xf32, #tpu.memory_space<vmem>>) target(%dma_start3A_64 : memref<128x128xf32, #tpu.memory_space<vmem_shared>>) target_semaphore(%run_scoped3A : memref<!tpu.dma_semaphore, #tpu.memory_space<semaphore_mem>>)
      %dma_wait3A = arith.constant 0 : i32
      %dma_wait3A_65 = tpu.memref_slice %arg6[%multiple_of3A_14, %dma_wait3A] : memref<10240x128xf32, #tpu.memory_space<vmem_shared>> -> memref<128x128xf32, #tpu.memory_space<vmem_shared>>
      %dma_wait3A_66 = arith.constant 0 : i32
      %dma_wait3A_67 = tpu.memref_slice %arg6[%multiple_of3A_14, %dma_wait3A_66] : memref<10240x128xf32, #tpu.memory_space<vmem_shared>> -> memref<128x128xf32, #tpu.memory_space<vmem_shared>>
      tpu.wait_dma2 semaphore(%run_scoped3A : memref<!tpu.dma_semaphore, #tpu.memory_space<semaphore_mem>>) src(%arg7 : memref<128x128xf32, #tpu.memory_space<vmem>>) dst(%dma_wait3A_67 : memref<128x128xf32, #tpu.memory_space<vmem_shared>>)
      tpu.yield
    }) : () -> ()
    %mul3A_15 = arith.constant 640 : i32
    %mul3A_16 = arith.muli %arg1, %mul3A_15 : i32
    %add3A_17 = arith.constant 256 : i32
    %add3A_18 = arith.addi %mul3A_16, %add3A_17 : i32
    %multiple_of3A_19 = tpu.assume_multiple %add3A_18, 128 : i32
    "tpu.region"() ({
      %run_scoped3A = tpu.sem_alloc : memref<!tpu.dma_semaphore, #tpu.memory_space<semaphore_mem>>
      %dma_start3A = arith.constant 0 : i32
      %dma_start3A_62 = tpu.memref_slice %arg6[%multiple_of3A_19, %dma_start3A] : memref<10240x128xf32, #tpu.memory_space<vmem_shared>> -> memref<128x128xf32, #tpu.memory_space<vmem_shared>>
      %dma_start3A_63 = arith.constant 0 : i32
      %dma_start3A_64 = tpu.memref_slice %arg6[%multiple_of3A_19, %dma_start3A_63] : memref<10240x128xf32, #tpu.memory_space<vmem_shared>> -> memref<128x128xf32, #tpu.memory_space<vmem_shared>>
      tpu.enqueue_dma source(%arg7 : memref<128x128xf32, #tpu.memory_space<vmem>>) target(%dma_start3A_64 : memref<128x128xf32, #tpu.memory_space<vmem_shared>>) target_semaphore(%run_scoped3A : memref<!tpu.dma_semaphore, #tpu.memory_space<semaphore_mem>>)
      %dma_wait3A = arith.constant 0 : i32
      %dma_wait3A_65 = tpu.memref_slice %arg6[%multiple_of3A_19, %dma_wait3A] : memref<10240x128xf32, #tpu.memory_space<vmem_shared>> -> memref<128x128xf32, #tpu.memory_space<vmem_shared>>
      %dma_wait3A_66 = arith.constant 0 : i32
      %dma_wait3A_67 = tpu.memref_slice %arg6[%multiple_of3A_19, %dma_wait3A_66] : memref<10240x128xf32, #tpu.memory_space<vmem_shared>> -> memref<128x128xf32, #tpu.memory_space<vmem_shared>>
      tpu.wait_dma2 semaphore(%run_scoped3A : memref<!tpu.dma_semaphore, #tpu.memory_space<semaphore_mem>>) src(%arg7 : memref<128x128xf32, #tpu.memory_space<vmem>>) dst(%dma_wait3A_67 : memref<128x128xf32, #tpu.memory_space<vmem_shared>>)
      tpu.yield
    }) : () -> ()
    %mul3A_20 = arith.constant 640 : i32
    %mul3A_21 = arith.muli %arg1, %mul3A_20 : i32
    %add3A_22 = arith.constant 384 : i32
    %add3A_23 = arith.addi %mul3A_21, %add3A_22 : i32
    %multiple_of3A_24 = tpu.assume_multiple %add3A_23, 128 : i32
    "tpu.region"() ({
      %run_scoped3A = tpu.sem_alloc : memref<!tpu.dma_semaphore, #tpu.memory_space<semaphore_mem>>
      %dma_start3A = arith.constant 0 : i32
      %dma_start3A_62 = tpu.memref_slice %arg6[%multiple_of3A_24, %dma_start3A] : memref<10240x128xf32, #tpu.memory_space<vmem_shared>> -> memref<128x128xf32, #tpu.memory_space<vmem_shared>>
      %dma_start3A_63 = arith.constant 0 : i32
      %dma_start3A_64 = tpu.memref_slice %arg6[%multiple_of3A_24, %dma_start3A_63] : memref<10240x128xf32, #tpu.memory_space<vmem_shared>> -> memref<128x128xf32, #tpu.memory_space<vmem_shared>>
      tpu.enqueue_dma source(%arg7 : memref<128x128xf32, #tpu.memory_space<vmem>>) target(%dma_start3A_64 : memref<128x128xf32, #tpu.memory_space<vmem_shared>>) target_semaphore(%run_scoped3A : memref<!tpu.dma_semaphore, #tpu.memory_space<semaphore_mem>>)
      %dma_wait3A = arith.constant 0 : i32
      %dma_wait3A_65 = tpu.memref_slice %arg6[%multiple_of3A_24, %dma_wait3A] : memref<10240x128xf32, #tpu.memory_space<vmem_shared>> -> memref<128x128xf32, #tpu.memory_space<vmem_shared>>
      %dma_wait3A_66 = arith.constant 0 : i32
      %dma_wait3A_67 = tpu.memref_slice %arg6[%multiple_of3A_24, %dma_wait3A_66] : memref<10240x128xf32, #tpu.memory_space<vmem_shared>> -> memref<128x128xf32, #tpu.memory_space<vmem_shared>>
      tpu.wait_dma2 semaphore(%run_scoped3A : memref<!tpu.dma_semaphore, #tpu.memory_space<semaphore_mem>>) src(%arg7 : memref<128x128xf32, #tpu.memory_space<vmem>>) dst(%dma_wait3A_67 : memref<128x128xf32, #tpu.memory_space<vmem_shared>>)
      tpu.yield
    }) : () -> ()
    %mul3A_25 = arith.constant 640 : i32
    %mul3A_26 = arith.muli %arg1, %mul3A_25 : i32
    %add3A_27 = arith.constant 512 : i32
    %add3A_28 = arith.addi %mul3A_26, %add3A_27 : i32
    %multiple_of3A_29 = tpu.assume_multiple %add3A_28, 128 : i32
    "tpu.region"() ({
      %run_scoped3A = tpu.sem_alloc : memref<!tpu.dma_semaphore, #tpu.memory_space<semaphore_mem>>
      %dma_start3A = arith.constant 0 : i32
      %dma_start3A_62 = tpu.memref_slice %arg6[%multiple_of3A_29, %dma_start3A] : memref<10240x128xf32, #tpu.memory_space<vmem_shared>> -> memref<128x128xf32, #tpu.memory_space<vmem_shared>>
      %dma_start3A_63 = arith.constant 0 : i32
      %dma_start3A_64 = tpu.memref_slice %arg6[%multiple_of3A_29, %dma_start3A_63] : memref<10240x128xf32, #tpu.memory_space<vmem_shared>> -> memref<128x128xf32, #tpu.memory_space<vmem_shared>>
      tpu.enqueue_dma source(%arg7 : memref<128x128xf32, #tpu.memory_space<vmem>>) target(%dma_start3A_64 : memref<128x128xf32, #tpu.memory_space<vmem_shared>>) target_semaphore(%run_scoped3A : memref<!tpu.dma_semaphore, #tpu.memory_space<semaphore_mem>>)
      %dma_wait3A = arith.constant 0 : i32
      %dma_wait3A_65 = tpu.memref_slice %arg6[%multiple_of3A_29, %dma_wait3A] : memref<10240x128xf32, #tpu.memory_space<vmem_shared>> -> memref<128x128xf32, #tpu.memory_space<vmem_shared>>
      %dma_wait3A_66 = arith.constant 0 : i32
      %dma_wait3A_67 = tpu.memref_slice %arg6[%multiple_of3A_29, %dma_wait3A_66] : memref<10240x128xf32, #tpu.memory_space<vmem_shared>> -> memref<128x128xf32, #tpu.memory_space<vmem_shared>>
      tpu.wait_dma2 semaphore(%run_scoped3A : memref<!tpu.dma_semaphore, #tpu.memory_space<semaphore_mem>>) src(%arg7 : memref<128x128xf32, #tpu.memory_space<vmem>>) dst(%dma_wait3A_67 : memref<128x128xf32, #tpu.memory_space<vmem_shared>>)
      tpu.yield
    }) : () -> ()
    %barrier3A = arith.constant 0 : index
    tpu.barrier barrier_id(%barrier3A)
    %scan3A_30 = arith.constant 0 : i32
    %scan3A_31 = arith.constant 0 : i32
    %scan3A_32 = arith.constant 79 : i32
    %scan3A_33 = arith.addi %scan3A_31, %scan3A_32 : i32
    %scan3A_34 = arith.constant 1 : i32
    scf.for %scan3A_62 = %scan3A_31 to %scan3A_33 step %scan3A_34  : i32 {
      %mul3A_63 = arith.constant 10112 : i32
      %mul3A_64 = arith.muli %add3A, %mul3A_63 : i32
      %mul3A_65 = arith.constant 128 : i32
      %mul3A_66 = arith.muli %scan3A_62, %mul3A_65 : i32
      %add3A_67 = arith.addi %mul3A_64, %mul3A_66 : i32
      %multiple_of3A_68 = tpu.assume_multiple %add3A_67, 128 : i32
      "tpu.region"() ({
        %run_scoped3A = tpu.sem_alloc : memref<!tpu.dma_semaphore, #tpu.memory_space<semaphore_mem>>
        %dma_start3A_73 = tpu.memref_slice %arg3[%multiple_of3A_68] : memref<323584xi32, #tpu.memory_space<hbm>> -> memref<128xi32, #tpu.memory_space<hbm>>
        %dma_start3A_74 = tpu.memref_slice %arg3[%multiple_of3A_68] : memref<323584xi32, #tpu.memory_space<hbm>> -> memref<128xi32, #tpu.memory_space<hbm>>
        tpu.enqueue_dma source(%dma_start3A_74 : memref<128xi32, #tpu.memory_space<hbm>>) target(%arg8 : memref<128xi32, #tpu.memory_space<vmem>>) target_semaphore(%run_scoped3A : memref<!tpu.dma_semaphore, #tpu.memory_space<semaphore_mem>>)
        %dma_wait3A_75 = tpu.memref_slice %arg3[%multiple_of3A_68] : memref<323584xi32, #tpu.memory_space<hbm>> -> memref<128xi32, #tpu.memory_space<hbm>>
        %dma_wait3A_76 = tpu.memref_slice %arg3[%multiple_of3A_68] : memref<323584xi32, #tpu.memory_space<hbm>> -> memref<128xi32, #tpu.memory_space<hbm>>
        tpu.wait_dma2 semaphore(%run_scoped3A : memref<!tpu.dma_semaphore, #tpu.memory_space<semaphore_mem>>) src(%dma_wait3A_76 : memref<128xi32, #tpu.memory_space<hbm>>) dst(%arg8 : memref<128xi32, #tpu.memory_space<vmem>>)
        tpu.yield
      }) : () -> ()
      "tpu.region"() ({
        %run_scoped3A = tpu.sem_alloc : memref<!tpu.dma_semaphore, #tpu.memory_space<semaphore_mem>>
        %dma_start3A_73 = tpu.memref_slice %arg4[%multiple_of3A_68] : memref<323584xi32, #tpu.memory_space<hbm>> -> memref<128xi32, #tpu.memory_space<hbm>>
        %dma_start3A_74 = tpu.memref_slice %arg4[%multiple_of3A_68] : memref<323584xi32, #tpu.memory_space<hbm>> -> memref<128xi32, #tpu.memory_space<hbm>>
        tpu.enqueue_dma source(%dma_start3A_74 : memref<128xi32, #tpu.memory_space<hbm>>) target(%arg9 : memref<128xi32, #tpu.memory_space<vmem>>) target_semaphore(%run_scoped3A : memref<!tpu.dma_semaphore, #tpu.memory_space<semaphore_mem>>)
        %dma_wait3A_75 = tpu.memref_slice %arg4[%multiple_of3A_68] : memref<323584xi32, #tpu.memory_space<hbm>> -> memref<128xi32, #tpu.memory_space<hbm>>
        %dma_wait3A_76 = tpu.memref_slice %arg4[%multiple_of3A_68] : memref<323584xi32, #tpu.memory_space<hbm>> -> memref<128xi32, #tpu.memory_space<hbm>>
        tpu.wait_dma2 semaphore(%run_scoped3A : memref<!tpu.dma_semaphore, #tpu.memory_space<semaphore_mem>>) src(%dma_wait3A_76 : memref<128xi32, #tpu.memory_space<hbm>>) dst(%arg9 : memref<128xi32, #tpu.memory_space<vmem>>)
        tpu.yield
      }) : () -> ()
      %dma_start3A = arith.constant 0 : i32
      %dma_start3A_69 = arith.constant 0 : i32
      %dma_start3A_70 = tpu.memref_slice %arg2[%dma_start3A, %dma_start3A_69] : memref<10000x128xf32, #tpu.memory_space<hbm>> -> memref<10000x128xf32, #tpu.memory_space<hbm>>
      tpu.enqueue_indirect_dma source(%dma_start3A_70 : memref<10000x128xf32, #tpu.memory_space<hbm>>) target(%arg10 : memref<128x128xf32, #tpu.memory_space<vmem>>) offsets(%arg8 : memref<128xi32, #tpu.memory_space<vmem>>) semaphore(%arg11 : memref<!tpu.dma_semaphore, #tpu.memory_space<semaphore_mem>>)
      %dma_wait3A = arith.constant 0 : i32
      %dma_wait3A_71 = arith.constant 0 : i32
      %dma_wait3A_72 = tpu.memref_slice %arg2[%dma_wait3A, %dma_wait3A_71] : memref<10000x128xf32, #tpu.memory_space<hbm>> -> memref<10000x128xf32, #tpu.memory_space<hbm>>
      tpu.wait_indirect_dma semaphore(%arg11 : memref<!tpu.dma_semaphore, #tpu.memory_space<semaphore_mem>>) src(%dma_wait3A_72 : memref<10000x128xf32, #tpu.memory_space<hbm>>) dst(%arg10 : memref<128x128xf32, #tpu.memory_space<vmem>>)
      "tpu.region"() ({
        %run_scoped3A = tpu.sem_alloc : memref<!tpu.dma_semaphore, #tpu.memory_space<semaphore_mem>>
        %dma_start3A_73 = arith.constant 0 : i32
        %dma_start3A_74 = arith.constant 0 : i32
        %dma_start3A_75 = tpu.memref_slice %arg6[%dma_start3A_73, %dma_start3A_74] : memref<10240x128xf32, #tpu.memory_space<vmem_shared>> -> memref<10240x128xf32, #tpu.memory_space<vmem_shared>>
        tpu.enqueue_indirect_dma source(%arg10 : memref<128x128xf32, #tpu.memory_space<vmem>>) target(%dma_start3A_75 : memref<10240x128xf32, #tpu.memory_space<vmem_shared>>) offsets(%arg9 : memref<128xi32, #tpu.memory_space<vmem>>) semaphore(%run_scoped3A : memref<!tpu.dma_semaphore, #tpu.memory_space<semaphore_mem>>) {add = true}
        %dma_wait3A_76 = arith.constant 0 : i32
        %dma_wait3A_77 = arith.constant 0 : i32
        %dma_wait3A_78 = tpu.memref_slice %arg6[%dma_wait3A_76, %dma_wait3A_77] : memref<10240x128xf32, #tpu.memory_space<vmem_shared>> -> memref<10240x128xf32, #tpu.memory_space<vmem_shared>>
        tpu.wait_indirect_dma semaphore(%run_scoped3A : memref<!tpu.dma_semaphore, #tpu.memory_space<semaphore_mem>>) src(%arg10 : memref<128x128xf32, #tpu.memory_space<vmem>>) dst(%dma_wait3A_78 : memref<10240x128xf32, #tpu.memory_space<vmem_shared>>)
        tpu.yield
      }) : () -> ()
    }
    %scan3A_35 = arith.constant 79 : i32
    %barrier3A_36 = arith.constant 0 : index
    tpu.barrier barrier_id(%barrier3A_36)
    %mul3A_37 = arith.constant 640 : i32
    %mul3A_38 = arith.muli %arg1, %mul3A_37 : i32
    %add3A_39 = arith.constant 0 : i32
    %add3A_40 = arith.addi %mul3A_38, %add3A_39 : i32
    %multiple_of3A_41 = tpu.assume_multiple %add3A_40, 128 : i32
    "tpu.region"() ({
      %run_scoped3A = tpu.sem_alloc : memref<!tpu.dma_semaphore, #tpu.memory_space<semaphore_mem>>
      %dma_start3A = arith.constant 0 : i32
      %dma_start3A_62 = tpu.memref_slice %arg6[%multiple_of3A_41, %dma_start3A] : memref<10240x128xf32, #tpu.memory_space<vmem_shared>> -> memref<128x128xf32, #tpu.memory_space<vmem_shared>>
      %dma_start3A_63 = arith.constant 0 : i32
      %dma_start3A_64 = tpu.memref_slice %arg6[%multiple_of3A_41, %dma_start3A_63] : memref<10240x128xf32, #tpu.memory_space<vmem_shared>> -> memref<128x128xf32, #tpu.memory_space<vmem_shared>>
      tpu.enqueue_dma source(%dma_start3A_64 : memref<128x128xf32, #tpu.memory_space<vmem_shared>>) target(%arg10 : memref<128x128xf32, #tpu.memory_space<vmem>>) target_semaphore(%run_scoped3A : memref<!tpu.dma_semaphore, #tpu.memory_space<semaphore_mem>>)
      %dma_wait3A = arith.constant 0 : i32
      %dma_wait3A_65 = tpu.memref_slice %arg6[%multiple_of3A_41, %dma_wait3A] : memref<10240x128xf32, #tpu.memory_space<vmem_shared>> -> memref<128x128xf32, #tpu.memory_space<vmem_shared>>
      %dma_wait3A_66 = arith.constant 0 : i32
      %dma_wait3A_67 = tpu.memref_slice %arg6[%multiple_of3A_41, %dma_wait3A_66] : memref<10240x128xf32, #tpu.memory_space<vmem_shared>> -> memref<128x128xf32, #tpu.memory_space<vmem_shared>>
      tpu.wait_dma2 semaphore(%run_scoped3A : memref<!tpu.dma_semaphore, #tpu.memory_space<semaphore_mem>>) src(%dma_wait3A_67 : memref<128x128xf32, #tpu.memory_space<vmem_shared>>) dst(%arg10 : memref<128x128xf32, #tpu.memory_space<vmem>>)
      tpu.yield
    }) : () -> ()
    "tpu.region"() ({
      %run_scoped3A = tpu.sem_alloc : memref<!tpu.dma_semaphore, #tpu.memory_space<semaphore_mem>>
      %dma_start3A = arith.constant 0 : i32
      %dma_start3A_62 = tpu.memref_slice %arg5[%arg0, %multiple_of3A_41, %dma_start3A] : memref<2x10240x128xf32, #tpu.memory_space<hbm>> -> memref<1x128x128xf32, #tpu.memory_space<hbm>>
      %dma_start3A_63 = tpu.memref_squeeze %dma_start3A_62 : memref<1x128x128xf32, #tpu.memory_space<hbm>> -> memref<128x128xf32, #tpu.memory_space<hbm>>
      %dma_start3A_64 = arith.constant 0 : i32
      %dma_start3A_65 = tpu.memref_slice %arg5[%arg0, %multiple_of3A_41, %dma_start3A_64] : memref<2x10240x128xf32, #tpu.memory_space<hbm>> -> memref<1x128x128xf32, #tpu.memory_space<hbm>>
      %dma_start3A_66 = tpu.memref_squeeze %dma_start3A_65 : memref<1x128x128xf32, #tpu.memory_space<hbm>> -> memref<128x128xf32, #tpu.memory_space<hbm>>
      tpu.enqueue_dma source(%arg10 : memref<128x128xf32, #tpu.memory_space<vmem>>) target(%dma_start3A_66 : memref<128x128xf32, #tpu.memory_space<hbm>>) target_semaphore(%run_scoped3A : memref<!tpu.dma_semaphore, #tpu.memory_space<semaphore_mem>>)
      %dma_wait3A = arith.constant 0 : i32
      %dma_wait3A_67 = tpu.memref_slice %arg5[%arg0, %multiple_of3A_41, %dma_wait3A] : memref<2x10240x128xf32, #tpu.memory_space<hbm>> -> memref<1x128x128xf32, #tpu.memory_space<hbm>>
      %dma_wait3A_68 = tpu.memref_squeeze %dma_wait3A_67 : memref<1x128x128xf32, #tpu.memory_space<hbm>> -> memref<128x128xf32, #tpu.memory_space<hbm>>
      %dma_wait3A_69 = arith.constant 0 : i32
      %dma_wait3A_70 = tpu.memref_slice %arg5[%arg0, %multiple_of3A_41, %dma_wait3A_69] : memref<2x10240x128xf32, #tpu.memory_space<hbm>> -> memref<1x128x128xf32, #tpu.memory_space<hbm>>
      %dma_wait3A_71 = tpu.memref_squeeze %dma_wait3A_70 : memref<1x128x128xf32, #tpu.memory_space<hbm>> -> memref<128x128xf32, #tpu.memory_space<hbm>>
      tpu.wait_dma2 semaphore(%run_scoped3A : memref<!tpu.dma_semaphore, #tpu.memory_space<semaphore_mem>>) src(%arg10 : memref<128x128xf32, #tpu.memory_space<vmem>>) dst(%dma_wait3A_71 : memref<128x128xf32, #tpu.memory_space<hbm>>)
      tpu.yield
    }) : () -> ()
    %mul3A_42 = arith.constant 640 : i32
    %mul3A_43 = arith.muli %arg1, %mul3A_42 : i32
    %add3A_44 = arith.constant 128 : i32
    %add3A_45 = arith.addi %mul3A_43, %add3A_44 : i32
    %multiple_of3A_46 = tpu.assume_multiple %add3A_45, 128 : i32
    "tpu.region"() ({
      %run_scoped3A = tpu.sem_alloc : memref<!tpu.dma_semaphore, #tpu.memory_space<semaphore_mem>>
      %dma_start3A = arith.constant 0 : i32
      %dma_start3A_62 = tpu.memref_slice %arg6[%multiple_of3A_46, %dma_start3A] : memref<10240x128xf32, #tpu.memory_space<vmem_shared>> -> memref<128x128xf32, #tpu.memory_space<vmem_shared>>
      %dma_start3A_63 = arith.constant 0 : i32
      %dma_start3A_64 = tpu.memref_slice %arg6[%multiple_of3A_46, %dma_start3A_63] : memref<10240x128xf32, #tpu.memory_space<vmem_shared>> -> memref<128x128xf32, #tpu.memory_space<vmem_shared>>
      tpu.enqueue_dma source(%dma_start3A_64 : memref<128x128xf32, #tpu.memory_space<vmem_shared>>) target(%arg10 : memref<128x128xf32, #tpu.memory_space<vmem>>) target_semaphore(%run_scoped3A : memref<!tpu.dma_semaphore, #tpu.memory_space<semaphore_mem>>)
      %dma_wait3A = arith.constant 0 : i32
      %dma_wait3A_65 = tpu.memref_slice %arg6[%multiple_of3A_46, %dma_wait3A] : memref<10240x128xf32, #tpu.memory_space<vmem_shared>> -> memref<128x128xf32, #tpu.memory_space<vmem_shared>>
      %dma_wait3A_66 = arith.constant 0 : i32
      %dma_wait3A_67 = tpu.memref_slice %arg6[%multiple_of3A_46, %dma_wait3A_66] : memref<10240x128xf32, #tpu.memory_space<vmem_shared>> -> memref<128x128xf32, #tpu.memory_space<vmem_shared>>
      tpu.wait_dma2 semaphore(%run_scoped3A : memref<!tpu.dma_semaphore, #tpu.memory_space<semaphore_mem>>) src(%dma_wait3A_67 : memref<128x128xf32, #tpu.memory_space<vmem_shared>>) dst(%arg10 : memref<128x128xf32, #tpu.memory_space<vmem>>)
      tpu.yield
    }) : () -> ()
    "tpu.region"() ({
      %run_scoped3A = tpu.sem_alloc : memref<!tpu.dma_semaphore, #tpu.memory_space<semaphore_mem>>
      %dma_start3A = arith.constant 0 : i32
      %dma_start3A_62 = tpu.memref_slice %arg5[%arg0, %multiple_of3A_46, %dma_start3A] : memref<2x10240x128xf32, #tpu.memory_space<hbm>> -> memref<1x128x128xf32, #tpu.memory_space<hbm>>
      %dma_start3A_63 = tpu.memref_squeeze %dma_start3A_62 : memref<1x128x128xf32, #tpu.memory_space<hbm>> -> memref<128x128xf32, #tpu.memory_space<hbm>>
      %dma_start3A_64 = arith.constant 0 : i32
      %dma_start3A_65 = tpu.memref_slice %arg5[%arg0, %multiple_of3A_46, %dma_start3A_64] : memref<2x10240x128xf32, #tpu.memory_space<hbm>> -> memref<1x128x128xf32, #tpu.memory_space<hbm>>
      %dma_start3A_66 = tpu.memref_squeeze %dma_start3A_65 : memref<1x128x128xf32, #tpu.memory_space<hbm>> -> memref<128x128xf32, #tpu.memory_space<hbm>>
      tpu.enqueue_dma source(%arg10 : memref<128x128xf32, #tpu.memory_space<vmem>>) target(%dma_start3A_66 : memref<128x128xf32, #tpu.memory_space<hbm>>) target_semaphore(%run_scoped3A : memref<!tpu.dma_semaphore, #tpu.memory_space<semaphore_mem>>)
      %dma_wait3A = arith.constant 0 : i32
      %dma_wait3A_67 = tpu.memref_slice %arg5[%arg0, %multiple_of3A_46, %dma_wait3A] : memref<2x10240x128xf32, #tpu.memory_space<hbm>> -> memref<1x128x128xf32, #tpu.memory_space<hbm>>
      %dma_wait3A_68 = tpu.memref_squeeze %dma_wait3A_67 : memref<1x128x128xf32, #tpu.memory_space<hbm>> -> memref<128x128xf32, #tpu.memory_space<hbm>>
      %dma_wait3A_69 = arith.constant 0 : i32
      %dma_wait3A_70 = tpu.memref_slice %arg5[%arg0, %multiple_of3A_46, %dma_wait3A_69] : memref<2x10240x128xf32, #tpu.memory_space<hbm>> -> memref<1x128x128xf32, #tpu.memory_space<hbm>>
      %dma_wait3A_71 = tpu.memref_squeeze %dma_wait3A_70 : memref<1x128x128xf32, #tpu.memory_space<hbm>> -> memref<128x128xf32, #tpu.memory_space<hbm>>
      tpu.wait_dma2 semaphore(%run_scoped3A : memref<!tpu.dma_semaphore, #tpu.memory_space<semaphore_mem>>) src(%arg10 : memref<128x128xf32, #tpu.memory_space<vmem>>) dst(%dma_wait3A_71 : memref<128x128xf32, #tpu.memory_space<hbm>>)
      tpu.yield
    }) : () -> ()
    %mul3A_47 = arith.constant 640 : i32
    %mul3A_48 = arith.muli %arg1, %mul3A_47 : i32
    %add3A_49 = arith.constant 256 : i32
    %add3A_50 = arith.addi %mul3A_48, %add3A_49 : i32
    %multiple_of3A_51 = tpu.assume_multiple %add3A_50, 128 : i32
    "tpu.region"() ({
      %run_scoped3A = tpu.sem_alloc : memref<!tpu.dma_semaphore, #tpu.memory_space<semaphore_mem>>
      %dma_start3A = arith.constant 0 : i32
      %dma_start3A_62 = tpu.memref_slice %arg6[%multiple_of3A_51, %dma_start3A] : memref<10240x128xf32, #tpu.memory_space<vmem_shared>> -> memref<128x128xf32, #tpu.memory_space<vmem_shared>>
      %dma_start3A_63 = arith.constant 0 : i32
      %dma_start3A_64 = tpu.memref_slice %arg6[%multiple_of3A_51, %dma_start3A_63] : memref<10240x128xf32, #tpu.memory_space<vmem_shared>> -> memref<128x128xf32, #tpu.memory_space<vmem_shared>>
      tpu.enqueue_dma source(%dma_start3A_64 : memref<128x128xf32, #tpu.memory_space<vmem_shared>>) target(%arg10 : memref<128x128xf32, #tpu.memory_space<vmem>>) target_semaphore(%run_scoped3A : memref<!tpu.dma_semaphore, #tpu.memory_space<semaphore_mem>>)
      %dma_wait3A = arith.constant 0 : i32
      %dma_wait3A_65 = tpu.memref_slice %arg6[%multiple_of3A_51, %dma_wait3A] : memref<10240x128xf32, #tpu.memory_space<vmem_shared>> -> memref<128x128xf32, #tpu.memory_space<vmem_shared>>
      %dma_wait3A_66 = arith.constant 0 : i32
      %dma_wait3A_67 = tpu.memref_slice %arg6[%multiple_of3A_51, %dma_wait3A_66] : memref<10240x128xf32, #tpu.memory_space<vmem_shared>> -> memref<128x128xf32, #tpu.memory_space<vmem_shared>>
      tpu.wait_dma2 semaphore(%run_scoped3A : memref<!tpu.dma_semaphore, #tpu.memory_space<semaphore_mem>>) src(%dma_wait3A_67 : memref<128x128xf32, #tpu.memory_space<vmem_shared>>) dst(%arg10 : memref<128x128xf32, #tpu.memory_space<vmem>>)
      tpu.yield
    }) : () -> ()
    "tpu.region"() ({
      %run_scoped3A = tpu.sem_alloc : memref<!tpu.dma_semaphore, #tpu.memory_space<semaphore_mem>>
      %dma_start3A = arith.constant 0 : i32
      %dma_start3A_62 = tpu.memref_slice %arg5[%arg0, %multiple_of3A_51, %dma_start3A] : memref<2x10240x128xf32, #tpu.memory_space<hbm>> -> memref<1x128x128xf32, #tpu.memory_space<hbm>>
      %dma_start3A_63 = tpu.memref_squeeze %dma_start3A_62 : memref<1x128x128xf32, #tpu.memory_space<hbm>> -> memref<128x128xf32, #tpu.memory_space<hbm>>
      %dma_start3A_64 = arith.constant 0 : i32
      %dma_start3A_65 = tpu.memref_slice %arg5[%arg0, %multiple_of3A_51, %dma_start3A_64] : memref<2x10240x128xf32, #tpu.memory_space<hbm>> -> memref<1x128x128xf32, #tpu.memory_space<hbm>>
      %dma_start3A_66 = tpu.memref_squeeze %dma_start3A_65 : memref<1x128x128xf32, #tpu.memory_space<hbm>> -> memref<128x128xf32, #tpu.memory_space<hbm>>
      tpu.enqueue_dma source(%arg10 : memref<128x128xf32, #tpu.memory_space<vmem>>) target(%dma_start3A_66 : memref<128x128xf32, #tpu.memory_space<hbm>>) target_semaphore(%run_scoped3A : memref<!tpu.dma_semaphore, #tpu.memory_space<semaphore_mem>>)
      %dma_wait3A = arith.constant 0 : i32
      %dma_wait3A_67 = tpu.memref_slice %arg5[%arg0, %multiple_of3A_51, %dma_wait3A] : memref<2x10240x128xf32, #tpu.memory_space<hbm>> -> memref<1x128x128xf32, #tpu.memory_space<hbm>>
      %dma_wait3A_68 = tpu.memref_squeeze %dma_wait3A_67 : memref<1x128x128xf32, #tpu.memory_space<hbm>> -> memref<128x128xf32, #tpu.memory_space<hbm>>
      %dma_wait3A_69 = arith.constant 0 : i32
      %dma_wait3A_70 = tpu.memref_slice %arg5[%arg0, %multiple_of3A_51, %dma_wait3A_69] : memref<2x10240x128xf32, #tpu.memory_space<hbm>> -> memref<1x128x128xf32, #tpu.memory_space<hbm>>
      %dma_wait3A_71 = tpu.memref_squeeze %dma_wait3A_70 : memref<1x128x128xf32, #tpu.memory_space<hbm>> -> memref<128x128xf32, #tpu.memory_space<hbm>>
      tpu.wait_dma2 semaphore(%run_scoped3A : memref<!tpu.dma_semaphore, #tpu.memory_space<semaphore_mem>>) src(%arg10 : memref<128x128xf32, #tpu.memory_space<vmem>>) dst(%dma_wait3A_71 : memref<128x128xf32, #tpu.memory_space<hbm>>)
      tpu.yield
    }) : () -> ()
    %mul3A_52 = arith.constant 640 : i32
    %mul3A_53 = arith.muli %arg1, %mul3A_52 : i32
    %add3A_54 = arith.constant 384 : i32
    %add3A_55 = arith.addi %mul3A_53, %add3A_54 : i32
    %multiple_of3A_56 = tpu.assume_multiple %add3A_55, 128 : i32
    "tpu.region"() ({
      %run_scoped3A = tpu.sem_alloc : memref<!tpu.dma_semaphore, #tpu.memory_space<semaphore_mem>>
      %dma_start3A = arith.constant 0 : i32
      %dma_start3A_62 = tpu.memref_slice %arg6[%multiple_of3A_56, %dma_start3A] : memref<10240x128xf32, #tpu.memory_space<vmem_shared>> -> memref<128x128xf32, #tpu.memory_space<vmem_shared>>
      %dma_start3A_63 = arith.constant 0 : i32
      %dma_start3A_64 = tpu.memref_slice %arg6[%multiple_of3A_56, %dma_start3A_63] : memref<10240x128xf32, #tpu.memory_space<vmem_shared>> -> memref<128x128xf32, #tpu.memory_space<vmem_shared>>
      tpu.enqueue_dma source(%dma_start3A_64 : memref<128x128xf32, #tpu.memory_space<vmem_shared>>) target(%arg10 : memref<128x128xf32, #tpu.memory_space<vmem>>) target_semaphore(%run_scoped3A : memref<!tpu.dma_semaphore, #tpu.memory_space<semaphore_mem>>)
      %dma_wait3A = arith.constant 0 : i32
      %dma_wait3A_65 = tpu.memref_slice %arg6[%multiple_of3A_56, %dma_wait3A] : memref<10240x128xf32, #tpu.memory_space<vmem_shared>> -> memref<128x128xf32, #tpu.memory_space<vmem_shared>>
      %dma_wait3A_66 = arith.constant 0 : i32
      %dma_wait3A_67 = tpu.memref_slice %arg6[%multiple_of3A_56, %dma_wait3A_66] : memref<10240x128xf32, #tpu.memory_space<vmem_shared>> -> memref<128x128xf32, #tpu.memory_space<vmem_shared>>
      tpu.wait_dma2 semaphore(%run_scoped3A : memref<!tpu.dma_semaphore, #tpu.memory_space<semaphore_mem>>) src(%dma_wait3A_67 : memref<128x128xf32, #tpu.memory_space<vmem_shared>>) dst(%arg10 : memref<128x128xf32, #tpu.memory_space<vmem>>)
      tpu.yield
    }) : () -> ()
    "tpu.region"() ({
      %run_scoped3A = tpu.sem_alloc : memref<!tpu.dma_semaphore, #tpu.memory_space<semaphore_mem>>
      %dma_start3A = arith.constant 0 : i32
      %dma_start3A_62 = tpu.memref_slice %arg5[%arg0, %multiple_of3A_56, %dma_start3A] : memref<2x10240x128xf32, #tpu.memory_space<hbm>> -> memref<1x128x128xf32, #tpu.memory_space<hbm>>
      %dma_start3A_63 = tpu.memref_squeeze %dma_start3A_62 : memref<1x128x128xf32, #tpu.memory_space<hbm>> -> memref<128x128xf32, #tpu.memory_space<hbm>>
      %dma_start3A_64 = arith.constant 0 : i32
      %dma_start3A_65 = tpu.memref_slice %arg5[%arg0, %multiple_of3A_56, %dma_start3A_64] : memref<2x10240x128xf32, #tpu.memory_space<hbm>> -> memref<1x128x128xf32, #tpu.memory_space<hbm>>
      %dma_start3A_66 = tpu.memref_squeeze %dma_start3A_65 : memref<1x128x128xf32, #tpu.memory_space<hbm>> -> memref<128x128xf32, #tpu.memory_space<hbm>>
      tpu.enqueue_dma source(%arg10 : memref<128x128xf32, #tpu.memory_space<vmem>>) target(%dma_start3A_66 : memref<128x128xf32, #tpu.memory_space<hbm>>) target_semaphore(%run_scoped3A : memref<!tpu.dma_semaphore, #tpu.memory_space<semaphore_mem>>)
      %dma_wait3A = arith.constant 0 : i32
      %dma_wait3A_67 = tpu.memref_slice %arg5[%arg0, %multiple_of3A_56, %dma_wait3A] : memref<2x10240x128xf32, #tpu.memory_space<hbm>> -> memref<1x128x128xf32, #tpu.memory_space<hbm>>
      %dma_wait3A_68 = tpu.memref_squeeze %dma_wait3A_67 : memref<1x128x128xf32, #tpu.memory_space<hbm>> -> memref<128x128xf32, #tpu.memory_space<hbm>>
      %dma_wait3A_69 = arith.constant 0 : i32
      %dma_wait3A_70 = tpu.memref_slice %arg5[%arg0, %multiple_of3A_56, %dma_wait3A_69] : memref<2x10240x128xf32, #tpu.memory_space<hbm>> -> memref<1x128x128xf32, #tpu.memory_space<hbm>>
      %dma_wait3A_71 = tpu.memref_squeeze %dma_wait3A_70 : memref<1x128x128xf32, #tpu.memory_space<hbm>> -> memref<128x128xf32, #tpu.memory_space<hbm>>
      tpu.wait_dma2 semaphore(%run_scoped3A : memref<!tpu.dma_semaphore, #tpu.memory_space<semaphore_mem>>) src(%arg10 : memref<128x128xf32, #tpu.memory_space<vmem>>) dst(%dma_wait3A_71 : memref<128x128xf32, #tpu.memory_space<hbm>>)
      tpu.yield
    }) : () -> ()
    %mul3A_57 = arith.constant 640 : i32
    %mul3A_58 = arith.muli %arg1, %mul3A_57 : i32
    %add3A_59 = arith.constant 512 : i32
    %add3A_60 = arith.addi %mul3A_58, %add3A_59 : i32
    %multiple_of3A_61 = tpu.assume_multiple %add3A_60, 128 : i32
    "tpu.region"() ({
      %run_scoped3A = tpu.sem_alloc : memref<!tpu.dma_semaphore, #tpu.memory_space<semaphore_mem>>
      %dma_start3A = arith.constant 0 : i32
      %dma_start3A_62 = tpu.memref_slice %arg6[%multiple_of3A_61, %dma_start3A] : memref<10240x128xf32, #tpu.memory_space<vmem_shared>> -> memref<128x128xf32, #tpu.memory_space<vmem_shared>>
      %dma_start3A_63 = arith.constant 0 : i32
      %dma_start3A_64 = tpu.memref_slice %arg6[%multiple_of3A_61, %dma_start3A_63] : memref<10240x128xf32, #tpu.memory_space<vmem_shared>> -> memref<128x128xf32, #tpu.memory_space<vmem_shared>>
      tpu.enqueue_dma source(%dma_start3A_64 : memref<128x128xf32, #tpu.memory_space<vmem_shared>>) target(%arg10 : memref<128x128xf32, #tpu.memory_space<vmem>>) target_semaphore(%run_scoped3A : memref<!tpu.dma_semaphore, #tpu.memory_space<semaphore_mem>>)
      %dma_wait3A = arith.constant 0 : i32
      %dma_wait3A_65 = tpu.memref_slice %arg6[%multiple_of3A_61, %dma_wait3A] : memref<10240x128xf32, #tpu.memory_space<vmem_shared>> -> memref<128x128xf32, #tpu.memory_space<vmem_shared>>
      %dma_wait3A_66 = arith.constant 0 : i32
      %dma_wait3A_67 = tpu.memref_slice %arg6[%multiple_of3A_61, %dma_wait3A_66] : memref<10240x128xf32, #tpu.memory_space<vmem_shared>> -> memref<128x128xf32, #tpu.memory_space<vmem_shared>>
      tpu.wait_dma2 semaphore(%run_scoped3A : memref<!tpu.dma_semaphore, #tpu.memory_space<semaphore_mem>>) src(%dma_wait3A_67 : memref<128x128xf32, #tpu.memory_space<vmem_shared>>) dst(%arg10 : memref<128x128xf32, #tpu.memory_space<vmem>>)
      tpu.yield
    }) : () -> ()
    "tpu.region"() ({
      %run_scoped3A = tpu.sem_alloc : memref<!tpu.dma_semaphore, #tpu.memory_space<semaphore_mem>>
      %dma_start3A = arith.constant 0 : i32
      %dma_start3A_62 = tpu.memref_slice %arg5[%arg0, %multiple_of3A_61, %dma_start3A] : memref<2x10240x128xf32, #tpu.memory_space<hbm>> -> memref<1x128x128xf32, #tpu.memory_space<hbm>>
      %dma_start3A_63 = tpu.memref_squeeze %dma_start3A_62 : memref<1x128x128xf32, #tpu.memory_space<hbm>> -> memref<128x128xf32, #tpu.memory_space<hbm>>
      %dma_start3A_64 = arith.constant 0 : i32
      %dma_start3A_65 = tpu.memref_slice %arg5[%arg0, %multiple_of3A_61, %dma_start3A_64] : memref<2x10240x128xf32, #tpu.memory_space<hbm>> -> memref<1x128x128xf32, #tpu.memory_space<hbm>>
      %dma_start3A_66 = tpu.memref_squeeze %dma_start3A_65 : memref<1x128x128xf32, #tpu.memory_space<hbm>> -> memref<128x128xf32, #tpu.memory_space<hbm>>
      tpu.enqueue_dma source(%arg10 : memref<128x128xf32, #tpu.memory_space<vmem>>) target(%dma_start3A_66 : memref<128x128xf32, #tpu.memory_space<hbm>>) target_semaphore(%run_scoped3A : memref<!tpu.dma_semaphore, #tpu.memory_space<semaphore_mem>>)
      %dma_wait3A = arith.constant 0 : i32
      %dma_wait3A_67 = tpu.memref_slice %arg5[%arg0, %multiple_of3A_61, %dma_wait3A] : memref<2x10240x128xf32, #tpu.memory_space<hbm>> -> memref<1x128x128xf32, #tpu.memory_space<hbm>>
      %dma_wait3A_68 = tpu.memref_squeeze %dma_wait3A_67 : memref<1x128x128xf32, #tpu.memory_space<hbm>> -> memref<128x128xf32, #tpu.memory_space<hbm>>
      %dma_wait3A_69 = arith.constant 0 : i32
      %dma_wait3A_70 = tpu.memref_slice %arg5[%arg0, %multiple_of3A_61, %dma_wait3A_69] : memref<2x10240x128xf32, #tpu.memory_space<hbm>> -> memref<1x128x128xf32, #tpu.memory_space<hbm>>
      %dma_wait3A_71 = tpu.memref_squeeze %dma_wait3A_70 : memref<1x128x128xf32, #tpu.memory_space<hbm>> -> memref<128x128xf32, #tpu.memory_space<hbm>>
      tpu.wait_dma2 semaphore(%run_scoped3A : memref<!tpu.dma_semaphore, #tpu.memory_space<semaphore_mem>>) src(%arg10 : memref<128x128xf32, #tpu.memory_space<vmem>>) dst(%dma_wait3A_71 : memref<128x128xf32, #tpu.memory_space<hbm>>)
      tpu.yield
    }) : () -> ()
    return
  }
}

#map = affine_map<(d0, d1) -> (0, 0)>
#map1 = affine_map<(d0, d1) -> (0)>
#map2 = affine_map<(d0, d1) -> (0, 0, 0)>
module attributes {stable_mosaic.version = 14 : i64} {
  func.func @_spmm_body(%arg0: i32, %arg1: i32, %arg2: memref<10000x128xf32, #tpu.memory_space<hbm>>, %arg3: memref<323584xi32, #tpu.memory_space<hbm>>, %arg4: memref<323584xi32, #tpu.memory_space<hbm>>, %arg5: memref<2x10240x128xf32, #tpu.memory_space<hbm>>, %arg6: memref<10240x128xf32, #tpu.memory_space<vmem_shared>>, %arg7: memref<128x128xf32, #tpu.memory_space<vmem>>, %arg8: memref<128xi32, #tpu.memory_space<vmem>>, %arg9: memref<128xi32, #tpu.memory_space<vmem>>, %arg10: memref<128x128xf32, #tpu.memory_space<vmem>>, %arg11: memref<!tpu.dma_semaphore, #tpu.memory_space<semaphore_mem>>) attributes {dimension_semantics = [#tpu.dimension_semantics<core_parallel>, #tpu.dimension_semantics<subcore_parallel>], iteration_bounds = array<i64: 2, 16>, scalar_prefetch = 0 : i64, scratch_operands = 6 : i64, tpu.core_type = #tpu.core_type<sc_vector_subcore>, window_params = [{transform_indices = #map}, {transform_indices = #map1}, {transform_indices = #map1}, {transform_indices = #map2}]} {
    %mul3A = arith.constant 2 : i32
    %mul3A_0 = arith.muli %arg1, %mul3A : i32
    %add3A = arith.addi %mul3A_0, %arg0 : i32
    %scan3A = arith.constant 0 : i32
    %scan3A_1 = arith.constant 0 : i32
    %scan3A_2 = arith.constant 128 : i32
    %scan3A_3 = arith.addi %scan3A_1, %scan3A_2 : i32
    %scan3A_4 = arith.constant 1 : i32
    scf.for %scan3A_62 = %scan3A_1 to %scan3A_3 step %scan3A_4  : i32 {
      %broadcast_in_dim3A = arith.constant 0.000000e+00 : f32
      %broadcast_in_dim3A_63 = vector.broadcast %broadcast_in_dim3A : f32 to vector<16xf32>
      %swap3A = arith.index_cast %scan3A_62 : i32 to index
      %swap3A_64 = arith.constant 0 : index
      %swap3A_65 = tpu.vector_load %arg7[%swap3A, %swap3A_64] {strides = array<i32>} : memref<128x128xf32, #tpu.memory_space<vmem>>, vector<1x16xf32>,
      %swap3A_66 = vector.shape_cast %swap3A_65 : vector<1x16xf32> to vector<16xf32>
      %swap3A_67 = vector.shape_cast %broadcast_in_dim3A_63 : vector<16xf32> to vector<1x16xf32>
      tpu.vector_store %arg7[%swap3A, %swap3A_64], %swap3A_67 {strides = array<i32>} : memref<128x128xf32, #tpu.memory_space<vmem>>, vector<1x16xf32>,
      %broadcast_in_dim3A_68 = arith.constant 0.000000e+00 : f32
      %broadcast_in_dim3A_69 = vector.broadcast %broadcast_in_dim3A_68 : f32 to vector<16xf32>
      %swap3A_70 = arith.index_cast %scan3A_62 : i32 to index
      %swap3A_71 = arith.constant 16 : index
      %swap3A_72 = tpu.vector_load %arg7[%swap3A_70, %swap3A_71] {strides = array<i32>} : memref<128x128xf32, #tpu.memory_space<vmem>>, vector<1x16xf32>,
      %swap3A_73 = vector.shape_cast %swap3A_72 : vector<1x16xf32> to vector<16xf32>
      %swap3A_74 = vector.shape_cast %broadcast_in_dim3A_69 : vector<16xf32> to vector<1x16xf32>
      tpu.vector_store %arg7[%swap3A_70, %swap3A_71], %swap3A_74 {strides = array<i32>} : memref<128x128xf32, #tpu.memory_space<vmem>>, vector<1x16xf32>,
      %broadcast_in_dim3A_75 = arith.constant 0.000000e+00 : f32
      %broadcast_in_dim3A_76 = vector.broadcast %broadcast_in_dim3A_75 : f32 to vector<16xf32>
      %swap3A_77 = arith.index_cast %scan3A_62 : i32 to index
      %swap3A_78 = arith.constant 32 : index
      %swap3A_79 = tpu.vector_load %arg7[%swap3A_77, %swap3A_78] {strides = array<i32>} : memref<128x128xf32, #tpu.memory_space<vmem>>, vector<1x16xf32>,
      %swap3A_80 = vector.shape_cast %swap3A_79 : vector<1x16xf32> to vector<16xf32>
      %swap3A_81 = vector.shape_cast %broadcast_in_dim3A_76 : vector<16xf32> to vector<1x16xf32>
      tpu.vector_store %arg7[%swap3A_77, %swap3A_78], %swap3A_81 {strides = array<i32>} : memref<128x128xf32, #tpu.memory_space<vmem>>, vector<1x16xf32>,
      %broadcast_in_dim3A_82 = arith.constant 0.000000e+00 : f32
      %broadcast_in_dim3A_83 = vector.broadcast %broadcast_in_dim3A_82 : f32 to vector<16xf32>
      %swap3A_84 = arith.index_cast %scan3A_62 : i32 to index
      %swap3A_85 = arith.constant 48 : index
      %swap3A_86 = tpu.vector_load %arg7[%swap3A_84, %swap3A_85] {strides = array<i32>} : memref<128x128xf32, #tpu.memory_space<vmem>>, vector<1x16xf32>,
      %swap3A_87 = vector.shape_cast %swap3A_86 : vector<1x16xf32> to vector<16xf32>
      %swap3A_88 = vector.shape_cast %broadcast_in_dim3A_83 : vector<16xf32> to vector<1x16xf32>
      tpu.vector_store %arg7[%swap3A_84, %swap3A_85], %swap3A_88 {strides = array<i32>} : memref<128x128xf32, #tpu.memory_space<vmem>>, vector<1x16xf32>,
      %broadcast_in_dim3A_89 = arith.constant 0.000000e+00 : f32
      %broadcast_in_dim3A_90 = vector.broadcast %broadcast_in_dim3A_89 : f32 to vector<16xf32>
      %swap3A_91 = arith.index_cast %scan3A_62 : i32 to index
      %swap3A_92 = arith.constant 64 : index
      %swap3A_93 = tpu.vector_load %arg7[%swap3A_91, %swap3A_92] {strides = array<i32>} : memref<128x128xf32, #tpu.memory_space<vmem>>, vector<1x16xf32>,
      %swap3A_94 = vector.shape_cast %swap3A_93 : vector<1x16xf32> to vector<16xf32>
      %swap3A_95 = vector.shape_cast %broadcast_in_dim3A_90 : vector<16xf32> to vector<1x16xf32>
      tpu.vector_store %arg7[%swap3A_91, %swap3A_92], %swap3A_95 {strides = array<i32>} : memref<128x128xf32, #tpu.memory_space<vmem>>, vector<1x16xf32>,
      %broadcast_in_dim3A_96 = arith.constant 0.000000e+00 : f32
      %broadcast_in_dim3A_97 = vector.broadcast %broadcast_in_dim3A_96 : f32 to vector<16xf32>
      %swap3A_98 = arith.index_cast %scan3A_62 : i32 to index
      %swap3A_99 = arith.constant 80 : index
      %swap3A_100 = tpu.vector_load %arg7[%swap3A_98, %swap3A_99] {strides = array<i32>} : memref<128x128xf32, #tpu.memory_space<vmem>>, vector<1x16xf32>,
      %swap3A_101 = vector.shape_cast %swap3A_100 : vector<1x16xf32> to vector<16xf32>
      %swap3A_102 = vector.shape_cast %broadcast_in_dim3A_97 : vector<16xf32> to vector<1x16xf32>
      tpu.vector_store %arg7[%swap3A_98, %swap3A_99], %swap3A_102 {strides = array<i32>} : memref<128x128xf32, #tpu.memory_space<vmem>>, vector<1x16xf32>,
      %broadcast_in_dim3A_103 = arith.constant 0.000000e+00 : f32
      %broadcast_in_dim3A_104 = vector.broadcast %broadcast_in_dim3A_103 : f32 to vector<16xf32>
      %swap3A_105 = arith.index_cast %scan3A_62 : i32 to index
      %swap3A_106 = arith.constant 96 : index
      %swap3A_107 = tpu.vector_load %arg7[%swap3A_105, %swap3A_106] {strides = array<i32>} : memref<128x128xf32, #tpu.memory_space<vmem>>, vector<1x16xf32>,
      %swap3A_108 = vector.shape_cast %swap3A_107 : vector<1x16xf32> to vector<16xf32>
      %swap3A_109 = vector.shape_cast %broadcast_in_dim3A_104 : vector<16xf32> to vector<1x16xf32>
      tpu.vector_store %arg7[%swap3A_105, %swap3A_106], %swap3A_109 {strides = array<i32>} : memref<128x128xf32, #tpu.memory_space<vmem>>, vector<1x16xf32>,
      %broadcast_in_dim3A_110 = arith.constant 0.000000e+00 : f32
      %broadcast_in_dim3A_111 = vector.broadcast %broadcast_in_dim3A_110 : f32 to vector<16xf32>
      %swap3A_112 = arith.index_cast %scan3A_62 : i32 to index
      %swap3A_113 = arith.constant 112 : index
      %swap3A_114 = tpu.vector_load %arg7[%swap3A_112, %swap3A_113] {strides = array<i32>} : memref<128x128xf32, #tpu.memory_space<vmem>>, vector<1x16xf32>,
      %swap3A_115 = vector.shape_cast %swap3A_114 : vector<1x16xf32> to vector<16xf32>
      %swap3A_116 = vector.shape_cast %broadcast_in_dim3A_111 : vector<16xf32> to vector<1x16xf32>
      tpu.vector_store %arg7[%swap3A_112, %swap3A_113], %swap3A_116 {strides = array<i32>} : memref<128x128xf32, #tpu.memory_space<vmem>>, vector<1x16xf32>,
    }
    %scan3A_5 = arith.constant 128 : i32
    %mul3A_6 = arith.constant 640 : i32
    %mul3A_7 = arith.muli %arg1, %mul3A_6 : i32
    %add3A_8 = arith.constant 0 : i32
    %add3A_9 = arith.addi %mul3A_7, %add3A_8 : i32
    %multiple_of3A = tpu.assume_multiple %add3A_9, 128 : i32
    "tpu.region"() ({
      %run_scoped3A = tpu.sem_alloc : memref<!tpu.dma_semaphore, #tpu.memory_space<semaphore_mem>>
      %dma_start3A = arith.constant 0 : i32
      %dma_start3A_62 = tpu.memref_slice %arg6[%multiple_of3A, %dma_start3A] : memref<10240x128xf32, #tpu.memory_space<vmem_shared>> -> memref<128x128xf32, #tpu.memory_space<vmem_shared>>
      %dma_start3A_63 = arith.constant 0 : i32
      %dma_start3A_64 = tpu.memref_slice %arg6[%multiple_of3A, %dma_start3A_63] : memref<10240x128xf32, #tpu.memory_space<vmem_shared>> -> memref<128x128xf32, #tpu.memory_space<vmem_shared>>
      tpu.enqueue_dma source(%arg7 : memref<128x128xf32, #tpu.memory_space<vmem>>) target(%dma_start3A_64 : memref<128x128xf32, #tpu.memory_space<vmem_shared>>) target_semaphore(%run_scoped3A : memref<!tpu.dma_semaphore, #tpu.memory_space<semaphore_mem>>)
      %dma_wait3A = arith.constant 0 : i32
      %dma_wait3A_65 = tpu.memref_slice %arg6[%multiple_of3A, %dma_wait3A] : memref<10240x128xf32, #tpu.memory_space<vmem_shared>> -> memref<128x128xf32, #tpu.memory_space<vmem_shared>>
      %dma_wait3A_66 = arith.constant 0 : i32
      %dma_wait3A_67 = tpu.memref_slice %arg6[%multiple_of3A, %dma_wait3A_66] : memref<10240x128xf32, #tpu.memory_space<vmem_shared>> -> memref<128x128xf32, #tpu.memory_space<vmem_shared>>
      tpu.wait_dma2 semaphore(%run_scoped3A : memref<!tpu.dma_semaphore, #tpu.memory_space<semaphore_mem>>) src(%arg7 : memref<128x128xf32, #tpu.memory_space<vmem>>) dst(%dma_wait3A_67 : memref<128x128xf32, #tpu.memory_space<vmem_shared>>)
      tpu.yield
    }) : () -> ()
    %mul3A_10 = arith.constant 640 : i32
    %mul3A_11 = arith.muli %arg1, %mul3A_10 : i32
    %add3A_12 = arith.constant 128 : i32
    %add3A_13 = arith.addi %mul3A_11, %add3A_12 : i32
    %multiple_of3A_14 = tpu.assume_multiple %add3A_13, 128 : i32
    "tpu.region"() ({
      %run_scoped3A = tpu.sem_alloc : memref<!tpu.dma_semaphore, #tpu.memory_space<semaphore_mem>>
      %dma_start3A = arith.constant 0 : i32
      %dma_start3A_62 = tpu.memref_slice %arg6[%multiple_of3A_14, %dma_start3A] : memref<10240x128xf32, #tpu.memory_space<vmem_shared>> -> memref<128x128xf32, #tpu.memory_space<vmem_shared>>
      %dma_start3A_63 = arith.constant 0 : i32
      %dma_start3A_64 = tpu.memref_slice %arg6[%multiple_of3A_14, %dma_start3A_63] : memref<10240x128xf32, #tpu.memory_space<vmem_shared>> -> memref<128x128xf32, #tpu.memory_space<vmem_shared>>
      tpu.enqueue_dma source(%arg7 : memref<128x128xf32, #tpu.memory_space<vmem>>) target(%dma_start3A_64 : memref<128x128xf32, #tpu.memory_space<vmem_shared>>) target_semaphore(%run_scoped3A : memref<!tpu.dma_semaphore, #tpu.memory_space<semaphore_mem>>)
      %dma_wait3A = arith.constant 0 : i32
      %dma_wait3A_65 = tpu.memref_slice %arg6[%multiple_of3A_14, %dma_wait3A] : memref<10240x128xf32, #tpu.memory_space<vmem_shared>> -> memref<128x128xf32, #tpu.memory_space<vmem_shared>>
      %dma_wait3A_66 = arith.constant 0 : i32
      %dma_wait3A_67 = tpu.memref_slice %arg6[%multiple_of3A_14, %dma_wait3A_66] : memref<10240x128xf32, #tpu.memory_space<vmem_shared>> -> memref<128x128xf32, #tpu.memory_space<vmem_shared>>
      tpu.wait_dma2 semaphore(%run_scoped3A : memref<!tpu.dma_semaphore, #tpu.memory_space<semaphore_mem>>) src(%arg7 : memref<128x128xf32, #tpu.memory_space<vmem>>) dst(%dma_wait3A_67 : memref<128x128xf32, #tpu.memory_space<vmem_shared>>)
      tpu.yield
    }) : () -> ()
    %mul3A_15 = arith.constant 640 : i32
    %mul3A_16 = arith.muli %arg1, %mul3A_15 : i32
    %add3A_17 = arith.constant 256 : i32
    %add3A_18 = arith.addi %mul3A_16, %add3A_17 : i32
    %multiple_of3A_19 = tpu.assume_multiple %add3A_18, 128 : i32
    "tpu.region"() ({
      %run_scoped3A = tpu.sem_alloc : memref<!tpu.dma_semaphore, #tpu.memory_space<semaphore_mem>>
      %dma_start3A = arith.constant 0 : i32
      %dma_start3A_62 = tpu.memref_slice %arg6[%multiple_of3A_19, %dma_start3A] : memref<10240x128xf32, #tpu.memory_space<vmem_shared>> -> memref<128x128xf32, #tpu.memory_space<vmem_shared>>
      %dma_start3A_63 = arith.constant 0 : i32
      %dma_start3A_64 = tpu.memref_slice %arg6[%multiple_of3A_19, %dma_start3A_63] : memref<10240x128xf32, #tpu.memory_space<vmem_shared>> -> memref<128x128xf32, #tpu.memory_space<vmem_shared>>
      tpu.enqueue_dma source(%arg7 : memref<128x128xf32, #tpu.memory_space<vmem>>) target(%dma_start3A_64 : memref<128x128xf32, #tpu.memory_space<vmem_shared>>) target_semaphore(%run_scoped3A : memref<!tpu.dma_semaphore, #tpu.memory_space<semaphore_mem>>)
      %dma_wait3A = arith.constant 0 : i32
      %dma_wait3A_65 = tpu.memref_slice %arg6[%multiple_of3A_19, %dma_wait3A] : memref<10240x128xf32, #tpu.memory_space<vmem_shared>> -> memref<128x128xf32, #tpu.memory_space<vmem_shared>>
      %dma_wait3A_66 = arith.constant 0 : i32
      %dma_wait3A_67 = tpu.memref_slice %arg6[%multiple_of3A_19, %dma_wait3A_66] : memref<10240x128xf32, #tpu.memory_space<vmem_shared>> -> memref<128x128xf32, #tpu.memory_space<vmem_shared>>
      tpu.wait_dma2 semaphore(%run_scoped3A : memref<!tpu.dma_semaphore, #tpu.memory_space<semaphore_mem>>) src(%arg7 : memref<128x128xf32, #tpu.memory_space<vmem>>) dst(%dma_wait3A_67 : memref<128x128xf32, #tpu.memory_space<vmem_shared>>)
      tpu.yield
    }) : () -> ()
    %mul3A_20 = arith.constant 640 : i32
    %mul3A_21 = arith.muli %arg1, %mul3A_20 : i32
    %add3A_22 = arith.constant 384 : i32
    %add3A_23 = arith.addi %mul3A_21, %add3A_22 : i32
    %multiple_of3A_24 = tpu.assume_multiple %add3A_23, 128 : i32
    "tpu.region"() ({
      %run_scoped3A = tpu.sem_alloc : memref<!tpu.dma_semaphore, #tpu.memory_space<semaphore_mem>>
      %dma_start3A = arith.constant 0 : i32
      %dma_start3A_62 = tpu.memref_slice %arg6[%multiple_of3A_24, %dma_start3A] : memref<10240x128xf32, #tpu.memory_space<vmem_shared>> -> memref<128x128xf32, #tpu.memory_space<vmem_shared>>
      %dma_start3A_63 = arith.constant 0 : i32
      %dma_start3A_64 = tpu.memref_slice %arg6[%multiple_of3A_24, %dma_start3A_63] : memref<10240x128xf32, #tpu.memory_space<vmem_shared>> -> memref<128x128xf32, #tpu.memory_space<vmem_shared>>
      tpu.enqueue_dma source(%arg7 : memref<128x128xf32, #tpu.memory_space<vmem>>) target(%dma_start3A_64 : memref<128x128xf32, #tpu.memory_space<vmem_shared>>) target_semaphore(%run_scoped3A : memref<!tpu.dma_semaphore, #tpu.memory_space<semaphore_mem>>)
      %dma_wait3A = arith.constant 0 : i32
      %dma_wait3A_65 = tpu.memref_slice %arg6[%multiple_of3A_24, %dma_wait3A] : memref<10240x128xf32, #tpu.memory_space<vmem_shared>> -> memref<128x128xf32, #tpu.memory_space<vmem_shared>>
      %dma_wait3A_66 = arith.constant 0 : i32
      %dma_wait3A_67 = tpu.memref_slice %arg6[%multiple_of3A_24, %dma_wait3A_66] : memref<10240x128xf32, #tpu.memory_space<vmem_shared>> -> memref<128x128xf32, #tpu.memory_space<vmem_shared>>
      tpu.wait_dma2 semaphore(%run_scoped3A : memref<!tpu.dma_semaphore, #tpu.memory_space<semaphore_mem>>) src(%arg7 : memref<128x128xf32, #tpu.memory_space<vmem>>) dst(%dma_wait3A_67 : memref<128x128xf32, #tpu.memory_space<vmem_shared>>)
      tpu.yield
    }) : () -> ()
    %mul3A_25 = arith.constant 640 : i32
    %mul3A_26 = arith.muli %arg1, %mul3A_25 : i32
    %add3A_27 = arith.constant 512 : i32
    %add3A_28 = arith.addi %mul3A_26, %add3A_27 : i32
    %multiple_of3A_29 = tpu.assume_multiple %add3A_28, 128 : i32
    "tpu.region"() ({
      %run_scoped3A = tpu.sem_alloc : memref<!tpu.dma_semaphore, #tpu.memory_space<semaphore_mem>>
      %dma_start3A = arith.constant 0 : i32
      %dma_start3A_62 = tpu.memref_slice %arg6[%multiple_of3A_29, %dma_start3A] : memref<10240x128xf32, #tpu.memory_space<vmem_shared>> -> memref<128x128xf32, #tpu.memory_space<vmem_shared>>
      %dma_start3A_63 = arith.constant 0 : i32
      %dma_start3A_64 = tpu.memref_slice %arg6[%multiple_of3A_29, %dma_start3A_63] : memref<10240x128xf32, #tpu.memory_space<vmem_shared>> -> memref<128x128xf32, #tpu.memory_space<vmem_shared>>
      tpu.enqueue_dma source(%arg7 : memref<128x128xf32, #tpu.memory_space<vmem>>) target(%dma_start3A_64 : memref<128x128xf32, #tpu.memory_space<vmem_shared>>) target_semaphore(%run_scoped3A : memref<!tpu.dma_semaphore, #tpu.memory_space<semaphore_mem>>)
      %dma_wait3A = arith.constant 0 : i32
      %dma_wait3A_65 = tpu.memref_slice %arg6[%multiple_of3A_29, %dma_wait3A] : memref<10240x128xf32, #tpu.memory_space<vmem_shared>> -> memref<128x128xf32, #tpu.memory_space<vmem_shared>>
      %dma_wait3A_66 = arith.constant 0 : i32
      %dma_wait3A_67 = tpu.memref_slice %arg6[%multiple_of3A_29, %dma_wait3A_66] : memref<10240x128xf32, #tpu.memory_space<vmem_shared>> -> memref<128x128xf32, #tpu.memory_space<vmem_shared>>
      tpu.wait_dma2 semaphore(%run_scoped3A : memref<!tpu.dma_semaphore, #tpu.memory_space<semaphore_mem>>) src(%arg7 : memref<128x128xf32, #tpu.memory_space<vmem>>) dst(%dma_wait3A_67 : memref<128x128xf32, #tpu.memory_space<vmem_shared>>)
      tpu.yield
    }) : () -> ()
    %barrier3A = arith.constant 0 : index
    tpu.barrier barrier_id(%barrier3A)
    %scan3A_30 = arith.constant 0 : i32
    %scan3A_31 = arith.constant 0 : i32
    %scan3A_32 = arith.constant 79 : i32
    %scan3A_33 = arith.addi %scan3A_31, %scan3A_32 : i32
    %scan3A_34 = arith.constant 1 : i32
    scf.for %scan3A_62 = %scan3A_31 to %scan3A_33 step %scan3A_34  : i32 {
      %mul3A_63 = arith.constant 10112 : i32
      %mul3A_64 = arith.muli %add3A, %mul3A_63 : i32
      %mul3A_65 = arith.constant 128 : i32
      %mul3A_66 = arith.muli %scan3A_62, %mul3A_65 : i32
      %add3A_67 = arith.addi %mul3A_64, %mul3A_66 : i32
      %multiple_of3A_68 = tpu.assume_multiple %add3A_67, 128 : i32
      "tpu.region"() ({
        %run_scoped3A = tpu.sem_alloc : memref<!tpu.dma_semaphore, #tpu.memory_space<semaphore_mem>>
        %dma_start3A_73 = tpu.memref_slice %arg3[%multiple_of3A_68] : memref<323584xi32, #tpu.memory_space<hbm>> -> memref<128xi32, #tpu.memory_space<hbm>>
        %dma_start3A_74 = tpu.memref_slice %arg3[%multiple_of3A_68] : memref<323584xi32, #tpu.memory_space<hbm>> -> memref<128xi32, #tpu.memory_space<hbm>>
        tpu.enqueue_dma source(%dma_start3A_74 : memref<128xi32, #tpu.memory_space<hbm>>) target(%arg8 : memref<128xi32, #tpu.memory_space<vmem>>) target_semaphore(%run_scoped3A : memref<!tpu.dma_semaphore, #tpu.memory_space<semaphore_mem>>)
        %dma_wait3A_75 = tpu.memref_slice %arg3[%multiple_of3A_68] : memref<323584xi32, #tpu.memory_space<hbm>> -> memref<128xi32, #tpu.memory_space<hbm>>
        %dma_wait3A_76 = tpu.memref_slice %arg3[%multiple_of3A_68] : memref<323584xi32, #tpu.memory_space<hbm>> -> memref<128xi32, #tpu.memory_space<hbm>>
        tpu.wait_dma2 semaphore(%run_scoped3A : memref<!tpu.dma_semaphore, #tpu.memory_space<semaphore_mem>>) src(%dma_wait3A_76 : memref<128xi32, #tpu.memory_space<hbm>>) dst(%arg8 : memref<128xi32, #tpu.memory_space<vmem>>)
        tpu.yield
      }) : () -> ()
      "tpu.region"() ({
        %run_scoped3A = tpu.sem_alloc : memref<!tpu.dma_semaphore, #tpu.memory_space<semaphore_mem>>
        %dma_start3A_73 = tpu.memref_slice %arg4[%multiple_of3A_68] : memref<323584xi32, #tpu.memory_space<hbm>> -> memref<128xi32, #tpu.memory_space<hbm>>
        %dma_start3A_74 = tpu.memref_slice %arg4[%multiple_of3A_68] : memref<323584xi32, #tpu.memory_space<hbm>> -> memref<128xi32, #tpu.memory_space<hbm>>
        tpu.enqueue_dma source(%dma_start3A_74 : memref<128xi32, #tpu.memory_space<hbm>>) target(%arg9 : memref<128xi32, #tpu.memory_space<vmem>>) target_semaphore(%run_scoped3A : memref<!tpu.dma_semaphore, #tpu.memory_space<semaphore_mem>>)
        %dma_wait3A_75 = tpu.memref_slice %arg4[%multiple_of3A_68] : memref<323584xi32, #tpu.memory_space<hbm>> -> memref<128xi32, #tpu.memory_space<hbm>>
        %dma_wait3A_76 = tpu.memref_slice %arg4[%multiple_of3A_68] : memref<323584xi32, #tpu.memory_space<hbm>> -> memref<128xi32, #tpu.memory_space<hbm>>
        tpu.wait_dma2 semaphore(%run_scoped3A : memref<!tpu.dma_semaphore, #tpu.memory_space<semaphore_mem>>) src(%dma_wait3A_76 : memref<128xi32, #tpu.memory_space<hbm>>) dst(%arg9 : memref<128xi32, #tpu.memory_space<vmem>>)
        tpu.yield
      }) : () -> ()
      %dma_start3A = arith.constant 0 : i32
      %dma_start3A_69 = arith.constant 0 : i32
      %dma_start3A_70 = tpu.memref_slice %arg2[%dma_start3A, %dma_start3A_69] : memref<10000x128xf32, #tpu.memory_space<hbm>> -> memref<10000x128xf32, #tpu.memory_space<hbm>>
      tpu.enqueue_indirect_dma source(%dma_start3A_70 : memref<10000x128xf32, #tpu.memory_space<hbm>>) target(%arg10 : memref<128x128xf32, #tpu.memory_space<vmem>>) offsets(%arg8 : memref<128xi32, #tpu.memory_space<vmem>>) semaphore(%arg11 : memref<!tpu.dma_semaphore, #tpu.memory_space<semaphore_mem>>)
      %dma_wait3A = arith.constant 0 : i32
      %dma_wait3A_71 = arith.constant 0 : i32
      %dma_wait3A_72 = tpu.memref_slice %arg2[%dma_wait3A, %dma_wait3A_71] : memref<10000x128xf32, #tpu.memory_space<hbm>> -> memref<10000x128xf32, #tpu.memory_space<hbm>>
      tpu.wait_indirect_dma semaphore(%arg11 : memref<!tpu.dma_semaphore, #tpu.memory_space<semaphore_mem>>) src(%dma_wait3A_72 : memref<10000x128xf32, #tpu.memory_space<hbm>>) dst(%arg10 : memref<128x128xf32, #tpu.memory_space<vmem>>)
      "tpu.region"() ({
        %run_scoped3A = tpu.sem_alloc : memref<!tpu.dma_semaphore, #tpu.memory_space<semaphore_mem>>
        %dma_start3A_73 = arith.constant 0 : i32
        %dma_start3A_74 = arith.constant 0 : i32
        %dma_start3A_75 = tpu.memref_slice %arg6[%dma_start3A_73, %dma_start3A_74] : memref<10240x128xf32, #tpu.memory_space<vmem_shared>> -> memref<10240x128xf32, #tpu.memory_space<vmem_shared>>
        tpu.enqueue_indirect_dma source(%arg10 : memref<128x128xf32, #tpu.memory_space<vmem>>) target(%dma_start3A_75 : memref<10240x128xf32, #tpu.memory_space<vmem_shared>>) offsets(%arg9 : memref<128xi32, #tpu.memory_space<vmem>>) semaphore(%run_scoped3A : memref<!tpu.dma_semaphore, #tpu.memory_space<semaphore_mem>>) {add = true}
        %dma_wait3A_76 = arith.constant 0 : i32
        %dma_wait3A_77 = arith.constant 0 : i32
        %dma_wait3A_78 = tpu.memref_slice %arg6[%dma_wait3A_76, %dma_wait3A_77] : memref<10240x128xf32, #tpu.memory_space<vmem_shared>> -> memref<10240x128xf32, #tpu.memory_space<vmem_shared>>
        tpu.wait_indirect_dma semaphore(%run_scoped3A : memref<!tpu.dma_semaphore, #tpu.memory_space<semaphore_mem>>) src(%arg10 : memref<128x128xf32, #tpu.memory_space<vmem>>) dst(%dma_wait3A_78 : memref<10240x128xf32, #tpu.memory_space<vmem_shared>>)
        tpu.yield
      }) : () -> ()
    }
    %scan3A_35 = arith.constant 79 : i32
    %barrier3A_36 = arith.constant 0 : index
    tpu.barrier barrier_id(%barrier3A_36)
    %mul3A_37 = arith.constant 640 : i32
    %mul3A_38 = arith.muli %arg1, %mul3A_37 : i32
    %add3A_39 = arith.constant 0 : i32
    %add3A_40 = arith.addi %mul3A_38, %add3A_39 : i32
    %multiple_of3A_41 = tpu.assume_multiple %add3A_40, 128 : i32
    "tpu.region"() ({
      %run_scoped3A = tpu.sem_alloc : memref<!tpu.dma_semaphore, #tpu.memory_space<semaphore_mem>>
      %dma_start3A = arith.constant 0 : i32
      %dma_start3A_62 = tpu.memref_slice %arg6[%multiple_of3A_41, %dma_start3A] : memref<10240x128xf32, #tpu.memory_space<vmem_shared>> -> memref<128x128xf32, #tpu.memory_space<vmem_shared>>
      %dma_start3A_63 = arith.constant 0 : i32
      %dma_start3A_64 = tpu.memref_slice %arg6[%multiple_of3A_41, %dma_start3A_63] : memref<10240x128xf32, #tpu.memory_space<vmem_shared>> -> memref<128x128xf32, #tpu.memory_space<vmem_shared>>
      tpu.enqueue_dma source(%dma_start3A_64 : memref<128x128xf32, #tpu.memory_space<vmem_shared>>) target(%arg10 : memref<128x128xf32, #tpu.memory_space<vmem>>) target_semaphore(%run_scoped3A : memref<!tpu.dma_semaphore, #tpu.memory_space<semaphore_mem>>)
      %dma_wait3A = arith.constant 0 : i32
      %dma_wait3A_65 = tpu.memref_slice %arg6[%multiple_of3A_41, %dma_wait3A] : memref<10240x128xf32, #tpu.memory_space<vmem_shared>> -> memref<128x128xf32, #tpu.memory_space<vmem_shared>>
      %dma_wait3A_66 = arith.constant 0 : i32
      %dma_wait3A_67 = tpu.memref_slice %arg6[%multiple_of3A_41, %dma_wait3A_66] : memref<10240x128xf32, #tpu.memory_space<vmem_shared>> -> memref<128x128xf32, #tpu.memory_space<vmem_shared>>
      tpu.wait_dma2 semaphore(%run_scoped3A : memref<!tpu.dma_semaphore, #tpu.memory_space<semaphore_mem>>) src(%dma_wait3A_67 : memref<128x128xf32, #tpu.memory_space<vmem_shared>>) dst(%arg10 : memref<128x128xf32, #tpu.memory_space<vmem>>)
      tpu.yield
    }) : () -> ()
    "tpu.region"() ({
      %run_scoped3A = tpu.sem_alloc : memref<!tpu.dma_semaphore, #tpu.memory_space<semaphore_mem>>
      %dma_start3A = arith.constant 0 : i32
      %dma_start3A_62 = tpu.memref_slice %arg5[%arg0, %multiple_of3A_41, %dma_start3A] : memref<2x10240x128xf32, #tpu.memory_space<hbm>> -> memref<1x128x128xf32, #tpu.memory_space<hbm>>
      %dma_start3A_63 = tpu.memref_squeeze %dma_start3A_62 : memref<1x128x128xf32, #tpu.memory_space<hbm>> -> memref<128x128xf32, #tpu.memory_space<hbm>>
      %dma_start3A_64 = arith.constant 0 : i32
      %dma_start3A_65 = tpu.memref_slice %arg5[%arg0, %multiple_of3A_41, %dma_start3A_64] : memref<2x10240x128xf32, #tpu.memory_space<hbm>> -> memref<1x128x128xf32, #tpu.memory_space<hbm>>
      %dma_start3A_66 = tpu.memref_squeeze %dma_start3A_65 : memref<1x128x128xf32, #tpu.memory_space<hbm>> -> memref<128x128xf32, #tpu.memory_space<hbm>>
      tpu.enqueue_dma source(%arg10 : memref<128x128xf32, #tpu.memory_space<vmem>>) target(%dma_start3A_66 : memref<128x128xf32, #tpu.memory_space<hbm>>) target_semaphore(%run_scoped3A : memref<!tpu.dma_semaphore, #tpu.memory_space<semaphore_mem>>)
      %dma_wait3A = arith.constant 0 : i32
      %dma_wait3A_67 = tpu.memref_slice %arg5[%arg0, %multiple_of3A_41, %dma_wait3A] : memref<2x10240x128xf32, #tpu.memory_space<hbm>> -> memref<1x128x128xf32, #tpu.memory_space<hbm>>
      %dma_wait3A_68 = tpu.memref_squeeze %dma_wait3A_67 : memref<1x128x128xf32, #tpu.memory_space<hbm>> -> memref<128x128xf32, #tpu.memory_space<hbm>>
      %dma_wait3A_69 = arith.constant 0 : i32
      %dma_wait3A_70 = tpu.memref_slice %arg5[%arg0, %multiple_of3A_41, %dma_wait3A_69] : memref<2x10240x128xf32, #tpu.memory_space<hbm>> -> memref<1x128x128xf32, #tpu.memory_space<hbm>>
      %dma_wait3A_71 = tpu.memref_squeeze %dma_wait3A_70 : memref<1x128x128xf32, #tpu.memory_space<hbm>> -> memref<128x128xf32, #tpu.memory_space<hbm>>
      tpu.wait_dma2 semaphore(%run_scoped3A : memref<!tpu.dma_semaphore, #tpu.memory_space<semaphore_mem>>) src(%arg10 : memref<128x128xf32, #tpu.memory_space<vmem>>) dst(%dma_wait3A_71 : memref<128x128xf32, #tpu.memory_space<hbm>>)
      tpu.yield
    }) : () -> ()
    %mul3A_42 = arith.constant 640 : i32
    %mul3A_43 = arith.muli %arg1, %mul3A_42 : i32
    %add3A_44 = arith.constant 128 : i32
    %add3A_45 = arith.addi %mul3A_43, %add3A_44 : i32
    %multiple_of3A_46 = tpu.assume_multiple %add3A_45, 128 : i32
    "tpu.region"() ({
      %run_scoped3A = tpu.sem_alloc : memref<!tpu.dma_semaphore, #tpu.memory_space<semaphore_mem>>
      %dma_start3A = arith.constant 0 : i32
      %dma_start3A_62 = tpu.memref_slice %arg6[%multiple_of3A_46, %dma_start3A] : memref<10240x128xf32, #tpu.memory_space<vmem_shared>> -> memref<128x128xf32, #tpu.memory_space<vmem_shared>>
      %dma_start3A_63 = arith.constant 0 : i32
      %dma_start3A_64 = tpu.memref_slice %arg6[%multiple_of3A_46, %dma_start3A_63] : memref<10240x128xf32, #tpu.memory_space<vmem_shared>> -> memref<128x128xf32, #tpu.memory_space<vmem_shared>>
      tpu.enqueue_dma source(%dma_start3A_64 : memref<128x128xf32, #tpu.memory_space<vmem_shared>>) target(%arg10 : memref<128x128xf32, #tpu.memory_space<vmem>>) target_semaphore(%run_scoped3A : memref<!tpu.dma_semaphore, #tpu.memory_space<semaphore_mem>>)
      %dma_wait3A = arith.constant 0 : i32
      %dma_wait3A_65 = tpu.memref_slice %arg6[%multiple_of3A_46, %dma_wait3A] : memref<10240x128xf32, #tpu.memory_space<vmem_shared>> -> memref<128x128xf32, #tpu.memory_space<vmem_shared>>
      %dma_wait3A_66 = arith.constant 0 : i32
      %dma_wait3A_67 = tpu.memref_slice %arg6[%multiple_of3A_46, %dma_wait3A_66] : memref<10240x128xf32, #tpu.memory_space<vmem_shared>> -> memref<128x128xf32, #tpu.memory_space<vmem_shared>>
      tpu.wait_dma2 semaphore(%run_scoped3A : memref<!tpu.dma_semaphore, #tpu.memory_space<semaphore_mem>>) src(%dma_wait3A_67 : memref<128x128xf32, #tpu.memory_space<vmem_shared>>) dst(%arg10 : memref<128x128xf32, #tpu.memory_space<vmem>>)
      tpu.yield
    }) : () -> ()
    "tpu.region"() ({
      %run_scoped3A = tpu.sem_alloc : memref<!tpu.dma_semaphore, #tpu.memory_space<semaphore_mem>>
      %dma_start3A = arith.constant 0 : i32
      %dma_start3A_62 = tpu.memref_slice %arg5[%arg0, %multiple_of3A_46, %dma_start3A] : memref<2x10240x128xf32, #tpu.memory_space<hbm>> -> memref<1x128x128xf32, #tpu.memory_space<hbm>>
      %dma_start3A_63 = tpu.memref_squeeze %dma_start3A_62 : memref<1x128x128xf32, #tpu.memory_space<hbm>> -> memref<128x128xf32, #tpu.memory_space<hbm>>
      %dma_start3A_64 = arith.constant 0 : i32
      %dma_start3A_65 = tpu.memref_slice %arg5[%arg0, %multiple_of3A_46, %dma_start3A_64] : memref<2x10240x128xf32, #tpu.memory_space<hbm>> -> memref<1x128x128xf32, #tpu.memory_space<hbm>>
      %dma_start3A_66 = tpu.memref_squeeze %dma_start3A_65 : memref<1x128x128xf32, #tpu.memory_space<hbm>> -> memref<128x128xf32, #tpu.memory_space<hbm>>
      tpu.enqueue_dma source(%arg10 : memref<128x128xf32, #tpu.memory_space<vmem>>) target(%dma_start3A_66 : memref<128x128xf32, #tpu.memory_space<hbm>>) target_semaphore(%run_scoped3A : memref<!tpu.dma_semaphore, #tpu.memory_space<semaphore_mem>>)
      %dma_wait3A = arith.constant 0 : i32
      %dma_wait3A_67 = tpu.memref_slice %arg5[%arg0, %multiple_of3A_46, %dma_wait3A] : memref<2x10240x128xf32, #tpu.memory_space<hbm>> -> memref<1x128x128xf32, #tpu.memory_space<hbm>>
      %dma_wait3A_68 = tpu.memref_squeeze %dma_wait3A_67 : memref<1x128x128xf32, #tpu.memory_space<hbm>> -> memref<128x128xf32, #tpu.memory_space<hbm>>
      %dma_wait3A_69 = arith.constant 0 : i32
      %dma_wait3A_70 = tpu.memref_slice %arg5[%arg0, %multiple_of3A_46, %dma_wait3A_69] : memref<2x10240x128xf32, #tpu.memory_space<hbm>> -> memref<1x128x128xf32, #tpu.memory_space<hbm>>
      %dma_wait3A_71 = tpu.memref_squeeze %dma_wait3A_70 : memref<1x128x128xf32, #tpu.memory_space<hbm>> -> memref<128x128xf32, #tpu.memory_space<hbm>>
      tpu.wait_dma2 semaphore(%run_scoped3A : memref<!tpu.dma_semaphore, #tpu.memory_space<semaphore_mem>>) src(%arg10 : memref<128x128xf32, #tpu.memory_space<vmem>>) dst(%dma_wait3A_71 : memref<128x128xf32, #tpu.memory_space<hbm>>)
      tpu.yield
    }) : () -> ()
    %mul3A_47 = arith.constant 640 : i32
    %mul3A_48 = arith.muli %arg1, %mul3A_47 : i32
    %add3A_49 = arith.constant 256 : i32
    %add3A_50 = arith.addi %mul3A_48, %add3A_49 : i32
    %multiple_of3A_51 = tpu.assume_multiple %add3A_50, 128 : i32
    "tpu.region"() ({
      %run_scoped3A = tpu.sem_alloc : memref<!tpu.dma_semaphore, #tpu.memory_space<semaphore_mem>>
      %dma_start3A = arith.constant 0 : i32
      %dma_start3A_62 = tpu.memref_slice %arg6[%multiple_of3A_51, %dma_start3A] : memref<10240x128xf32, #tpu.memory_space<vmem_shared>> -> memref<128x128xf32, #tpu.memory_space<vmem_shared>>
      %dma_start3A_63 = arith.constant 0 : i32
      %dma_start3A_64 = tpu.memref_slice %arg6[%multiple_of3A_51, %dma_start3A_63] : memref<10240x128xf32, #tpu.memory_space<vmem_shared>> -> memref<128x128xf32, #tpu.memory_space<vmem_shared>>
      tpu.enqueue_dma source(%dma_start3A_64 : memref<128x128xf32, #tpu.memory_space<vmem_shared>>) target(%arg10 : memref<128x128xf32, #tpu.memory_space<vmem>>) target_semaphore(%run_scoped3A : memref<!tpu.dma_semaphore, #tpu.memory_space<semaphore_mem>>)
      %dma_wait3A = arith.constant 0 : i32
      %dma_wait3A_65 = tpu.memref_slice %arg6[%multiple_of3A_51, %dma_wait3A] : memref<10240x128xf32, #tpu.memory_space<vmem_shared>> -> memref<128x128xf32, #tpu.memory_space<vmem_shared>>
      %dma_wait3A_66 = arith.constant 0 : i32
      %dma_wait3A_67 = tpu.memref_slice %arg6[%multiple_of3A_51, %dma_wait3A_66] : memref<10240x128xf32, #tpu.memory_space<vmem_shared>> -> memref<128x128xf32, #tpu.memory_space<vmem_shared>>
      tpu.wait_dma2 semaphore(%run_scoped3A : memref<!tpu.dma_semaphore, #tpu.memory_space<semaphore_mem>>) src(%dma_wait3A_67 : memref<128x128xf32, #tpu.memory_space<vmem_shared>>) dst(%arg10 : memref<128x128xf32, #tpu.memory_space<vmem>>)
      tpu.yield
    }) : () -> ()
    "tpu.region"() ({
      %run_scoped3A = tpu.sem_alloc : memref<!tpu.dma_semaphore, #tpu.memory_space<semaphore_mem>>
      %dma_start3A = arith.constant 0 : i32
      %dma_start3A_62 = tpu.memref_slice %arg5[%arg0, %multiple_of3A_51, %dma_start3A] : memref<2x10240x128xf32, #tpu.memory_space<hbm>> -> memref<1x128x128xf32, #tpu.memory_space<hbm>>
      %dma_start3A_63 = tpu.memref_squeeze %dma_start3A_62 : memref<1x128x128xf32, #tpu.memory_space<hbm>> -> memref<128x128xf32, #tpu.memory_space<hbm>>
      %dma_start3A_64 = arith.constant 0 : i32
      %dma_start3A_65 = tpu.memref_slice %arg5[%arg0, %multiple_of3A_51, %dma_start3A_64] : memref<2x10240x128xf32, #tpu.memory_space<hbm>> -> memref<1x128x128xf32, #tpu.memory_space<hbm>>
      %dma_start3A_66 = tpu.memref_squeeze %dma_start3A_65 : memref<1x128x128xf32, #tpu.memory_space<hbm>> -> memref<128x128xf32, #tpu.memory_space<hbm>>
      tpu.enqueue_dma source(%arg10 : memref<128x128xf32, #tpu.memory_space<vmem>>) target(%dma_start3A_66 : memref<128x128xf32, #tpu.memory_space<hbm>>) target_semaphore(%run_scoped3A : memref<!tpu.dma_semaphore, #tpu.memory_space<semaphore_mem>>)
      %dma_wait3A = arith.constant 0 : i32
      %dma_wait3A_67 = tpu.memref_slice %arg5[%arg0, %multiple_of3A_51, %dma_wait3A] : memref<2x10240x128xf32, #tpu.memory_space<hbm>> -> memref<1x128x128xf32, #tpu.memory_space<hbm>>
      %dma_wait3A_68 = tpu.memref_squeeze %dma_wait3A_67 : memref<1x128x128xf32, #tpu.memory_space<hbm>> -> memref<128x128xf32, #tpu.memory_space<hbm>>
      %dma_wait3A_69 = arith.constant 0 : i32
      %dma_wait3A_70 = tpu.memref_slice %arg5[%arg0, %multiple_of3A_51, %dma_wait3A_69] : memref<2x10240x128xf32, #tpu.memory_space<hbm>> -> memref<1x128x128xf32, #tpu.memory_space<hbm>>
      %dma_wait3A_71 = tpu.memref_squeeze %dma_wait3A_70 : memref<1x128x128xf32, #tpu.memory_space<hbm>> -> memref<128x128xf32, #tpu.memory_space<hbm>>
      tpu.wait_dma2 semaphore(%run_scoped3A : memref<!tpu.dma_semaphore, #tpu.memory_space<semaphore_mem>>) src(%arg10 : memref<128x128xf32, #tpu.memory_space<vmem>>) dst(%dma_wait3A_71 : memref<128x128xf32, #tpu.memory_space<hbm>>)
      tpu.yield
    }) : () -> ()
    %mul3A_52 = arith.constant 640 : i32
    %mul3A_53 = arith.muli %arg1, %mul3A_52 : i32
    %add3A_54 = arith.constant 384 : i32
    %add3A_55 = arith.addi %mul3A_53, %add3A_54 : i32
    %multiple_of3A_56 = tpu.assume_multiple %add3A_55, 128 : i32
    "tpu.region"() ({
      %run_scoped3A = tpu.sem_alloc : memref<!tpu.dma_semaphore, #tpu.memory_space<semaphore_mem>>
      %dma_start3A = arith.constant 0 : i32
      %dma_start3A_62 = tpu.memref_slice %arg6[%multiple_of3A_56, %dma_start3A] : memref<10240x128xf32, #tpu.memory_space<vmem_shared>> -> memref<128x128xf32, #tpu.memory_space<vmem_shared>>
      %dma_start3A_63 = arith.constant 0 : i32
      %dma_start3A_64 = tpu.memref_slice %arg6[%multiple_of3A_56, %dma_start3A_63] : memref<10240x128xf32, #tpu.memory_space<vmem_shared>> -> memref<128x128xf32, #tpu.memory_space<vmem_shared>>
      tpu.enqueue_dma source(%dma_start3A_64 : memref<128x128xf32, #tpu.memory_space<vmem_shared>>) target(%arg10 : memref<128x128xf32, #tpu.memory_space<vmem>>) target_semaphore(%run_scoped3A : memref<!tpu.dma_semaphore, #tpu.memory_space<semaphore_mem>>)
      %dma_wait3A = arith.constant 0 : i32
      %dma_wait3A_65 = tpu.memref_slice %arg6[%multiple_of3A_56, %dma_wait3A] : memref<10240x128xf32, #tpu.memory_space<vmem_shared>> -> memref<128x128xf32, #tpu.memory_space<vmem_shared>>
      %dma_wait3A_66 = arith.constant 0 : i32
      %dma_wait3A_67 = tpu.memref_slice %arg6[%multiple_of3A_56, %dma_wait3A_66] : memref<10240x128xf32, #tpu.memory_space<vmem_shared>> -> memref<128x128xf32, #tpu.memory_space<vmem_shared>>
      tpu.wait_dma2 semaphore(%run_scoped3A : memref<!tpu.dma_semaphore, #tpu.memory_space<semaphore_mem>>) src(%dma_wait3A_67 : memref<128x128xf32, #tpu.memory_space<vmem_shared>>) dst(%arg10 : memref<128x128xf32, #tpu.memory_space<vmem>>)
      tpu.yield
    }) : () -> ()
    "tpu.region"() ({
      %run_scoped3A = tpu.sem_alloc : memref<!tpu.dma_semaphore, #tpu.memory_space<semaphore_mem>>
      %dma_start3A = arith.constant 0 : i32
      %dma_start3A_62 = tpu.memref_slice %arg5[%arg0, %multiple_of3A_56, %dma_start3A] : memref<2x10240x128xf32, #tpu.memory_space<hbm>> -> memref<1x128x128xf32, #tpu.memory_space<hbm>>
      %dma_start3A_63 = tpu.memref_squeeze %dma_start3A_62 : memref<1x128x128xf32, #tpu.memory_space<hbm>> -> memref<128x128xf32, #tpu.memory_space<hbm>>
      %dma_start3A_64 = arith.constant 0 : i32
      %dma_start3A_65 = tpu.memref_slice %arg5[%arg0, %multiple_of3A_56, %dma_start3A_64] : memref<2x10240x128xf32, #tpu.memory_space<hbm>> -> memref<1x128x128xf32, #tpu.memory_space<hbm>>
      %dma_start3A_66 = tpu.memref_squeeze %dma_start3A_65 : memref<1x128x128xf32, #tpu.memory_space<hbm>> -> memref<128x128xf32, #tpu.memory_space<hbm>>
      tpu.enqueue_dma source(%arg10 : memref<128x128xf32, #tpu.memory_space<vmem>>) target(%dma_start3A_66 : memref<128x128xf32, #tpu.memory_space<hbm>>) target_semaphore(%run_scoped3A : memref<!tpu.dma_semaphore, #tpu.memory_space<semaphore_mem>>)
      %dma_wait3A = arith.constant 0 : i32
      %dma_wait3A_67 = tpu.memref_slice %arg5[%arg0, %multiple_of3A_56, %dma_wait3A] : memref<2x10240x128xf32, #tpu.memory_space<hbm>> -> memref<1x128x128xf32, #tpu.memory_space<hbm>>
      %dma_wait3A_68 = tpu.memref_squeeze %dma_wait3A_67 : memref<1x128x128xf32, #tpu.memory_space<hbm>> -> memref<128x128xf32, #tpu.memory_space<hbm>>
      %dma_wait3A_69 = arith.constant 0 : i32
      %dma_wait3A_70 = tpu.memref_slice %arg5[%arg0, %multiple_of3A_56, %dma_wait3A_69] : memref<2x10240x128xf32, #tpu.memory_space<hbm>> -> memref<1x128x128xf32, #tpu.memory_space<hbm>>
      %dma_wait3A_71 = tpu.memref_squeeze %dma_wait3A_70 : memref<1x128x128xf32, #tpu.memory_space<hbm>> -> memref<128x128xf32, #tpu.memory_space<hbm>>
      tpu.wait_dma2 semaphore(%run_scoped3A : memref<!tpu.dma_semaphore, #tpu.memory_space<semaphore_mem>>) src(%arg10 : memref<128x128xf32, #tpu.memory_space<vmem>>) dst(%dma_wait3A_71 : memref<128x128xf32, #tpu.memory_space<hbm>>)
      tpu.yield
    }) : () -> ()
    %mul3A_57 = arith.constant 640 : i32
    %mul3A_58 = arith.muli %arg1, %mul3A_57 : i32
    %add3A_59 = arith.constant 512 : i32
    %add3A_60 = arith.addi %mul3A_58, %add3A_59 : i32
    %multiple_of3A_61 = tpu.assume_multiple %add3A_60, 128 : i32
    "tpu.region"() ({
      %run_scoped3A = tpu.sem_alloc : memref<!tpu.dma_semaphore, #tpu.memory_space<semaphore_mem>>
      %dma_start3A = arith.constant 0 : i32
      %dma_start3A_62 = tpu.memref_slice %arg6[%multiple_of3A_61, %dma_start3A] : memref<10240x128xf32, #tpu.memory_space<vmem_shared>> -> memref<128x128xf32, #tpu.memory_space<vmem_shared>>
      %dma_start3A_63 = arith.constant 0 : i32
      %dma_start3A_64 = tpu.memref_slice %arg6[%multiple_of3A_61, %dma_start3A_63] : memref<10240x128xf32, #tpu.memory_space<vmem_shared>> -> memref<128x128xf32, #tpu.memory_space<vmem_shared>>
      tpu.enqueue_dma source(%dma_start3A_64 : memref<128x128xf32, #tpu.memory_space<vmem_shared>>) target(%arg10 : memref<128x128xf32, #tpu.memory_space<vmem>>) target_semaphore(%run_scoped3A : memref<!tpu.dma_semaphore, #tpu.memory_space<semaphore_mem>>)
      %dma_wait3A = arith.constant 0 : i32
      %dma_wait3A_65 = tpu.memref_slice %arg6[%multiple_of3A_61, %dma_wait3A] : memref<10240x128xf32, #tpu.memory_space<vmem_shared>> -> memref<128x128xf32, #tpu.memory_space<vmem_shared>>
      %dma_wait3A_66 = arith.constant 0 : i32
      %dma_wait3A_67 = tpu.memref_slice %arg6[%multiple_of3A_61, %dma_wait3A_66] : memref<10240x128xf32, #tpu.memory_space<vmem_shared>> -> memref<128x128xf32, #tpu.memory_space<vmem_shared>>
      tpu.wait_dma2 semaphore(%run_scoped3A : memref<!tpu.dma_semaphore, #tpu.memory_space<semaphore_mem>>) src(%dma_wait3A_67 : memref<128x128xf32, #tpu.memory_space<vmem_shared>>) dst(%arg10 : memref<128x128xf32, #tpu.memory_space<vmem>>)
      tpu.yield
    }) : () -> ()
    "tpu.region"() ({
      %run_scoped3A = tpu.sem_alloc : memref<!tpu.dma_semaphore, #tpu.memory_space<semaphore_mem>>
      %dma_start3A = arith.constant 0 : i32
      %dma_start3A_62 = tpu.memref_slice %arg5[%arg0, %multiple_of3A_61, %dma_start3A] : memref<2x10240x128xf32, #tpu.memory_space<hbm>> -> memref<1x128x128xf32, #tpu.memory_space<hbm>>
      %dma_start3A_63 = tpu.memref_squeeze %dma_start3A_62 : memref<1x128x128xf32, #tpu.memory_space<hbm>> -> memref<128x128xf32, #tpu.memory_space<hbm>>
      %dma_start3A_64 = arith.constant 0 : i32
      %dma_start3A_65 = tpu.memref_slice %arg5[%arg0, %multiple_of3A_61, %dma_start3A_64] : memref<2x10240x128xf32, #tpu.memory_space<hbm>> -> memref<1x128x128xf32, #tpu.memory_space<hbm>>
      %dma_start3A_66 = tpu.memref_squeeze %dma_start3A_65 : memref<1x128x128xf32, #tpu.memory_space<hbm>> -> memref<128x128xf32, #tpu.memory_space<hbm>>
      tpu.enqueue_dma source(%arg10 : memref<128x128xf32, #tpu.memory_space<vmem>>) target(%dma_start3A_66 : memref<128x128xf32, #tpu.memory_space<hbm>>) target_semaphore(%run_scoped3A : memref<!tpu.dma_semaphore, #tpu.memory_space<semaphore_mem>>)
      %dma_wait3A = arith.constant 0 : i32
      %dma_wait3A_67 = tpu.memref_slice %arg5[%arg0, %multiple_of3A_61, %dma_wait3A] : memref<2x10240x128xf32, #tpu.memory_space<hbm>> -> memref<1x128x128xf32, #tpu.memory_space<hbm>>
      %dma_wait3A_68 = tpu.memref_squeeze %dma_wait3A_67 : memref<1x128x128xf32, #tpu.memory_space<hbm>> -> memref<128x128xf32, #tpu.memory_space<hbm>>
      %dma_wait3A_69 = arith.constant 0 : i32
      %dma_wait3A_70 = tpu.memref_slice %arg5[%arg0, %multiple_of3A_61, %dma_wait3A_69] : memref<2x10240x128xf32, #tpu.memory_space<hbm>> -> memref<1x128x128xf32, #tpu.memory_space<hbm>>
      %dma_wait3A_71 = tpu.memref_squeeze %dma_wait3A_70 : memref<1x128x128xf32, #tpu.memory_space<hbm>> -> memref<128x128xf32, #tpu.memory_space<hbm>>
      tpu.wait_dma2 semaphore(%run_scoped3A : memref<!tpu.dma_semaphore, #tpu.memory_space<semaphore_mem>>) src(%arg10 : memref<128x128xf32, #tpu.memory_space<vmem>>) dst(%dma_wait3A_71 : memref<128x128xf32, #tpu.memory_space<hbm>>)
      tpu.yield
    }) : () -> ()
    return
  }
}

module attributes {stable_mosaic.version = 14 : i64} {
  func.func @_dis_body(%arg0: memref<2x80x128xf32, #tpu.memory_space<vmem>>, %arg1: memref<80x128xf32, #tpu.memory_space<vmem>>) attributes {dimension_semantics = [], scalar_prefetch = 0 : i64, scratch_operands = 0 : i64, tpu.core_type = #tpu.core_type<tc>} {
    %get3A = arith.constant 0 : index
    %get3A_0 = arith.constant 0 : index
    %get3A_1 = arith.constant 0 : index
    %get3A_2 = vector.load %arg0[%get3A, %get3A_0, %get3A_1] : memref<2x80x128xf32, #tpu.memory_space<vmem>>, vector<2x80x128xf32>
    %reduce_sum3A = arith.constant dense<0.000000e+00> : vector<80x128xf32>
    %reduce_sum3A_3 = vector.multi_reduction <add>, %get3A_2, %reduce_sum3A [0] : vector<2x80x128xf32> to vector<80x128xf32>
    %add3A = arith.constant 1.000000e+00 : f32
    %add3A_4 = vector.broadcast %add3A : f32 to vector<80x128xf32>
    %add3A_5 = arith.addf %reduce_sum3A_3, %add3A_4 : vector<80x128xf32>
    %rsqrt3A = math.rsqrt %add3A_5 : vector<80x128xf32>
    %swap3A = arith.constant 0 : index
    %swap3A_6 = arith.constant 0 : index
    %swap3A_7 = vector.load %arg1[%swap3A, %swap3A_6] : memref<80x128xf32, #tpu.memory_space<vmem>>, vector<80x128xf32>
    tpu.vector_store %arg1[%swap3A, %swap3A_6], %rsqrt3A {strides = array<i32>} : memref<80x128xf32, #tpu.memory_space<vmem>>, vector<80x128xf32>,
    return
  }
}

module attributes {stable_mosaic.version = 14 : i64} {
  func.func @_dense1_body(%arg0: i32, %arg1: memref<1x1000x128xf32, #tpu.memory_space<vmem>>, %arg2: memref<1x1000x128xf32, #tpu.memory_space<vmem>>, %arg3: memref<1000x128xf32, #tpu.memory_space<vmem>>, %arg4: memref<1000x1xf32, #tpu.memory_space<vmem>>, %arg5: memref<128x128xf32, #tpu.memory_space<vmem>>, %arg6: memref<128x128xf32, #tpu.memory_space<vmem>>, %arg7: memref<1x128xf32, #tpu.memory_space<vmem>>, %arg8: memref<128x128xf32, #tpu.memory_space<vmem>>, %arg9: memref<1000x128xf32, #tpu.memory_space<vmem>>) attributes {dimension_semantics = [#tpu.dimension_semantics<arbitrary>], iteration_bounds = array<i64: 10>, scalar_prefetch = 0 : i64, scratch_operands = 0 : i64, tpu.core_type = #tpu.core_type<tc>, window_params = [{transform_indices = @transform_0, window_bounds = array<i64: 1, 1000, 128>}, {transform_indices = @transform_1, window_bounds = array<i64: 1, 1000, 128>}, {transform_indices = @transform_2, window_bounds = array<i64: 1000, 128>}, {transform_indices = @transform_3, window_bounds = array<i64: 1000, 1>}, {pipeline_mode = #tpu.pipeline_mode<synchronous>, transform_indices = @transform_4, window_bounds = array<i64: 128, 128>}, {pipeline_mode = #tpu.pipeline_mode<synchronous>, transform_indices = @transform_5, window_bounds = array<i64: 128, 128>}, {pipeline_mode = #tpu.pipeline_mode<synchronous>, transform_indices = @transform_6, window_bounds = array<i64: 1, 128>}, {pipeline_mode = #tpu.pipeline_mode<synchronous>, transform_indices = @transform_7, window_bounds = array<i64: 128, 128>}, {transform_indices = @transform_8, window_bounds = array<i64: 1000, 128>}]} {
    %get3A = arith.constant 0 : index
    %get3A_0 = arith.constant 0 : index
    %get3A_1 = arith.constant 0 : index
    %get3A_2 = vector.load %arg1[%get3A, %get3A_0, %get3A_1] : memref<1x1000x128xf32, #tpu.memory_space<vmem>>, vector<1x1000x128xf32>
    %get3A_3 = vector.shape_cast %get3A_2 : vector<1x1000x128xf32> to vector<1000x128xf32>
    %get3A_4 = arith.constant 0 : index
    %get3A_5 = arith.constant 0 : index
    %get3A_6 = arith.constant 0 : index
    %get3A_7 = vector.load %arg2[%get3A_4, %get3A_5, %get3A_6] : memref<1x1000x128xf32, #tpu.memory_space<vmem>>, vector<1x1000x128xf32>
    %get3A_8 = vector.shape_cast %get3A_7 : vector<1x1000x128xf32> to vector<1000x128xf32>
    %add3A = arith.addf %get3A_3, %get3A_8 : vector<1000x128xf32>
    %get3A_9 = arith.constant 0 : index
    %get3A_10 = arith.constant 0 : index
    %get3A_11 = vector.load %arg5[%get3A_9, %get3A_10] : memref<128x128xf32, #tpu.memory_space<vmem>>, vector<128x128xf32>
    %dot_general3A = arith.constant dense<0.000000e+00> : vector<1000x128xf32>
    %dot_general3A_12 = tpu.matmul %add3A, %get3A_11, %dot_general3A {dimension_numbers = #tpu.dot_dimension_numbers<[1], [1], [0], [0], [0, 0, 1, 0], [], []>, transpose_lhs_hint = false} : vector<1000x128xf32>, vector<128x128xf32>, vector<1000x128xf32> -> vector<1000x128xf32>
    %get3A_13 = arith.constant 0 : index
    %get3A_14 = arith.constant 0 : index
    %get3A_15 = vector.load %arg3[%get3A_13, %get3A_14] : memref<1000x128xf32, #tpu.memory_space<vmem>>, vector<1000x128xf32>
    %get3A_16 = arith.constant 0 : index
    %get3A_17 = arith.constant 0 : index
    %get3A_18 = vector.load %arg6[%get3A_16, %get3A_17] : memref<128x128xf32, #tpu.memory_space<vmem>>, vector<128x128xf32>
    %dot_general3A_19 = arith.constant dense<0.000000e+00> : vector<1000x128xf32>
    %dot_general3A_20 = tpu.matmul %get3A_15, %get3A_18, %dot_general3A_19 {dimension_numbers = #tpu.dot_dimension_numbers<[1], [1], [0], [0], [0, 0, 1, 0], [], []>, transpose_lhs_hint = false} : vector<1000x128xf32>, vector<128x128xf32>, vector<1000x128xf32> -> vector<1000x128xf32>
    %add3A_21 = arith.addf %dot_general3A_12, %dot_general3A_20 : vector<1000x128xf32>
    %get3A_22 = arith.constant 0 : index
    %get3A_23 = arith.constant 0 : index
    %get3A_24 = vector.load %arg7[%get3A_22, %get3A_23] : memref<1x128xf32, #tpu.memory_space<vmem>>, vector<1x128xf32>
    %add3A_25 = vector.broadcast %get3A_24 : vector<1x128xf32> to vector<1000x128xf32>
    %add3A_26 = arith.addf %add3A_21, %add3A_25 : vector<1000x128xf32>
    %max3A = arith.constant 0.000000e+00 : f32
    %max3A_27 = vector.broadcast %max3A : f32 to vector<1000x128xf32>
    %max3A_28 = arith.maximumf %add3A_26, %max3A_27 : vector<1000x128xf32>
    %get3A_29 = arith.constant 0 : index
    %get3A_30 = arith.constant 0 : index
    %get3A_31 = vector.load %arg4[%get3A_29, %get3A_30] : memref<1000x1xf32, #tpu.memory_space<vmem>>, vector<1000x1xf32>
    %get3A_32 = arith.constant 0 : index
    %get3A_33 = arith.constant 0 : index
    %get3A_34 = vector.load %arg8[%get3A_32, %get3A_33] : memref<128x128xf32, #tpu.memory_space<vmem>>, vector<128x128xf32>
    %dot_general3A_35 = arith.constant dense<0.000000e+00> : vector<1000x128xf32>
    %dot_general3A_36 = tpu.matmul %max3A_28, %get3A_34, %dot_general3A_35 {dimension_numbers = #tpu.dot_dimension_numbers<[1], [1], [0], [0], [0, 0, 1, 0], [], []>, transpose_lhs_hint = false} : vector<1000x128xf32>, vector<128x128xf32>, vector<1000x128xf32> -> vector<1000x128xf32>
    %mul3A = vector.broadcast %get3A_31 : vector<1000x1xf32> to vector<1000x128xf32>
    %mul3A_37 = arith.mulf %mul3A, %dot_general3A_36 : vector<1000x128xf32>
    %swap3A = arith.constant 0 : index
    %swap3A_38 = arith.constant 0 : index
    %swap3A_39 = vector.load %arg9[%swap3A, %swap3A_38] : memref<1000x128xf32, #tpu.memory_space<vmem>>, vector<1000x128xf32>
    tpu.vector_store %arg9[%swap3A, %swap3A_38], %mul3A_37 {strides = array<i32>} : memref<1000x128xf32, #tpu.memory_space<vmem>>, vector<1000x128xf32>,
    return
  }
  func.func @transform_0(%arg0: i32) -> (i32, i32, i32) {
    %c0_i32 = arith.constant 0 : i32
    %c0_i32_0 = arith.constant 0 : i32
    %c0_i32_1 = arith.constant 0 : i32
    return %c0_i32, %arg0, %c0_i32_0 : i32, i32, i32
  }
  func.func @transform_1(%arg0: i32) -> (i32, i32, i32) {
    %c1_i32 = arith.constant 1 : i32
    %c0_i32 = arith.constant 0 : i32
    %c0_i32_0 = arith.constant 0 : i32
    return %c1_i32, %arg0, %c0_i32 : i32, i32, i32
  }
  func.func @transform_2(%arg0: i32) -> (i32, i32) {
    %c0_i32 = arith.constant 0 : i32
    %c0_i32_0 = arith.constant 0 : i32
    return %arg0, %c0_i32 : i32, i32
  }
  func.func @transform_3(%arg0: i32) -> (i32, i32) {
    %c0_i32 = arith.constant 0 : i32
    %c0_i32_0 = arith.constant 0 : i32
    return %arg0, %c0_i32 : i32, i32
  }
  func.func @transform_4(%arg0: i32) -> (i32, i32) {
    %c0_i32 = arith.constant 0 : i32
    %c0_i32_0 = arith.constant 0 : i32
    %c0_i32_1 = arith.constant 0 : i32
    return %c0_i32, %c0_i32_0 : i32, i32
  }
  func.func @transform_5(%arg0: i32) -> (i32, i32) {
    %c0_i32 = arith.constant 0 : i32
    %c0_i32_0 = arith.constant 0 : i32
    %c0_i32_1 = arith.constant 0 : i32
    return %c0_i32, %c0_i32_0 : i32, i32
  }
  func.func @transform_6(%arg0: i32) -> (i32, i32) {
    %c0_i32 = arith.constant 0 : i32
    %c0_i32_0 = arith.constant 0 : i32
    %c0_i32_1 = arith.constant 0 : i32
    return %c0_i32, %c0_i32_0 : i32, i32
  }
  func.func @transform_7(%arg0: i32) -> (i32, i32) {
    %c0_i32 = arith.constant 0 : i32
    %c0_i32_0 = arith.constant 0 : i32
    %c0_i32_1 = arith.constant 0 : i32
    return %c0_i32, %c0_i32_0 : i32, i32
  }
  func.func @transform_8(%arg0: i32) -> (i32, i32) {
    %c0_i32 = arith.constant 0 : i32
    %c0_i32_0 = arith.constant 0 : i32
    return %arg0, %c0_i32 : i32, i32
  }
}

module attributes {stable_mosaic.version = 14 : i64} {
  func.func @_dense2_body(%arg0: i32, %arg1: memref<1x1000x128xf32, #tpu.memory_space<vmem>>, %arg2: memref<1x1000x128xf32, #tpu.memory_space<vmem>>, %arg3: memref<1000x128xf32, #tpu.memory_space<vmem>>, %arg4: memref<1000x1xf32, #tpu.memory_space<vmem>>, %arg5: memref<1x128xf32, #tpu.memory_space<vmem>>, %arg6: memref<128x128xf32, #tpu.memory_space<vmem>>, %arg7: memref<1000x128xf32, #tpu.memory_space<vmem>>) attributes {dimension_semantics = [#tpu.dimension_semantics<arbitrary>], iteration_bounds = array<i64: 10>, scalar_prefetch = 0 : i64, scratch_operands = 0 : i64, tpu.core_type = #tpu.core_type<tc>, window_params = [{transform_indices = @transform_0, window_bounds = array<i64: 1, 1000, 128>}, {transform_indices = @transform_1, window_bounds = array<i64: 1, 1000, 128>}, {transform_indices = @transform_2, window_bounds = array<i64: 1000, 128>}, {transform_indices = @transform_3, window_bounds = array<i64: 1000, 1>}, {pipeline_mode = #tpu.pipeline_mode<synchronous>, transform_indices = @transform_4, window_bounds = array<i64: 1, 128>}, {pipeline_mode = #tpu.pipeline_mode<synchronous>, transform_indices = @transform_5, window_bounds = array<i64: 128, 128>}, {transform_indices = @transform_6, window_bounds = array<i64: 1000, 128>}]} {
    %get3A = arith.constant 0 : index
    %get3A_0 = arith.constant 0 : index
    %get3A_1 = vector.load %arg4[%get3A, %get3A_0] : memref<1000x1xf32, #tpu.memory_space<vmem>>, vector<1000x1xf32>
    %get3A_2 = arith.constant 0 : index
    %get3A_3 = arith.constant 0 : index
    %get3A_4 = arith.constant 0 : index
    %get3A_5 = vector.load %arg1[%get3A_2, %get3A_3, %get3A_4] : memref<1x1000x128xf32, #tpu.memory_space<vmem>>, vector<1x1000x128xf32>
    %get3A_6 = vector.shape_cast %get3A_5 : vector<1x1000x128xf32> to vector<1000x128xf32>
    %get3A_7 = arith.constant 0 : index
    %get3A_8 = arith.constant 0 : index
    %get3A_9 = arith.constant 0 : index
    %get3A_10 = vector.load %arg2[%get3A_7, %get3A_8, %get3A_9] : memref<1x1000x128xf32, #tpu.memory_space<vmem>>, vector<1x1000x128xf32>
    %get3A_11 = vector.shape_cast %get3A_10 : vector<1x1000x128xf32> to vector<1000x128xf32>
    %add3A = arith.addf %get3A_6, %get3A_11 : vector<1000x128xf32>
    %get3A_12 = arith.constant 0 : index
    %get3A_13 = arith.constant 0 : index
    %get3A_14 = vector.load %arg3[%get3A_12, %get3A_13] : memref<1000x128xf32, #tpu.memory_space<vmem>>, vector<1000x128xf32>
    %add3A_15 = arith.addf %add3A, %get3A_14 : vector<1000x128xf32>
    %mul3A = vector.broadcast %get3A_1 : vector<1000x1xf32> to vector<1000x128xf32>
    %mul3A_16 = arith.mulf %mul3A, %add3A_15 : vector<1000x128xf32>
    %get3A_17 = arith.constant 0 : index
    %get3A_18 = arith.constant 0 : index
    %get3A_19 = vector.load %arg5[%get3A_17, %get3A_18] : memref<1x128xf32, #tpu.memory_space<vmem>>, vector<1x128xf32>
    %add3A_20 = vector.broadcast %get3A_19 : vector<1x128xf32> to vector<1000x128xf32>
    %add3A_21 = arith.addf %mul3A_16, %add3A_20 : vector<1000x128xf32>
    %max3A = arith.constant 0.000000e+00 : f32
    %max3A_22 = vector.broadcast %max3A : f32 to vector<1000x128xf32>
    %max3A_23 = arith.maximumf %add3A_21, %max3A_22 : vector<1000x128xf32>
    %get3A_24 = arith.constant 0 : index
    %get3A_25 = arith.constant 0 : index
    %get3A_26 = vector.load %arg4[%get3A_24, %get3A_25] : memref<1000x1xf32, #tpu.memory_space<vmem>>, vector<1000x1xf32>
    %get3A_27 = arith.constant 0 : index
    %get3A_28 = arith.constant 0 : index
    %get3A_29 = vector.load %arg6[%get3A_27, %get3A_28] : memref<128x128xf32, #tpu.memory_space<vmem>>, vector<128x128xf32>
    %dot_general3A = arith.constant dense<0.000000e+00> : vector<1000x128xf32>
    %dot_general3A_30 = tpu.matmul %max3A_23, %get3A_29, %dot_general3A {dimension_numbers = #tpu.dot_dimension_numbers<[1], [1], [0], [0], [0, 0, 1, 0], [], []>, transpose_lhs_hint = false} : vector<1000x128xf32>, vector<128x128xf32>, vector<1000x128xf32> -> vector<1000x128xf32>
    %mul3A_31 = vector.broadcast %get3A_26 : vector<1000x1xf32> to vector<1000x128xf32>
    %mul3A_32 = arith.mulf %mul3A_31, %dot_general3A_30 : vector<1000x128xf32>
    %swap3A = arith.constant 0 : index
    %swap3A_33 = arith.constant 0 : index
    %swap3A_34 = vector.load %arg7[%swap3A, %swap3A_33] : memref<1000x128xf32, #tpu.memory_space<vmem>>, vector<1000x128xf32>
    tpu.vector_store %arg7[%swap3A, %swap3A_33], %mul3A_32 {strides = array<i32>} : memref<1000x128xf32, #tpu.memory_space<vmem>>, vector<1000x128xf32>,
    return
  }
  func.func @transform_0(%arg0: i32) -> (i32, i32, i32) {
    %c0_i32 = arith.constant 0 : i32
    %c0_i32_0 = arith.constant 0 : i32
    %c0_i32_1 = arith.constant 0 : i32
    return %c0_i32, %arg0, %c0_i32_0 : i32, i32, i32
  }
  func.func @transform_1(%arg0: i32) -> (i32, i32, i32) {
    %c1_i32 = arith.constant 1 : i32
    %c0_i32 = arith.constant 0 : i32
    %c0_i32_0 = arith.constant 0 : i32
    return %c1_i32, %arg0, %c0_i32 : i32, i32, i32
  }
  func.func @transform_2(%arg0: i32) -> (i32, i32) {
    %c0_i32 = arith.constant 0 : i32
    %c0_i32_0 = arith.constant 0 : i32
    return %arg0, %c0_i32 : i32, i32
  }
  func.func @transform_3(%arg0: i32) -> (i32, i32) {
    %c0_i32 = arith.constant 0 : i32
    %c0_i32_0 = arith.constant 0 : i32
    return %arg0, %c0_i32 : i32, i32
  }
  func.func @transform_4(%arg0: i32) -> (i32, i32) {
    %c0_i32 = arith.constant 0 : i32
    %c0_i32_0 = arith.constant 0 : i32
    %c0_i32_1 = arith.constant 0 : i32
    return %c0_i32, %c0_i32_0 : i32, i32
  }
  func.func @transform_5(%arg0: i32) -> (i32, i32) {
    %c0_i32 = arith.constant 0 : i32
    %c0_i32_0 = arith.constant 0 : i32
    %c0_i32_1 = arith.constant 0 : i32
    return %c0_i32, %c0_i32_0 : i32, i32
  }
  func.func @transform_6(%arg0: i32) -> (i32, i32) {
    %c0_i32 = arith.constant 0 : i32
    %c0_i32_0 = arith.constant 0 : i32
    return %arg0, %c0_i32 : i32, i32
  }
}

module attributes {stable_mosaic.version = 14 : i64} {
  func.func @_pool_body(%arg0: i32, %arg1: memref<1x1000x128xf32, #tpu.memory_space<vmem>>, %arg2: memref<1x1000x128xf32, #tpu.memory_space<vmem>>, %arg3: memref<1000x128xf32, #tpu.memory_space<vmem>>, %arg4: memref<1000x1xf32, #tpu.memory_space<vmem>>, %arg5: memref<1x128xf32, #tpu.memory_space<vmem>>, %arg6: memref<1000x1xi32, #tpu.memory_space<vmem>>, %arg7: memref<64x128xf32, #tpu.memory_space<vmem>>, %arg8: memref<64x128xf32, #tpu.memory_space<vmem>>) attributes {dimension_semantics = [#tpu.dimension_semantics<arbitrary>], iteration_bounds = array<i64: 10>, scalar_prefetch = 0 : i64, scratch_operands = 0 : i64, tpu.core_type = #tpu.core_type<tc>, window_params = [{transform_indices = @transform_0, window_bounds = array<i64: 1, 1000, 128>}, {transform_indices = @transform_1, window_bounds = array<i64: 1, 1000, 128>}, {transform_indices = @transform_2, window_bounds = array<i64: 1000, 128>}, {transform_indices = @transform_3, window_bounds = array<i64: 1000, 1>}, {pipeline_mode = #tpu.pipeline_mode<synchronous>, transform_indices = @transform_4, window_bounds = array<i64: 1, 128>}, {transform_indices = @transform_5, window_bounds = array<i64: 1000, 1>}, {pipeline_mode = #tpu.pipeline_mode<synchronous>, transform_indices = @transform_6, window_bounds = array<i64: 64, 128>}, {pipeline_mode = #tpu.pipeline_mode<synchronous>, transform_indices = @transform_7, window_bounds = array<i64: 64, 128>}]} {
    %get3A = arith.constant 0 : index
    %get3A_0 = arith.constant 0 : index
    %get3A_1 = vector.load %arg4[%get3A, %get3A_0] : memref<1000x1xf32, #tpu.memory_space<vmem>>, vector<1000x1xf32>
    %get3A_2 = arith.constant 0 : index
    %get3A_3 = arith.constant 0 : index
    %get3A_4 = arith.constant 0 : index
    %get3A_5 = vector.load %arg1[%get3A_2, %get3A_3, %get3A_4] : memref<1x1000x128xf32, #tpu.memory_space<vmem>>, vector<1x1000x128xf32>
    %get3A_6 = vector.shape_cast %get3A_5 : vector<1x1000x128xf32> to vector<1000x128xf32>
    %get3A_7 = arith.constant 0 : index
    %get3A_8 = arith.constant 0 : index
    %get3A_9 = arith.constant 0 : index
    %get3A_10 = vector.load %arg2[%get3A_7, %get3A_8, %get3A_9] : memref<1x1000x128xf32, #tpu.memory_space<vmem>>, vector<1x1000x128xf32>
    %get3A_11 = vector.shape_cast %get3A_10 : vector<1x1000x128xf32> to vector<1000x128xf32>
    %add3A = arith.addf %get3A_6, %get3A_11 : vector<1000x128xf32>
    %get3A_12 = arith.constant 0 : index
    %get3A_13 = arith.constant 0 : index
    %get3A_14 = vector.load %arg3[%get3A_12, %get3A_13] : memref<1000x128xf32, #tpu.memory_space<vmem>>, vector<1000x128xf32>
    %add3A_15 = arith.addf %add3A, %get3A_14 : vector<1000x128xf32>
    %mul3A = vector.broadcast %get3A_1 : vector<1000x1xf32> to vector<1000x128xf32>
    %mul3A_16 = arith.mulf %mul3A, %add3A_15 : vector<1000x128xf32>
    %get3A_17 = arith.constant 0 : index
    %get3A_18 = arith.constant 0 : index
    %get3A_19 = vector.load %arg5[%get3A_17, %get3A_18] : memref<1x128xf32, #tpu.memory_space<vmem>>, vector<1x128xf32>
    %add3A_20 = vector.broadcast %get3A_19 : vector<1x128xf32> to vector<1000x128xf32>
    %add3A_21 = arith.addf %mul3A_16, %add3A_20 : vector<1000x128xf32>
    %get3A_22 = arith.constant 0 : index
    %get3A_23 = arith.constant 0 : index
    %get3A_24 = vector.load %arg6[%get3A_22, %get3A_23] : memref<1000x1xi32, #tpu.memory_space<vmem>>, vector<1000x1xi32>
    %iota3A = tpu.iota {dimensions = array<i32: 1>} : vector<1000x64xi32>
    %eq3A = vector.broadcast %get3A_24 : vector<1000x1xi32> to vector<1000x64xi32>
    %eq3A_25 = arith.cmpi eq, %eq3A, %iota3A : vector<1000x64xi32>
    %convert_element_type3A = arith.extui %eq3A_25 : vector<1000x64xi1> to vector<1000x64xi32>
    %convert_element_type3A_26 = arith.sitofp %convert_element_type3A : vector<1000x64xi32> to vector<1000x64xf32>
    %dot_general3A = arith.constant dense<0.000000e+00> : vector<64x128xf32>
    %dot_general3A_27 = tpu.matmul %convert_element_type3A_26, %add3A_21, %dot_general3A {dimension_numbers = #tpu.dot_dimension_numbers<[0], [0], [1], [1], [0, 1, 1, 1], [], []>, transpose_lhs_hint = false} : vector<1000x64xf32>, vector<1000x128xf32>, vector<64x128xf32> -> vector<64x128xf32>
    %broadcast_in_dim3A = arith.constant 1.000000e+00 : f32
    %broadcast_in_dim3A_28 = vector.broadcast %broadcast_in_dim3A : f32 to vector<1000x128xf32>
    %dot_general3A_29 = arith.constant dense<0.000000e+00> : vector<64x128xf32>
    %dot_general3A_30 = tpu.matmul %convert_element_type3A_26, %broadcast_in_dim3A_28, %dot_general3A_29 {dimension_numbers = #tpu.dot_dimension_numbers<[0], [0], [1], [1], [0, 1, 1, 1], [], []>, transpose_lhs_hint = false} : vector<1000x64xf32>, vector<1000x128xf32>, vector<64x128xf32> -> vector<64x128xf32>
    %eq3A_31 = arith.constant 0 : i32
    %eq3A_32 = arith.cmpi eq, %arg0, %eq3A_31 : i32
    %convert_element_type3A_33 = arith.extui %eq3A_32 : i1 to i32
    %cond3A = arith.constant 0 : i32
    %cond3A_34 = arith.cmpi ne, %convert_element_type3A_33, %cond3A : i32
    scf.if %cond3A_34 {
      %broadcast_in_dim3A_48 = arith.constant 0.000000e+00 : f32
      %broadcast_in_dim3A_49 = vector.broadcast %broadcast_in_dim3A_48 : f32 to vector<64x128xf32>
      %swap3A_50 = arith.constant 0 : index
      %swap3A_51 = arith.constant 0 : index
      %swap3A_52 = vector.load %arg7[%swap3A_50, %swap3A_51] : memref<64x128xf32, #tpu.memory_space<vmem>>, vector<64x128xf32>
      tpu.vector_store %arg7[%swap3A_50, %swap3A_51], %broadcast_in_dim3A_49 {strides = array<i32>} : memref<64x128xf32, #tpu.memory_space<vmem>>, vector<64x128xf32>,
      %broadcast_in_dim3A_53 = arith.constant 0.000000e+00 : f32
      %broadcast_in_dim3A_54 = vector.broadcast %broadcast_in_dim3A_53 : f32 to vector<64x128xf32>
      %swap3A_55 = arith.constant 0 : index
      %swap3A_56 = arith.constant 0 : index
      %swap3A_57 = vector.load %arg8[%swap3A_55, %swap3A_56] : memref<64x128xf32, #tpu.memory_space<vmem>>, vector<64x128xf32>
      tpu.vector_store %arg8[%swap3A_55, %swap3A_56], %broadcast_in_dim3A_54 {strides = array<i32>} : memref<64x128xf32, #tpu.memory_space<vmem>>, vector<64x128xf32>,
    } else {
    }
    %get3A_35 = arith.constant 0 : index
    %get3A_36 = arith.constant 0 : index
    %get3A_37 = vector.load %arg7[%get3A_35, %get3A_36] : memref<64x128xf32, #tpu.memory_space<vmem>>, vector<64x128xf32>
    %add3A_38 = arith.addf %get3A_37, %dot_general3A_27 : vector<64x128xf32>
    %swap3A = arith.constant 0 : index
    %swap3A_39 = arith.constant 0 : index
    %swap3A_40 = vector.load %arg7[%swap3A, %swap3A_39] : memref<64x128xf32, #tpu.memory_space<vmem>>, vector<64x128xf32>
    tpu.vector_store %arg7[%swap3A, %swap3A_39], %add3A_38 {strides = array<i32>} : memref<64x128xf32, #tpu.memory_space<vmem>>, vector<64x128xf32>,
    %get3A_41 = arith.constant 0 : index
    %get3A_42 = arith.constant 0 : index
    %get3A_43 = vector.load %arg8[%get3A_41, %get3A_42] : memref<64x128xf32, #tpu.memory_space<vmem>>, vector<64x128xf32>
    %add3A_44 = arith.addf %get3A_43, %dot_general3A_30 : vector<64x128xf32>
    %swap3A_45 = arith.constant 0 : index
    %swap3A_46 = arith.constant 0 : index
    %swap3A_47 = vector.load %arg8[%swap3A_45, %swap3A_46] : memref<64x128xf32, #tpu.memory_space<vmem>>, vector<64x128xf32>
    tpu.vector_store %arg8[%swap3A_45, %swap3A_46], %add3A_44 {strides = array<i32>} : memref<64x128xf32, #tpu.memory_space<vmem>>, vector<64x128xf32>,
    return
  }
  func.func @transform_0(%arg0: i32) -> (i32, i32, i32) {
    %c0_i32 = arith.constant 0 : i32
    %c0_i32_0 = arith.constant 0 : i32
    %c0_i32_1 = arith.constant 0 : i32
    return %c0_i32, %arg0, %c0_i32_0 : i32, i32, i32
  }
  func.func @transform_1(%arg0: i32) -> (i32, i32, i32) {
    %c1_i32 = arith.constant 1 : i32
    %c0_i32 = arith.constant 0 : i32
    %c0_i32_0 = arith.constant 0 : i32
    return %c1_i32, %arg0, %c0_i32 : i32, i32, i32
  }
  func.func @transform_2(%arg0: i32) -> (i32, i32) {
    %c0_i32 = arith.constant 0 : i32
    %c0_i32_0 = arith.constant 0 : i32
    return %arg0, %c0_i32 : i32, i32
  }
  func.func @transform_3(%arg0: i32) -> (i32, i32) {
    %c0_i32 = arith.constant 0 : i32
    %c0_i32_0 = arith.constant 0 : i32
    return %arg0, %c0_i32 : i32, i32
  }
  func.func @transform_4(%arg0: i32) -> (i32, i32) {
    %c0_i32 = arith.constant 0 : i32
    %c0_i32_0 = arith.constant 0 : i32
    %c0_i32_1 = arith.constant 0 : i32
    return %c0_i32, %c0_i32_0 : i32, i32
  }
  func.func @transform_5(%arg0: i32) -> (i32, i32) {
    %c0_i32 = arith.constant 0 : i32
    %c0_i32_0 = arith.constant 0 : i32
    return %arg0, %c0_i32 : i32, i32
  }
  func.func @transform_6(%arg0: i32) -> (i32, i32) {
    %c0_i32 = arith.constant 0 : i32
    %c0_i32_0 = arith.constant 0 : i32
    %c0_i32_1 = arith.constant 0 : i32
    return %c0_i32, %c0_i32_0 : i32, i32
  }
  func.func @transform_7(%arg0: i32) -> (i32, i32) {
    %c0_i32 = arith.constant 0 : i32
    %c0_i32_0 = arith.constant 0 : i32
    %c0_i32_1 = arith.constant 0 : i32
    return %c0_i32, %c0_i32_0 : i32, i32
  }
}

module attributes {stable_mosaic.version = 14 : i64} {
  func.func @_head_body(%arg0: memref<64x128xf32, #tpu.memory_space<vmem>>, %arg1: memref<64x128xf32, #tpu.memory_space<vmem>>, %arg2: memref<16x128xf32, #tpu.memory_space<vmem>>, %arg3: memref<1x16xf32, #tpu.memory_space<vmem>>, %arg4: memref<64x128xf32, #tpu.memory_space<vmem>>, %arg5: memref<64x16xf32, #tpu.memory_space<vmem>>) attributes {dimension_semantics = [], scalar_prefetch = 0 : i64, scratch_operands = 0 : i64, tpu.core_type = #tpu.core_type<tc>} {
    %get3A = arith.constant 0 : index
    %get3A_0 = arith.constant 0 : index
    %get3A_1 = vector.load %arg0[%get3A, %get3A_0] : memref<64x128xf32, #tpu.memory_space<vmem>>, vector<64x128xf32>
    %get3A_2 = arith.constant 0 : index
    %get3A_3 = arith.constant 0 : index
    %get3A_4 = vector.load %arg1[%get3A_2, %get3A_3] : memref<64x128xf32, #tpu.memory_space<vmem>>, vector<64x128xf32>
    %max3A = arith.constant 1.000000e+00 : f32
    %max3A_5 = vector.broadcast %max3A : f32 to vector<64x128xf32>
    %max3A_6 = arith.maximumf %get3A_4, %max3A_5 : vector<64x128xf32>
    %div3A = arith.divf %get3A_1, %max3A_6 : vector<64x128xf32>
    %mul3A = arith.mulf %div3A, %div3A : vector<64x128xf32>
    %reduce_sum3A = arith.constant dense<0.000000e+00> : vector<64xf32>
    %reduce_sum3A_7 = vector.multi_reduction <add>, %mul3A, %reduce_sum3A [1] : vector<64x128xf32> to vector<64xf32>
    %broadcast_in_dim3A = vector.shape_cast %reduce_sum3A_7 : vector<64xf32> to vector<64x1xf32>
    %max3A_8 = arith.constant 1.000000e-24 : f32
    %max3A_9 = vector.broadcast %max3A_8 : f32 to vector<64x1xf32>
    %max3A_10 = arith.maximumf %broadcast_in_dim3A, %max3A_9 : vector<64x1xf32>
    %rsqrt3A = math.rsqrt %max3A_10 : vector<64x1xf32>
    %mul3A_11 = vector.broadcast %rsqrt3A : vector<64x1xf32> to vector<64x128xf32>
    %mul3A_12 = arith.mulf %div3A, %mul3A_11 : vector<64x128xf32>
    %get3A_13 = arith.constant 0 : index
    %get3A_14 = arith.constant 0 : index
    %get3A_15 = vector.load %arg2[%get3A_13, %get3A_14] : memref<16x128xf32, #tpu.memory_space<vmem>>, vector<16x128xf32>
    %mul3A_16 = arith.mulf %get3A_15, %get3A_15 : vector<16x128xf32>
    %reduce_sum3A_17 = arith.constant dense<0.000000e+00> : vector<16xf32>
    %reduce_sum3A_18 = vector.multi_reduction <add>, %mul3A_16, %reduce_sum3A_17 [1] : vector<16x128xf32> to vector<16xf32>
    %broadcast_in_dim3A_19 = vector.shape_cast %reduce_sum3A_18 : vector<16xf32> to vector<16x1xf32>
    %max3A_20 = arith.constant 1.000000e-24 : f32
    %max3A_21 = vector.broadcast %max3A_20 : f32 to vector<16x1xf32>
    %max3A_22 = arith.maximumf %broadcast_in_dim3A_19, %max3A_21 : vector<16x1xf32>
    %rsqrt3A_23 = math.rsqrt %max3A_22 : vector<16x1xf32>
    %mul3A_24 = vector.broadcast %rsqrt3A_23 : vector<16x1xf32> to vector<16x128xf32>
    %mul3A_25 = arith.mulf %get3A_15, %mul3A_24 : vector<16x128xf32>
    %swap3A = arith.constant 0 : index
    %swap3A_26 = arith.constant 0 : index
    %swap3A_27 = vector.load %arg4[%swap3A, %swap3A_26] : memref<64x128xf32, #tpu.memory_space<vmem>>, vector<64x128xf32>
    tpu.vector_store %arg4[%swap3A, %swap3A_26], %mul3A_12 {strides = array<i32>} : memref<64x128xf32, #tpu.memory_space<vmem>>, vector<64x128xf32>,
    %dot_general3A = arith.constant dense<0.000000e+00> : vector<64x16xf32>
    %dot_general3A_28 = tpu.matmul %mul3A_12, %mul3A_25, %dot_general3A {dimension_numbers = #tpu.dot_dimension_numbers<[1], [1], [0], [0], [0, 0, 1, 0], [], []>, transpose_lhs_hint = false} : vector<64x128xf32>, vector<16x128xf32>, vector<64x16xf32> -> vector<64x16xf32>
    %get3A_29 = arith.constant 0 : index
    %get3A_30 = arith.constant 0 : index
    %get3A_31 = vector.load %arg3[%get3A_29, %get3A_30] : memref<1x16xf32, #tpu.memory_space<vmem>>, vector<1x16xf32>
    %add3A = vector.broadcast %get3A_31 : vector<1x16xf32> to vector<64x16xf32>
    %add3A_32 = arith.addf %dot_general3A_28, %add3A : vector<64x16xf32>
    %swap3A_33 = arith.constant 0 : index
    %swap3A_34 = arith.constant 0 : index
    %swap3A_35 = vector.load %arg5[%swap3A_33, %swap3A_34] : memref<64x16xf32, #tpu.memory_space<vmem>>, vector<64x16xf32>
    tpu.vector_store %arg5[%swap3A_33, %swap3A_34], %add3A_32 {strides = array<i32>} : memref<64x16xf32, #tpu.memory_space<vmem>>, vector<64x16xf32>,
    return
  }
}

</mosaic_0001>

<sc_bundles>
// kernel: kernel.10.cloned.1.call-start
scs
__scs_entry_jumppad:
0x0: {  	(pc) =	sbr.rel $0x88, $3  }
0x1: {  	(tag) =	ssettag $0x0;
	lr =	simm.s32 $0x1  }
0x2: {  	[smem:$0x3F95] =	sst lr;
	_ =	strace $0xD0000000  }
0x3: {  	_ = 	snop  }
0x4: {  	_ = 	snop  }
0x5: {  	_ = 	snop  }
0x6: {  	_ = 	snop  }
0x7: {  	_ = 	snop  }
__scs_overlays_trampoline_lowered:
0x8: {  	[smem:$0x3FA4] =	sst s0  }
0x9: {  	[smem:$0x3FA5] =	sst s1  }
0xa: {  	[smem:$0x3FA6] =	sst s2  }
0xb: {  	[smem:$0x3FA7] =	sst s3  }
0xc: {  	[smem:$0x3FA8] =	sst s4  }
0xd: {  	[smem:$0x3FA9] =	sst s5  }
0xe: {  	[smem:$0x3FAA] =	sst s6  }
0xf: {  	[smem:$0x3FAB] =	sst s7  }
0x10: {  	[smem:$0x3FAC] =	sst s8  }
0x11: {  	[smem:$0x3FAD] =	sst s9;
	s0 =	simm.s32 @!p0 $0x0  }
0x12: {  	s1 =	sld [smem:$0x3F93];
	s0 =	simm.s32 @p0 $0x1  }
0x13: {  	[smem:$0x3FAE] =	sst s0;
	s0 =	simm.s32 @!p1 $0x0  }
0x14: {  	s2 =	sld [smem:$0x3F92];
	s0 =	simm.s32 @p1 $0x1  }
0x15: {  	[smem:$0x3FAF] =	sst s0;
	s0 =	simm.s32 @!p2 $0x0  }
0x16: {  	s3 =	sld [smem:$0x3FDB];
	s0 =	simm.s32 @p2 $0x1  }
0x17: {  	s4 =	simm.s32 $0x1BF5;
	[smem:$0x3FB1] =	sst s0  }
0x18: {  	s0 =	sld [smem:$0x3F94];
	_ =	swait.ge [sflag:s4], $0x0  }
0x19: {  	s7 =	sld [smem:$0x3F95]  }
0x1a: {  	s8 =	sadd.s32 $0xFFFFE003, lr  }
0x1b: {  	s9 =	sadd.s32 $0xFFFFFEF7, lr;
	s5 =	simm.s32 $0xFFFFFFFF;
	p2 =	slt.u32 s8, $0xFFFFF086  }
0x1c: {  	p1 =	slt.u32 s9, $0xF7A;
	s5 =	simm.s32 @!p2 $0x0  }
0x1d: {  	s5 =	simm.s32 @p1 $0x1;
	p0 =	seq.s32 s7, s2  }
0x1e: {  	s7 =	smul.u32 @!p0 $0xF7A, s2;
	p2 =	seq.s32 @!p0 s5, $0x0  }
0x1f: {  	s9 =	smul.u32 $0xF7A, s1;
	s8 =	simm.s32 @!p0 $0x1BF5;
	p2 =	por !p2, p0  }
0x20: {  	[sflag:s8] =	ssyncset.s32 @!p0 $0xFFFFF086;
	s6 =	sadd.s32 @!p0 s3, s7;
	s7 =	simm.s32 @!p0 $0x108  }
0x21: {  	s3 =	sadd.s32 s3, s9;
	s6 =	sadd.s32 @!p0 $0x88, s6;
	s7 =	simm.s32 @p2 $0x1082  }
0x22: {  	[simem:s7], [sflag:s8] =	dma.local @!p0 [hbm:s6], $0xF7A  }
0x23: {  	s9 =	sor.u32 $0xD0000000, s2;
	s6 =	simm.s32 $0x108;
	_ =	swait.ge @!p0 [sflag:s8], $0x0  }
0x24: {  	s3 =	sadd.s32 $0x88, s3;
	s6 =	simm.s32 @!p1 $0x1082;
	[sflag:s4] =	ssyncset.s32 $0xFFFFF086  }
0x25: {  	[simem:s6], [sflag:s4] =	dma.local [hbm:s3], $0xF7A  }
0x26: {  	[smem:$0x3F95] =	sst s1;
	(tag) =	ssettag s2;
	_ =	strace s9  }
0x27: {  	s1 =	sld [smem:$0x3FA5]  }
0x28: {  	s2 =	sld [smem:$0x3FA6]  }
0x29: {  	s4 =	sld [smem:$0x3FA8]  }
0x2a: {  	p0 =	seq.s32 s5, $0x0;
	s5 =	sld [smem:$0x3FA9]  }
0x2b: {  	s6 =	sld [smem:$0x3FAA]  }
0x2c: {  	s7 =	sld [smem:$0x3FAB]  }
0x2d: {  	s3 =	simm.s32 $0x108;
	s8 =	sld [smem:$0x3FAC]  }
0x2e: {  	s3 =	simm.s32 @!p0 $0x1082;
	s9 =	sld [smem:$0x3FAD]  }
0x2f: {  	lr =	sadd.s32 s0, s3;
	s0 =	sld [smem:$0x3FA4]  }
0x30: {  	s3 =	sld [smem:$0x3FA7]  }
0x31: {  	[smem:$0x3FB0] =	sst s10  }
0x32: {  	s10 =	sld [smem:$0x3FAE];
	_ =	sdelay $0x3  }
0x33: {  	p0 =	seq.s32 s10, $0x1;
	s10 =	sld [smem:$0x3FB0];
	_ =	sdelay $0x3  }
0x34: {  	[smem:$0x3FB0] =	sst s10  }
0x35: {  	s10 =	sld [smem:$0x3FAF];
	_ =	sdelay $0x3  }
0x36: {  	p1 =	seq.s32 s10, $0x1;
	s10 =	sld [smem:$0x3FB0];
	_ =	sdelay $0x3  }
0x37: {  	[smem:$0x3FB0] =	sst s10  }
0x38: {  	s10 =	sld [smem:$0x3FB1]  }
0x39: {  	_ = 	snop;
	(pc) =	sbr.ind lr, $3  }
0x3a: {  	_ = 	snop  }
0x3b: {  	_ = 	snop  }
0x3c: {  	p2 =	seq.s32 s10, $0x1;
	s10 =	sld [smem:$0x3FB0]  }
0x3d: {  	_ =	shalt  }
0x3e: {  	_ =	shalt  }
0x3f: {  	_ =	shalt  }
0x40: {  	_ =	shalt  }
0x41: {  	_ =	shalt  }
0x42: {  	_ =	shalt  }
0x43: {  	_ =	shalt  }
0x44: {  	_ =	shalt  }
0x45: {  	_ =	shalt  }
0x46: {  	_ =	shalt  }
0x47: {  	_ =	shalt  }
0x48: {  	_ =	shalt  }
0x49: {  	_ =	shalt  }
0x4a: {  	_ =	shalt  }
0x4b: {  	_ =	shalt  }
0x4c: {  	_ =	shalt  }
0x4d: {  	_ =	shalt  }
0x4e: {  	_ =	shalt  }
0x4f: {  	_ =	shalt  }
0x50: {  	_ =	shalt  }
0x51: {  	_ =	shalt  }
0x52: {  	_ =	shalt  }
0x53: {  	_ =	shalt  }
0x54: {  	_ =	shalt  }
0x55: {  	_ =	shalt  }
0x56: {  	_ =	shalt  }
0x57: {  	_ =	shalt  }
0x58: {  	_ =	shalt  }
0x59: {  	_ =	shalt  }
0x5a: {  	_ =	shalt  }
0x5b: {  	_ =	shalt  }
0x5c: {  	_ =	shalt  }
0x5d: {  	_ =	shalt  }
0x5e: {  	_ =	shalt  }
0x5f: {  	_ =	shalt  }
0x60: {  	_ =	shalt  }
0x61: {  	_ =	shalt  }
0x62: {  	_ =	shalt  }
0x63: {  	_ =	shalt  }
0x64: {  	_ =	shalt  }
0x65: {  	_ =	shalt  }
0x66: {  	_ =	shalt  }
0x67: {  	_ =	shalt  }
0x68: {  	_ =	shalt  }
0x69: {  	_ =	shalt  }
0x6a: {  	_ =	shalt  }
0x6b: {  	_ =	shalt  }
0x6c: {  	_ =	shalt  }
0x6d: {  	_ =	shalt  }
0x6e: {  	_ =	shalt  }
0x6f: {  	_ =	shalt  }
0x70: {  	_ =	shalt  }
0x71: {  	_ =	shalt  }
0x72: {  	_ =	shalt  }
0x73: {  	_ =	shalt  }
0x74: {  	_ =	shalt  }
0x75: {  	_ =	shalt  }
0x76: {  	_ =	shalt  }
0x77: {  	_ =	shalt  }
0x78: {  	_ =	shalt  }
0x79: {  	_ =	shalt  }
0x7a: {  	_ =	shalt  }
0x7b: {  	_ =	shalt  }
0x7c: {  	_ =	shalt  }
0x7d: {  	_ =	shalt  }
0x7e: {  	_ =	shalt  }
0x7f: {  	_ =	shalt  }
0x80: {  	_ =	shalt  }
0x81: {  	_ =	shalt  }
0x82: {  	_ =	shalt  }
0x83: {  	_ =	shalt  }
0x84: {  	_ =	shalt  }
0x85: {  	_ =	shalt  }
0x86: {  	_ =	shalt  }
0x87: {  	_ =	shalt  }
.Lfunc_end0:
.L_simem_size_0:
called_computation_lowered:
.L_overlay_start_0:
0x88: {  	s2 =	sld [smem:$0x3FD9]  }
0x89: {  	s3 =	sld [smem:$0x3FFE];
	_ =	sdelay $0x1  }
0x8a: {  	s1 =	srdreg.scid  }
0x8b: {  	s0 =	sand.u32 $0x1, s1  }
0x8c: {  	s17 =	sshll.u32 s0, $0xA;
	s2 =	sadd.s32 s3, s2  }
0x8d: {  	s2 =	sadd.s32 s2, s17  }
0x8e: {  	[smem:$0x3FBC] =	sst s2  }
0x8f: {  	_ = 	snop  }
0x90: {  	s2 =	sld [smem:$0x3FC9];
	(tm) =	ssettm $0x1  }
0x91: {  	s18 =	sld [smem:$0x3FFB];
	_ =	sdelay $0x3  }
0x92: {  	_ =	strace s18  }
0x93: {  	s3 =	sld [smem:$0x3FFC];
	_ =	sdelay $0x3  }
0x94: {  	_ =	strace s3  }
0x95: {  	s3 =	sld [smem:$0x3FFD];
	_ =	sdelay $0x3  }
0x96: {  	_ =	strace s3  }
0x97: {  	_ =	strace $0x8FFFFFFF  }
0x98: {  	s19 =	sld [smem:$0x3FDB];
	_ =	sdelay $0x1  }
0x99: {  	s4 =	simm.s32 $_scs_section_size  }
0x9a: {  	s5 =	simm.s32 $_size__tile_overlayer_lowered;
	s6 =	simm.s32 $_tile_overlayer_lowered  }
0x9b: {  	s22 =	simm.s32 $0x1BFF;
	s21 =	sshll.u32 s6, $0x1;
	s3 =	sadd.s32 s4, s19  }
0x9c: {  	s7 =	simm.s32 $0x0;
	s20 =	sshll.u32 s5, $0x1;
	s5 =	sadd.s32 s21, s3  }
0x9d: {  	[timem:s7], [sflag:s22] =	dma.local [hbm:s5], s20  }
0x9e: {  	_ =	swait.ge [sflag:s22], s20  }
0x9f: {  	s4 =	ssub.s32 $0x0, s20;
	[sflag:s22] =	ssyncset.done $0x0  }
0xa0: {  	[sflag:s22] =	ssyncadd.s32 s4;
	_ =	sdelay $0x1  }
0xa1: {  	s23 =	simm.s32 $0x1B8B  }
0xa2: {  	_ =	swait.ge [sflag:s23], $0x1  }
0xa3: {  	[sflag:s23] =	ssyncset.done $0x0  }
0xa4: {  	s25 =	simm.s32 $0x1B8E;
	s24 =	sld [smem:$0x3FFE];
	[sflag:s23] =	ssyncadd.s32 $0xFFFFFFFF  }
0xa5: {  	s26 =	simm.s32 $execute0_lowered;
	[smem:$0x3FD2] =	sst s25  }
0xa6: {  	s5 =	sshll.u32 s26, $0x1;
	_ =	strace $0x80000046;
	[dreg:$0x1] =	wrdreg $0xFFFFFFFF  }
0xa7: {  	s28 =	simm.s32 $_size_execute0_lowered;
	s3 =	sadd.s32 s3, s5;
	[dreg:$0x0] =	wrdreg $0x0  }
0xa8: {  	s5 =	sshll.u32 s28, $0x1;
	[dreg:$0x2] =	wrdreg s3  }
0xa9: {  	[dreg:$0x3] =	wrdreg s5  }
0xaa: {  	[dreg:$0x4] =	wrdreg $0xC0  }
0xab: {  	_ =	task [dreg:s7], $0x5FFFF  }
0xac: {  	[dreg:$0x1] =	wrdreg $0xFFFFFFFF  }
0xad: {  	[dreg:$0x0] =	wrdreg $0x60  }
0xae: {  	[dreg:$0x2] =	wrdreg s2  }
0xaf: {  	[dreg:$0x3] =	wrdreg s24  }
0xb0: {  	[dreg:$0x4] =	wrdreg $0x0  }
0xb1: {  	[dreg:$0x5] =	wrdreg $0x140000  }
0xb2: {  	[dreg:$0x6] =	wrdreg $0x9  }
0xb3: {  	_ =	task.clear_ibuf [dreg:s7], $0x7FFFF;
	_ =	strace $0x90000046  }
0xb4: {  	s29 =	simm.s32 $0x9;
	_ =	strace $0x80000048  }
0xb5: {  	_ =	swait.ge [sflag:s29], $0x1  }
0xb6: {  	[sflag:s29] =	ssyncadd.s32 $0xFFFFFFFF  }
0xb7: {  	_ =	strace $0x90000048  }
0xb8: {  	_ =	sfence  }
0xb9: {  	s30 =	sld [smem:$0x0];
	_ =	sdelay $0x2  }
0xba: {  	s31 =	sshll.u32 s1, $0xD;
	s1 =	sshrl.u32 s1, $0x2  }
0xbb: {  	s3 =	sand.u32 $0x4000, s31;
	s1 =	sadd.s32 s1, s30  }
0xbc: {  	s0 =	sor.u32 s3, s0;
	s1 =	sshll.u32 s1, $0x11  }
0xbd: {  	s0 =	sor.u32 s1, s0  }
0xbe: {  	s0 =	sadd.s32 $0x8F2B, s0  }
0xbf: {  	[sflag:s0] =	ssyncadd.remote.s32 $0x1  }
0xc0: {  	_ =	sfence.sel $0xFFFF  }
0xc1: {  	[dreg:$0x0] =	wrdreg $0xFFFFFFFF;
	(pc) =	sbr.abs _section_cstart, $3  }
0xc2: {  	[dreg:$0x1] =	wrdreg $0xFFFFFFFF  }
0xc3: {  	_ =	task.clear_ibuf [dreg:s7], $0x2FFFF;
	_ =	strace $0x9FFFFFFF  }
0xc4: {  	(tm) =	ssettm $0x7FFFFFFF  }
0xc5: {  	_ =	shalt  }
tec
execute0_lowered:
.L_overlay_start_1:
0x0: {  	(tag) =	ssettag $0x1  }
0x1: {  	s1 =	rddreg [dreg:$0x0]  }
0x2: {  	s0 =	rddreg [dreg:$0x1]  }
0x3: {  	s3 =	rddreg [dreg:$0x2];
	s10 =	stileid.u32  }
0x4: {  	s4 =	rddreg [dreg:$0x3];
	s6 =	smul.u32 $0x500, s10  }
0x5: {  	s2 =	srdreg.scid;
	s7 =	smul.u32 $0x9E0, s10  }
0x6: {  	s5 =	simm.s32 $0x0;
	s28 =	simm.s32 $0x18380;
	s11 =	smul.u32 $0x280, s10  }
0x7: {  	s29 =	simm.s32 $0x1;
	s30 =	simm.s32 $0x1C380;
	s21 =	smul.u32 $0x50000, s10  }
0x8: {  	s2 =	sand.u32 $0x1, s2;
	[smem:$0x7FF] =	sst s5;
	s20 =	smul.u32 $0x14000, s10  }
0x9: {  	s16 =	sadd.s32 $0x17000, s0;
	s8 =	sshll.u32 s2, $0x7;
	s14 =	smul.u32 $0x140000, s2  }
0xa: {  	_ =	strace $0x80000047;
	s22 =	ssub.s32 $0x2, s2;
	s2 =	smul.u32 $0x4F0, s2  }
0xb: {  	s6 =	sor.u32 s8, s6;
	s17 =	sadd.s32 s7, s0;
	s23 =	sshrl.u32 s22, $0x1  }
0xc: {  	s7 =	sshrl.u32 s21, $0x2;
	s9 =	sshll.u32 s11, $0x7;
	s11 =	sadd.s32 s11, s4  }
0xd: {  	s6 =	sshrl.u32 s6, $0x3;
	s18 =	ssub.s32 s22, s23;
	s12 =	sadd.s32 $0x4000, s9  }
0xe: {  	s13 =	sadd.s32 $0x8000, s9;
	s15 =	sadd.s32 $0xC000, s9;
	s19 =	sadd.s32 $0x10000, s9  }
0xf: {  	s20 =	sadd.s32 s20, s14;
	s2 =	sadd.s32 s2, s17;
	s23 =	simm.s32 $0x1C400  }
0x10: {  	s0 =	sadd.s32 s6, s0;
	s6 =	sadd.s32 s7, s3;
	s7 =	sadd.s32 s12, s3  }
0x11: {  	s8 =	sadd.s32 s13, s3;
	s9 =	sadd.s32 s15, s3;
	s10 =	sadd.s32 s19, s3  }
0x12: {  	s12 =	sadd.s32 s14, s12;
	s20 =	sshrl.u32 s20, $0x3;
	s22 =	sadd.s32 s14, s13  }
0x13: {  	s15 =	sadd.s32 s14, s15;
	s19 =	sadd.s32 s14, s19;
	s18 =	smax.u32 s18, $0x1  }
0x14: {  	s21 =	sshrl.u32 s12, $0x3;
	s24 =	sadd.s32 s16, s20;
	s26 =	sshrl.u32 s22, $0x3  }
0x15: {  	s15 =	sshrl.u32 s15, $0x3;
	s19 =	sshrl.u32 s19, $0x3;
	s17 =	sadd.s32 $0x16600, s0  }
0x16: {  	s20 =	sadd.s32 $0x2A00, s2;
	s22 =	simm.s32 $0x2;
	s0 =	simm.s32 $0x0  }
0x17: {  	[dreg:$0x5] =	wrdreg s24;
	s25 =	sadd.s32 s16, s21;
	s31 =	sadd.s32 s16, s26  }
0x18: {  	s15 =	sadd.s32 s16, s15;
	s16 =	sadd.s32 s16, s19;
	s19 =	sadd.s32 $0xC800, s2  }
0x19: {  	s21 =	simm.s32 $0x14280;
	s24 =	simm.s32 $0x18280;
	[dreg:$0x6] =	wrdreg s25  }
0x1a: {  	v0 =	vimm.f32 $0.0e+00;
	v1 =	vimm.f32 $1.000000000e+00;
	s26 =	simm.s32 $0x80;
	[dreg:$0x7] =	wrdreg s31;
	s25 =	simm.s32 $0x18300  }
.LBB2_1:
0x1b: {  	s2 =	simm.s32 $0x0;
	s31 =	simm.s32 $0x200  }
.LBB2_2:
0x1c: {  	p0 =	sne.s32 s31, $0xFE00;
	[tilespmem:s2+$0x142F0] =	vst v0  }
0x1d: {  	[tilespmem:s2+$0x14280] =	vst v0  }
0x1e: {  	[tilespmem:s2+$0x14290] =	vst v0  }
.Ltmp0:
0x1f: {  	[tilespmem:s2+$0x142A0] =	vst v0;
	(pc) =	sbr.rel @p0 .LBB2_2-.Ltmp0, $4  }
0x20: {  	[tilespmem:s2+$0x142B0] =	vst v0  }
0x21: {  	[tilespmem:s2+$0x142C0] =	vst v0  }
0x22: {  	[tilespmem:s2+$0x142D0] =	vst v0  }
0x23: {  	[tilespmem:s2+$0x142E0] =	vst v0;
	s2 =	sshra.s32 s31, $0x2;
	s31 =	sadd.s32 $0x200, s31  }
0x24: {  	[tilespmem:s2+$0x142F0] =	vst v0  }
0x25: {  	[tilespmem:s2+$0x14280] =	vst v0  }
0x26: {  	[tilespmem:s2+$0x14290] =	vst v0  }
0x27: {  	[tilespmem:s2+$0x142A0] =	vst v0  }
0x28: {  	[tilespmem:s2+$0x142B0] =	vst v0  }
0x29: {  	[tilespmem:s2+$0x142C0] =	vst v0  }
0x2a: {  	[tilespmem:s2+$0x142D0] =	vst v0  }
0x2b: {  	[tilespmem:s2+$0x142E0] =	vst v0  }
0x2c: {  	[spmem:s6] =	stream.linear.scatter [tilespmem:s21], [sflag:$0x2], $0x4000, $0x38;
	[tilespmem:$0x1C680] =	vst v63  }
0x2d: {  	_ =	swait.ge [sflag:s22], $0x4000  }
0x2e: {  	[sflag:s22] =	ssyncset.done $0x0  }
0x2f: {  	[sflag:s22] =	ssyncadd.s32 $0xFFFFC000  }
0x30: {  	[spmem:s7] =	stream.linear.scatter [tilespmem:s21], [sflag:$0x2], $0x4000, $0x38;
	[tilespmem:$0x1C680] =	vst v63  }
0x31: {  	_ =	swait.ge [sflag:s22], $0x4000  }
0x32: {  	[sflag:s22] =	ssyncset.done $0x0  }
0x33: {  	[sflag:s22] =	ssyncadd.s32 $0xFFFFC000  }
0x34: {  	[spmem:s8] =	stream.linear.scatter [tilespmem:s21], [sflag:$0x2], $0x4000, $0x38;
	[tilespmem:$0x1C680] =	vst v63  }
0x35: {  	_ =	swait.ge [sflag:s22], $0x4000  }
0x36: {  	[sflag:s22] =	ssyncset.done $0x0  }
0x37: {  	[sflag:s22] =	ssyncadd.s32 $0xFFFFC000  }
0x38: {  	[spmem:s9] =	stream.linear.scatter [tilespmem:s21], [sflag:$0x2], $0x4000, $0x38;
	[tilespmem:$0x1C680] =	vst v63  }
0x39: {  	_ =	swait.ge [sflag:s22], $0x4000  }
0x3a: {  	[sflag:s22] =	ssyncset.done $0x0  }
0x3b: {  	[sflag:s22] =	ssyncadd.s32 $0xFFFFC000  }
0x3c: {  	[spmem:s10] =	stream.linear.scatter [tilespmem:s21], [sflag:$0x2], $0x4000, $0x38;
	[tilespmem:$0x1C680] =	vst v63  }
0x3d: {  	_ =	swait.ge [sflag:s22], $0x4000  }
0x3e: {  	[sflag:s22] =	ssyncset.done $0x0  }
0x3f: {  	[sflag:s22] =	ssyncadd.s32 $0xFFFFC000  }
0x40: {  	[tilespmem:$0x1C400] =	vst v0  }
0x41: {  	[tilespmem:$0x1C410] =	vst v0  }
0x42: {  	[tilespmem:$0x1C420] =	vst v0  }
0x43: {  	[tilespmem:$0x1C430] =	vst v0  }
0x44: {  	[tilespmem:$0x1C440] =	vst v0  }
0x45: {  	[tilespmem:$0x1C450] =	vst v0  }
0x46: {  	[tilespmem:$0x1C460] =	vst v0  }
0x47: {  	[tilespmem:$0x1C470] =	vst v0  }
0x48: {  	[tilespmem:$0x1C480] =	vst v0  }
0x49: {  	[tilespmem:$0x1C490] =	vst v0  }
0x4a: {  	[tilespmem:$0x1C4A0] =	vst v0  }
0x4b: {  	[tilespmem:$0x1C4B0] =	vst v0  }
0x4c: {  	[tilespmem:$0x1C4C0] =	vst v0  }
0x4d: {  	[tilespmem:$0x1C4D0] =	vst v0  }
0x4e: {  	[tilespmem:$0x1C4E0] =	vst v0  }
0x4f: {  	[tilespmem:$0x1C4F0] =	vst v0  }
0x50: {  	[tilespmem:$0x1C500] =	vst v0  }
0x51: {  	[tilespmem:$0x1C510] =	vst v0  }
0x52: {  	[tilespmem:$0x1C520] =	vst v0  }
0x53: {  	[tilespmem:$0x1C530] =	vst v0  }
0x54: {  	[tilespmem:$0x1C540] =	vst v0  }
0x55: {  	[tilespmem:$0x1C550] =	vst v0  }
0x56: {  	[tilespmem:$0x1C560] =	vst v0  }
0x57: {  	[tilespmem:$0x1C570] =	vst v0  }
0x58: {  	[tilespmem:$0x1C580] =	vst v0  }
0x59: {  	[tilespmem:$0x1C590] =	vst v0  }
0x5a: {  	[tilespmem:$0x1C5A0] =	vst v0  }
0x5b: {  	[tilespmem:$0x1C5B0] =	vst v0  }
0x5c: {  	[tilespmem:$0x1C5C0] =	vst v0  }
0x5d: {  	[tilespmem:$0x1C5D0] =	vst v0  }
0x5e: {  	[tilespmem:$0x1C5E0] =	vst v0  }
0x5f: {  	[tilespmem:$0x1C5F0] =	vst v0  }
0x60: {  	[tilespmem:$0x1C600] =	vst v0  }
0x61: {  	[tilespmem:$0x1C610] =	vst v0  }
0x62: {  	[tilespmem:$0x1C620] =	vst v0  }
0x63: {  	[tilespmem:$0x1C630] =	vst v0  }
0x64: {  	[tilespmem:$0x1C640] =	vst v0  }
0x65: {  	[tilespmem:$0x1C650] =	vst v0  }
0x66: {  	[tilespmem:$0x1C660] =	vst v0  }
0x67: {  	[tilespmem:$0x1C670] =	vst v0  }
0x68: {  	[tilespmem:$0x1C380] =	vst v1  }
0x69: {  	[tilespmem:$0x1C390] =	vst v1  }
0x6a: {  	[tilespmem:$0x1C3A0] =	vst v1  }
0x6b: {  	[tilespmem:$0x1C3B0] =	vst v1  }
0x6c: {  	[tilespmem:$0x1C3C0] =	vst v1  }
0x6d: {  	[tilespmem:$0x1C3D0] =	vst v1  }
0x6e: {  	[tilespmem:$0x1C3E0] =	vst v1  }
0x6f: {  	[tilespmem:$0x1C3F0] =	vst v1  }
0x70: {  	[spmem:s11] =	stream.linear.scatter [tilespmem:s23], [sflag:$0x2], $0x280, $0x38;
	[tilespmem:$0x1C680] =	vst v63  }
0x71: {  	_ =	swait.ge [sflag:s22], $0x280  }
0x72: {  	[sflag:s22] =	ssyncset.done $0x0  }
0x73: {  	[sflag:s22] =	ssyncadd.s32 $0xFFFFFD80  }
0x74: {  	s13 =	sadd.s32 $0x0, s20;
	[bflag:$0x0] =	sbarrier.arrive $0xFFFF  }
0x75: {  	[tilespmem:s24], [sflag:$0x2] =	stream.linear.gather [hbm4b:s13+s5], $0x80, $0x38;
	[tilespmem:$0x1C680] =	vst v63  }
0x76: {  	_ =	swait.ge [sflag:s22], $0x80  }
0x77: {  	[sflag:s22] =	ssyncset.done $0x0  }
0x78: {  	s14 =	sadd.s32 $0x0, s19;
	[sflag:s22] =	ssyncadd.s32 $0xFFFFFF80  }
0x79: {  	[tilespmem:s25], [sflag:$0x2] =	stream.linear.gather [hbm4b:s14+s5], $0x80, $0x38;
	[tilespmem:$0x1C680] =	vst v63  }
0x7a: {  	_ =	swait.ge [sflag:s22], $0x80  }
0x7b: {  	[sflag:s22] =	ssyncset.done $0x0  }
0x7c: {  	[sflag:s22] =	ssyncadd.s32 $0xFFFFFF80  }
0x7d: {  	[tilespmem:s28], [sflag:$0x1] =	stream.indirect.gather [hbm4b:s1+s26], $0x80, s24, s26, $0xb8;
	[tilespmem:$0x1C680] =	vst v63  }
0x7e: {  	_ =	swait.ge [sflag:s29], $0x4000  }
0x7f: {  	[sflag:s29] =	ssyncset.done $0x0  }
0x80: {  	[sflag:s29] =	ssyncadd.s32 $0xFFFFC000  }
0x81: {  	[spmem:s3] =	stream.indirect.scatter.add.f32 [tilespmem:s28], [sflag:$0x2], $0x80, s25, s26, $0xb8;
	[tilespmem:$0x1C680] =	vst v63  }
0x82: {  	_ =	swait.ge [sflag:s22], $0x4000  }
0x83: {  	[sflag:s22] =	ssyncset.done $0x0  }
0x84: {  	[sflag:s22] =	ssyncadd.s32 $0xFFFFC000  }
0x85: {  	[spmem:s4] =	stream.indirect.scatter.add.f32 [tilespmem:s30], [sflag:$0x2], $0x1, s25, s26, $0xb8;
	[tilespmem:$0x1C680] =	vst v63  }
0x86: {  	_ =	swait.ge [sflag:s22], $0x80  }
0x87: {  	s2 =	simm.s32 $0x10;
	s31 =	simm.s32 $0x20;
	[sflag:s22] =	ssyncset.done $0x0  }
.LBB2_4:
0x88: {  	s12 =	sadd.s32 s2, s20  }
0x89: {  	[sflag:s22] =	ssyncadd.s32 $0xFFFFFF80;
	s13 =	smov.u32 s31;
	s14 =	sadd.s32 $0x10, s31  }
0x8a: {  	[tilespmem:s24], [sflag:$0x2] =	stream.linear.gather [hbm4b:s12+s5], $0x80, $0x38;
	[tilespmem:$0x1C680] =	vst v63  }
0x8b: {  	p0 =	sne.s32 s31, $0x4E0;
	_ =	swait.ge [sflag:s22], $0x80  }
0x8c: {  	[sflag:s22] =	ssyncset.done $0x0  }
0x8d: {  	s12 =	sadd.s32 s2, s19;
	s2 =	smov.u32 s13;
	[sflag:s22] =	ssyncadd.s32 $0xFFFFFF80  }
0x8e: {  	[tilespmem:s25], [sflag:$0x2] =	stream.linear.gather [hbm4b:s12+s5], $0x80, $0x38;
	[tilespmem:$0x1C680] =	vst v63  }
0x8f: {  	_ =	swait.ge [sflag:s22], $0x80  }
0x90: {  	[sflag:s22] =	ssyncset.done $0x0  }
0x91: {  	[sflag:s22] =	ssyncadd.s32 $0xFFFFFF80  }
0x92: {  	[tilespmem:s28], [sflag:$0x1] =	stream.indirect.gather [hbm4b:s1+s26], $0x80, s24, s26, $0xb8;
	[tilespmem:$0x1C680] =	vst v63  }
0x93: {  	_ =	swait.ge [sflag:s29], $0x4000  }
0x94: {  	[sflag:s29] =	ssyncset.done $0x0  }
0x95: {  	[sflag:s29] =	ssyncadd.s32 $0xFFFFC000  }
0x96: {  	[spmem:s3] =	stream.indirect.scatter.add.f32 [tilespmem:s28], [sflag:$0x2], $0x80, s25, s26, $0xb8;
	[tilespmem:$0x1C680] =	vst v63  }
0x97: {  	_ =	swait.ge [sflag:s22], $0x4000  }
.Ltmp1:
0x98: {  	[sflag:s22] =	ssyncset.done $0x0;
	(pc) =	sbr.rel @p0 .LBB2_4-.Ltmp1, $4  }
0x99: {  	[sflag:s22] =	ssyncadd.s32 $0xFFFFC000  }
0x9a: {  	[spmem:s4] =	stream.indirect.scatter.add.f32 [tilespmem:s30], [sflag:$0x2], $0x1, s25, s26, $0xb8;
	[tilespmem:$0x1C680] =	vst v63  }
0x9b: {  	_ =	swait.ge [sflag:s22], $0x80  }
0x9c: {  	s31 =	smov.u32 s14;
	[sflag:s22] =	ssyncset.done $0x0  }
0x9d: {  	s12 =	sadd.s32 s2, s20;
	[sflag:s22] =	ssyncadd.s32 $0xFFFFFF80  }
0x9e: {  	[tilespmem:s24], [sflag:$0x2] =	stream.linear.gather [hbm4b:s12+s5], $0x80, $0x38;
	[tilespmem:$0x1C680] =	vst v63  }
0x9f: {  	_ =	swait.ge [sflag:s22], $0x80  }
0xa0: {  	[sflag:s22] =	ssyncset.done $0x0  }
0xa1: {  	s31 =	sadd.s32 s2, s19;
	[sflag:s22] =	ssyncadd.s32 $0xFFFFFF80  }
0xa2: {  	[tilespmem:s25], [sflag:$0x2] =	stream.linear.gather [hbm4b:s31+s5], $0x80, $0x38;
	[tilespmem:$0x1C680] =	vst v63  }
0xa3: {  	_ =	swait.ge [sflag:s22], $0x80  }
0xa4: {  	[sflag:s22] =	ssyncset.done $0x0  }
0xa5: {  	[sflag:s22] =	ssyncadd.s32 $0xFFFFFF80  }
0xa6: {  	[tilespmem:s28], [sflag:$0x1] =	stream.indirect.gather [hbm4b:s1+s26], $0x80, s24, s26, $0xb8;
	[tilespmem:$0x1C680] =	vst v63  }
0xa7: {  	_ =	swait.ge [sflag:s29], $0x4000  }
0xa8: {  	[sflag:s29] =	ssyncset.done $0x0  }
0xa9: {  	[sflag:s29] =	ssyncadd.s32 $0xFFFFC000  }
0xaa: {  	[spmem:s3] =	stream.indirect.scatter.add.f32 [tilespmem:s28], [sflag:$0x2], $0x80, s25, s26, $0xb8;
	[tilespmem:$0x1C680] =	vst v63  }
0xab: {  	_ =	swait.ge [sflag:s22], $0x4000  }
0xac: {  	[sflag:s22] =	ssyncset.done $0x0  }
0xad: {  	[sflag:s22] =	ssyncadd.s32 $0xFFFFC000  }
0xae: {  	[spmem:s4] =	stream.indirect.scatter.add.f32 [tilespmem:s30], [sflag:$0x2], $0x1, s25, s26, $0xb8;
	[tilespmem:$0x1C680] =	vst v63  }
0xaf: {  	_ =	swait.ge [sflag:s22], $0x80  }
0xb0: {  	[sflag:s22] =	ssyncset.done $0x0  }
0xb1: {  	[sflag:s22] =	ssyncadd.s32 $0xFFFFFF80  }
0xb2: {  	[bflag:$0x0] =	sbarrier.arrive $0xFFFF  }
0xb3: {  	[tilespmem:s28], [sflag:$0x2] =	stream.linear.gather [spmem:s6], $0x4000, $0x38;
	[tilespmem:$0x1C680] =	vst v63  }
0xb4: {  	_ =	swait.ge [sflag:s22], $0x4000  }
0xb5: {  	[sflag:s22] =	ssyncset.done $0x0  }
0xb6: {  	s12 =	rddreg [dreg:$0x5];
	[sflag:s22] =	ssyncadd.s32 $0xFFFFC000  }
0xb7: {  	[hbm4b:s12+s5] =	stream.linear.scatter [tilespmem:s28], [sflag:$0x2], $0x4000, $0x38;
	[tilespmem:$0x1C680] =	vst v63  }
0xb8: {  	_ =	swait.ge [sflag:s22], $0x4000  }
0xb9: {  	[sflag:s22] =	ssyncset.done $0x0  }
0xba: {  	[sflag:s22] =	ssyncadd.s32 $0xFFFFC000  }
0xbb: {  	[tilespmem:s28], [sflag:$0x2] =	stream.linear.gather [spmem:s7], $0x4000, $0x38;
	[tilespmem:$0x1C680] =	vst v63  }
0xbc: {  	_ =	swait.ge [sflag:s22], $0x4000  }
0xbd: {  	[sflag:s22] =	ssyncset.done $0x0  }
0xbe: {  	s13 =	rddreg [dreg:$0x6];
	[sflag:s22] =	ssyncadd.s32 $0xFFFFC000  }
0xbf: {  	[hbm4b:s13+s5] =	stream.linear.scatter [tilespmem:s28], [sflag:$0x2], $0x4000, $0x38;
	[tilespmem:$0x1C680] =	vst v63  }
0xc0: {  	_ =	swait.ge [sflag:s22], $0x4000  }
0xc1: {  	[sflag:s22] =	ssyncset.done $0x0  }
0xc2: {  	[sflag:s22] =	ssyncadd.s32 $0xFFFFC000  }
0xc3: {  	[tilespmem:s28], [sflag:$0x2] =	stream.linear.gather [spmem:s8], $0x4000, $0x38;
	[tilespmem:$0x1C680] =	vst v63  }
0xc4: {  	_ =	swait.ge [sflag:s22], $0x4000  }
0xc5: {  	[sflag:s22] =	ssyncset.done $0x0  }
0xc6: {  	s14 =	rddreg [dreg:$0x7];
	[sflag:s22] =	ssyncadd.s32 $0xFFFFC000  }
0xc7: {  	[hbm4b:s14+s5] =	stream.linear.scatter [tilespmem:s28], [sflag:$0x2], $0x4000, $0x38;
	[tilespmem:$0x1C680] =	vst v63  }
0xc8: {  	_ =	swait.ge [sflag:s22], $0x4000  }
0xc9: {  	[sflag:s22] =	ssyncset.done $0x0  }
0xca: {  	[sflag:s22] =	ssyncadd.s32 $0xFFFFC000  }
0xcb: {  	[tilespmem:s28], [sflag:$0x2] =	stream.linear.gather [spmem:s9], $0x4000, $0x38;
	[tilespmem:$0x1C680] =	vst v63  }
0xcc: {  	_ =	swait.ge [sflag:s22], $0x4000  }
0xcd: {  	[sflag:s22] =	ssyncset.done $0x0  }
0xce: {  	[sflag:s22] =	ssyncadd.s32 $0xFFFFC000  }
0xcf: {  	[hbm4b:s15+s5] =	stream.linear.scatter [tilespmem:s28], [sflag:$0x2], $0x4000, $0x38;
	[tilespmem:$0x1C680] =	vst v63  }
0xd0: {  	_ =	swait.ge [sflag:s22], $0x4000  }
0xd1: {  	[sflag:s22] =	ssyncset.done $0x0  }
0xd2: {  	[sflag:s22] =	ssyncadd.s32 $0xFFFFC000  }
0xd3: {  	[tilespmem:s28], [sflag:$0x2] =	stream.linear.gather [spmem:s10], $0x4000, $0x38;
	[tilespmem:$0x1C680] =	vst v63  }
0xd4: {  	_ =	swait.ge [sflag:s22], $0x4000  }
0xd5: {  	[sflag:s22] =	ssyncset.done $0x0  }
0xd6: {  	[sflag:s22] =	ssyncadd.s32 $0xFFFFC000  }
0xd7: {  	[hbm4b:s16+s5] =	stream.linear.scatter [tilespmem:s28], [sflag:$0x2], $0x4000, $0x38;
	[tilespmem:$0x1C680] =	vst v63  }
0xd8: {  	_ =	swait.ge [sflag:s22], $0x4000  }
0xd9: {  	[sflag:s22] =	ssyncset.done $0x0  }
0xda: {  	[sflag:s22] =	ssyncadd.s32 $0xFFFFC000  }
0xdb: {  	[tilespmem:s23], [sflag:$0x2] =	stream.linear.gather [spmem:s11], $0x280, $0x38;
	[tilespmem:$0x1C680] =	vst v63  }
0xdc: {  	s0 =	sadd.s32 $0x1, s0;
	_ =	swait.ge [sflag:s22], $0x280  }
0xdd: {  	p0 =	sne.s32 s0, s18;
	[sflag:s22] =	ssyncset.done $0x0  }
.Ltmp2:
0xde: {  	s31 =	simm.s32 $0x100;
	[sflag:s22] =	ssyncadd.s32 $0xFFFFFD80;
	(pc) =	sbr.rel @p0 .LBB2_1-.Ltmp2, $4  }
0xdf: {  	[hbm4b:s17+s26] =	stream.strided.scatter [tilespmem:s23], [sflag:$0x2], $0x280, s31, s26, $0x38;
	[tilespmem:$0x1C680] =	vst v63  }
0xe0: {  	_ =	swait.ge [sflag:s22], $0x280  }
0xe1: {  	[sflag:s22] =	ssyncset.done $0x0  }
0xe2: {  	[sflag:s22] =	ssyncadd.s32 $0xFFFFFD80  }
0xe3: {  	_ =	sfence.sel $0x180000  }
0xe4: {  	[bflag:$0x0] =	sbarrier.arrive $0xFFFF  }
0xe5: {  	_ =	strace $0x90000047  }
0xe6: {  	s0 =	stileid.u32;
	[bflag:$0x2] =	sbarrier.arrive $0xFFFF  }
0xe7: {  	p0 =	sne.s32 s0, $0x0;
	s0 =	rddreg [dreg:$0x4]  }
0xe8: {  	s0 =	sadd.s32 @!p0 $0x100000, s0  }
0xe9: {  	[sflag:s0] =	ssyncadd.tile.s32 @!p0 $0x1;
	_ =	shalt  }
.Lfunc_end2:
_tile_overlayer_lowered:
.L_overlay_start_2:
0xea: {  	(tag) =	ssettag $0x2  }
0xeb: {  	s0 =	rddreg [dreg:$0x0];
	s2 =	stileid.u32  }
0xec: {  	s1 =	rddreg [dreg:$0x1];
	p0 =	sne.s32 s2, $0x0  }
0xed: {  	s3 =	rddreg [dreg:$0x2];
	[bflag:$0x3] =	sbarrier.arrive $0xFFFF;
	s2 =	simm.s32 @!p0 $0x1C02  }
0xee: {  	[timem:s3], [sflag:s2] =	dma.local @!p0 [hbm:s0], s1  }
0xef: {  	s0 =	simm.s32 @!p0 $0x2  }
0xf0: {  	_ =	swait.ge @!p0 [sflag:s0], s1  }
0xf1: {  	s1 =	ssub.s32 @!p0 $0x0, s1;
	[sflag:s0] =	ssyncset.done @!p0 $0x0  }
0xf2: {  	[sflag:s0] =	ssyncadd.s32 @!p0 s1  }
0xf3: {  	[bflag:$0x3] =	sbarrier.arrive $0xFFFF  }
0xf4: {  	_ =	shalt  }

// kernel: kernel.13.cloned.1.call-start
scs
__scs_entry_jumppad:
0x0: {  	(pc) =	sbr.rel $0x88, $3  }
0x1: {  	(tag) =	ssettag $0x0;
	lr =	simm.s32 $0x1  }
0x2: {  	[smem:$0x3F95] =	sst lr;
	_ =	strace $0xD0000000  }
0x3: {  	_ = 	snop  }
0x4: {  	_ = 	snop  }
0x5: {  	_ = 	snop  }
0x6: {  	_ = 	snop  }
0x7: {  	_ = 	snop  }
__scs_overlays_trampoline_lowered:
0x8: {  	[smem:$0x3FA4] =	sst s0  }
0x9: {  	[smem:$0x3FA5] =	sst s1  }
0xa: {  	[smem:$0x3FA6] =	sst s2  }
0xb: {  	[smem:$0x3FA7] =	sst s3  }
0xc: {  	[smem:$0x3FA8] =	sst s4  }
0xd: {  	[smem:$0x3FA9] =	sst s5  }
0xe: {  	[smem:$0x3FAA] =	sst s6  }
0xf: {  	[smem:$0x3FAB] =	sst s7  }
0x10: {  	[smem:$0x3FAC] =	sst s8  }
0x11: {  	[smem:$0x3FAD] =	sst s9;
	s0 =	simm.s32 @!p0 $0x0  }
0x12: {  	s1 =	sld [smem:$0x3F93];
	s0 =	simm.s32 @p0 $0x1  }
0x13: {  	[smem:$0x3FAE] =	sst s0;
	s0 =	simm.s32 @!p1 $0x0  }
0x14: {  	s2 =	sld [smem:$0x3F92];
	s0 =	simm.s32 @p1 $0x1  }
0x15: {  	[smem:$0x3FAF] =	sst s0;
	s0 =	simm.s32 @!p2 $0x0  }
0x16: {  	s3 =	sld [smem:$0x3FDB];
	s0 =	simm.s32 @p2 $0x1  }
0x17: {  	s4 =	simm.s32 $0x1BF5;
	[smem:$0x3FB1] =	sst s0  }
0x18: {  	s0 =	sld [smem:$0x3F94];
	_ =	swait.ge [sflag:s4], $0x0  }
0x19: {  	s7 =	sld [smem:$0x3F95]  }
0x1a: {  	s8 =	sadd.s32 $0xFFFFE003, lr  }
0x1b: {  	s9 =	sadd.s32 $0xFFFFFEF7, lr;
	s5 =	simm.s32 $0xFFFFFFFF;
	p2 =	slt.u32 s8, $0xFFFFF086  }
0x1c: {  	p1 =	slt.u32 s9, $0xF7A;
	s5 =	simm.s32 @!p2 $0x0  }
0x1d: {  	s5 =	simm.s32 @p1 $0x1;
	p0 =	seq.s32 s7, s2  }
0x1e: {  	s7 =	smul.u32 @!p0 $0xF7A, s2;
	p2 =	seq.s32 @!p0 s5, $0x0  }
0x1f: {  	s9 =	smul.u32 $0xF7A, s1;
	s8 =	simm.s32 @!p0 $0x1BF5;
	p2 =	por !p2, p0  }
0x20: {  	[sflag:s8] =	ssyncset.s32 @!p0 $0xFFFFF086;
	s6 =	sadd.s32 @!p0 s3, s7;
	s7 =	simm.s32 @!p0 $0x108  }
0x21: {  	s3 =	sadd.s32 s3, s9;
	s6 =	sadd.s32 @!p0 $0x88, s6;
	s7 =	simm.s32 @p2 $0x1082  }
0x22: {  	[simem:s7], [sflag:s8] =	dma.local @!p0 [hbm:s6], $0xF7A  }
0x23: {  	s9 =	sor.u32 $0xD0000000, s2;
	s6 =	simm.s32 $0x108;
	_ =	swait.ge @!p0 [sflag:s8], $0x0  }
0x24: {  	s3 =	sadd.s32 $0x88, s3;
	s6 =	simm.s32 @!p1 $0x1082;
	[sflag:s4] =	ssyncset.s32 $0xFFFFF086  }
0x25: {  	[simem:s6], [sflag:s4] =	dma.local [hbm:s3], $0xF7A  }
0x26: {  	[smem:$0x3F95] =	sst s1;
	(tag) =	ssettag s2;
	_ =	strace s9  }
0x27: {  	s1 =	sld [smem:$0x3FA5]  }
0x28: {  	s2 =	sld [smem:$0x3FA6]  }
0x29: {  	s4 =	sld [smem:$0x3FA8]  }
0x2a: {  	p0 =	seq.s32 s5, $0x0;
	s5 =	sld [smem:$0x3FA9]  }
0x2b: {  	s6 =	sld [smem:$0x3FAA]  }
0x2c: {  	s7 =	sld [smem:$0x3FAB]  }
0x2d: {  	s3 =	simm.s32 $0x108;
	s8 =	sld [smem:$0x3FAC]  }
0x2e: {  	s3 =	simm.s32 @!p0 $0x1082;
	s9 =	sld [smem:$0x3FAD]  }
0x2f: {  	lr =	sadd.s32 s0, s3;
	s0 =	sld [smem:$0x3FA4]  }
0x30: {  	s3 =	sld [smem:$0x3FA7]  }
0x31: {  	[smem:$0x3FB0] =	sst s10  }
0x32: {  	s10 =	sld [smem:$0x3FAE];
	_ =	sdelay $0x3  }
0x33: {  	p0 =	seq.s32 s10, $0x1;
	s10 =	sld [smem:$0x3FB0];
	_ =	sdelay $0x3  }
0x34: {  	[smem:$0x3FB0] =	sst s10  }
0x35: {  	s10 =	sld [smem:$0x3FAF];
	_ =	sdelay $0x3  }
0x36: {  	p1 =	seq.s32 s10, $0x1;
	s10 =	sld [smem:$0x3FB0];
	_ =	sdelay $0x3  }
0x37: {  	[smem:$0x3FB0] =	sst s10  }
0x38: {  	s10 =	sld [smem:$0x3FB1]  }
0x39: {  	_ = 	snop;
	(pc) =	sbr.ind lr, $3  }
0x3a: {  	_ = 	snop  }
0x3b: {  	_ = 	snop  }
0x3c: {  	p2 =	seq.s32 s10, $0x1;
	s10 =	sld [smem:$0x3FB0]  }
0x3d: {  	_ =	shalt  }
0x3e: {  	_ =	shalt  }
0x3f: {  	_ =	shalt  }
0x40: {  	_ =	shalt  }
0x41: {  	_ =	shalt  }
0x42: {  	_ =	shalt  }
0x43: {  	_ =	shalt  }
0x44: {  	_ =	shalt  }
0x45: {  	_ =	shalt  }
0x46: {  	_ =	shalt  }
0x47: {  	_ =	shalt  }
0x48: {  	_ =	shalt  }
0x49: {  	_ =	shalt  }
0x4a: {  	_ =	shalt  }
0x4b: {  	_ =	shalt  }
0x4c: {  	_ =	shalt  }
0x4d: {  	_ =	shalt  }
0x4e: {  	_ =	shalt  }
0x4f: {  	_ =	shalt  }
0x50: {  	_ =	shalt  }
0x51: {  	_ =	shalt  }
0x52: {  	_ =	shalt  }
0x53: {  	_ =	shalt  }
0x54: {  	_ =	shalt  }
0x55: {  	_ =	shalt  }
0x56: {  	_ =	shalt  }
0x57: {  	_ =	shalt  }
0x58: {  	_ =	shalt  }
0x59: {  	_ =	shalt  }
0x5a: {  	_ =	shalt  }
0x5b: {  	_ =	shalt  }
0x5c: {  	_ =	shalt  }
0x5d: {  	_ =	shalt  }
0x5e: {  	_ =	shalt  }
0x5f: {  	_ =	shalt  }
0x60: {  	_ =	shalt  }
0x61: {  	_ =	shalt  }
0x62: {  	_ =	shalt  }
0x63: {  	_ =	shalt  }
0x64: {  	_ =	shalt  }
0x65: {  	_ =	shalt  }
0x66: {  	_ =	shalt  }
0x67: {  	_ =	shalt  }
0x68: {  	_ =	shalt  }
0x69: {  	_ =	shalt  }
0x6a: {  	_ =	shalt  }
0x6b: {  	_ =	shalt  }
0x6c: {  	_ =	shalt  }
0x6d: {  	_ =	shalt  }
0x6e: {  	_ =	shalt  }
0x6f: {  	_ =	shalt  }
0x70: {  	_ =	shalt  }
0x71: {  	_ =	shalt  }
0x72: {  	_ =	shalt  }
0x73: {  	_ =	shalt  }
0x74: {  	_ =	shalt  }
0x75: {  	_ =	shalt  }
0x76: {  	_ =	shalt  }
0x77: {  	_ =	shalt  }
0x78: {  	_ =	shalt  }
0x79: {  	_ =	shalt  }
0x7a: {  	_ =	shalt  }
0x7b: {  	_ =	shalt  }
0x7c: {  	_ =	shalt  }
0x7d: {  	_ =	shalt  }
0x7e: {  	_ =	shalt  }
0x7f: {  	_ =	shalt  }
0x80: {  	_ =	shalt  }
0x81: {  	_ =	shalt  }
0x82: {  	_ =	shalt  }
0x83: {  	_ =	shalt  }
0x84: {  	_ =	shalt  }
0x85: {  	_ =	shalt  }
0x86: {  	_ =	shalt  }
0x87: {  	_ =	shalt  }
.Lfunc_end0:
.L_simem_size_0:
called_computation.1_lowered:
.L_overlay_start_0:
0x88: {  	s2 =	sld [smem:$0x3FD9]  }
0x89: {  	s3 =	sld [smem:$0x3FFE];
	_ =	sdelay $0x1  }
0x8a: {  	s1 =	srdreg.scid  }
0x8b: {  	s0 =	sand.u32 $0x1, s1  }
0x8c: {  	s16 =	sshll.u32 s0, $0xA;
	s2 =	sadd.s32 s3, s2  }
0x8d: {  	s2 =	sadd.s32 s2, s16  }
0x8e: {  	[smem:$0x3FBC] =	sst s2  }
0x8f: {  	_ = 	snop  }
0x90: {  	(tm) =	ssettm $0x1  }
0x91: {  	s17 =	sld [smem:$0x3FFB];
	_ =	sdelay $0x3  }
0x92: {  	_ =	strace s17  }
0x93: {  	s2 =	sld [smem:$0x3FFC];
	_ =	sdelay $0x3  }
0x94: {  	_ =	strace s2  }
0x95: {  	s2 =	sld [smem:$0x3FFD];
	_ =	sdelay $0x3  }
0x96: {  	_ =	strace s2  }
0x97: {  	_ =	strace $0x8FFFFFFF  }
0x98: {  	s18 =	sld [smem:$0x3FDB];
	_ =	sdelay $0x1  }
0x99: {  	s19 =	simm.s32 $_scs_section_size  }
0x9a: {  	s4 =	simm.s32 $_size__tile_overlayer_lowered;
	s5 =	simm.s32 $_tile_overlayer_lowered  }
0x9b: {  	s22 =	simm.s32 $0x1BFF;
	s21 =	sshll.u32 s5, $0x1;
	s2 =	sadd.s32 s19, s18  }
0x9c: {  	s6 =	simm.s32 $0x0;
	s20 =	sshll.u32 s4, $0x1;
	s4 =	sadd.s32 s21, s2  }
0x9d: {  	[timem:s6], [sflag:s22] =	dma.local [hbm:s4], s20  }
0x9e: {  	_ =	swait.ge [sflag:s22], s20  }
0x9f: {  	s3 =	ssub.s32 $0x0, s20;
	[sflag:s22] =	ssyncset.done $0x0  }
0xa0: {  	[sflag:s22] =	ssyncadd.s32 s3;
	_ =	sdelay $0x1  }
0xa1: {  	s23 =	simm.s32 $0x1B8B  }
0xa2: {  	_ =	swait.ge [sflag:s23], $0x1  }
0xa3: {  	[sflag:s23] =	ssyncset.done $0x0  }
0xa4: {  	s25 =	simm.s32 $0x1B8E;
	s24 =	sld [smem:$0x3FFE];
	[sflag:s23] =	ssyncadd.s32 $0xFFFFFFFF  }
0xa5: {  	s26 =	simm.s32 $execute0_lowered;
	[smem:$0x3FD2] =	sst s25  }
0xa6: {  	s4 =	sshll.u32 s26, $0x1;
	_ =	strace $0x80000049;
	[dreg:$0x1] =	wrdreg $0xFFFFFFFF  }
0xa7: {  	s28 =	simm.s32 $_size_execute0_lowered;
	s2 =	sadd.s32 s2, s4;
	[dreg:$0x0] =	wrdreg $0x0  }
0xa8: {  	s4 =	sshll.u32 s28, $0x1;
	[dreg:$0x2] =	wrdreg s2  }
0xa9: {  	[dreg:$0x3] =	wrdreg s4  }
0xaa: {  	[dreg:$0x4] =	wrdreg $0xC0  }
0xab: {  	_ =	task [dreg:s6], $0x5FFFF  }
0xac: {  	[dreg:$0x1] =	wrdreg $0xFFFFFFFF  }
0xad: {  	[dreg:$0x0] =	wrdreg $0x60  }
0xae: {  	[dreg:$0x2] =	wrdreg s24  }
0xaf: {  	[dreg:$0x3] =	wrdreg $0x0  }
0xb0: {  	[dreg:$0x4] =	wrdreg $0x9  }
0xb1: {  	_ =	task.clear_ibuf [dreg:s6], $0x5FFFF;
	_ =	strace $0x90000049  }
0xb2: {  	s29 =	simm.s32 $0x9;
	_ =	strace $0x8000004B  }
0xb3: {  	_ =	swait.ge [sflag:s29], $0x1  }
0xb4: {  	[sflag:s29] =	ssyncadd.s32 $0xFFFFFFFF  }
0xb5: {  	_ =	strace $0x9000004B  }
0xb6: {  	_ =	sfence  }
0xb7: {  	s30 =	sld [smem:$0x0];
	_ =	sdelay $0x2  }
0xb8: {  	s31 =	sshll.u32 s1, $0xD;
	s1 =	sshrl.u32 s1, $0x2  }
0xb9: {  	s3 =	sand.u32 $0x4000, s31;
	s1 =	sadd.s32 s1, s30  }
0xba: {  	s0 =	sor.u32 s3, s0;
	s1 =	sshll.u32 s1, $0x11  }
0xbb: {  	s0 =	sor.u32 s1, s0  }
0xbc: {  	s0 =	sadd.s32 $0x8F2B, s0  }
0xbd: {  	[sflag:s0] =	ssyncadd.remote.s32 $0x1  }
0xbe: {  	_ =	sfence.sel $0xFFFF  }
0xbf: {  	[dreg:$0x0] =	wrdreg $0xFFFFFFFF;
	(pc) =	sbr.abs _section_cstart, $3  }
0xc0: {  	[dreg:$0x1] =	wrdreg $0xFFFFFFFF  }
0xc1: {  	_ =	task.clear_ibuf [dreg:s6], $0x2FFFF;
	_ =	strace $0x9FFFFFFF  }
0xc2: {  	(tm) =	ssettm $0x7FFFFFFF  }
0xc3: {  	_ =	shalt  }
tec
execute0_lowered:
.L_overlay_start_1:
0x0: {  	(tag) =	ssettag $0x1  }
0x1: {  	s5 =	rddreg [dreg:$0x0]  }
0x2: {  	s2 =	rddreg [dreg:$0x1]  }
0x3: {  	s0 =	rddreg [dreg:$0x2]  }
0x4: {  	s3 =	simm.s32 $0x0;
	s1 =	stileid.u32;
	s7 =	srdreg.scid  }
0x5: {  	s21 =	simm.s32 $0x18080;
	s22 =	simm.s32 $0x80;
	s6 =	smul.u32 $0x9E0, s1  }
0x6: {  	s23 =	simm.s32 $0x18100;
	[smem:$0x7FF] =	sst s3;
	s24 =	smul.u32 $0x50000, s1  }
0x7: {  	s4 =	sadd.s32 $0x16600, s5;
	s12 =	sand.u32 $0x1, s7;
	s9 =	smul.u32 $0x14000, s1  }
0x8: {  	s15 =	sadd.s32 $0x3D800, s5;
	_ =	strace $0x8000004A;
	s18 =	smul.u32 $0x140000, s12  }
0x9: {  	s25 =	ssub.s32 $0x2, s12;
	s28 =	smul.u32 $0x4F0, s12;
	s14 =	sadd.s32 s6, s5  }
0xa: {  	s26 =	sshrl.u32 s25, $0x1;
	s7 =	sshrl.u32 s24, $0x2;
	s10 =	sadd.s32 $0x4000, s9  }
0xb: {  	s13 =	sadd.s32 $0x8000, s9;
	s17 =	sadd.s32 $0xC000, s9;
	s19 =	sadd.s32 $0x10000, s9  }
0xc: {  	s24 =	simm.s32 $0x1;
	s16 =	ssub.s32 s25, s26;
	s5 =	sadd.s32 s7, s2  }
0xd: {  	s6 =	sadd.s32 s10, s2;
	s7 =	sadd.s32 s13, s2;
	s8 =	sadd.s32 s17, s2  }
0xe: {  	s11 =	sadd.s32 s9, s18;
	s10 =	sadd.s32 s18, s10;
	s9 =	sadd.s32 s19, s2  }
0xf: {  	s13 =	sadd.s32 s18, s13;
	s17 =	sadd.s32 s18, s17;
	s30 =	sadd.s32 s18, s19  }
0x10: {  	s31 =	sadd.s32 s28, s14;
	s18 =	simm.s32 $0x14000;
	s19 =	simm.s32 $0x2  }
0x11: {  	s25 =	simm.s32 $0x0;
	s11 =	sshrl.u32 s11, $0x3;
	s20 =	sshrl.u32 s10, $0x3  }
0x12: {  	s13 =	sshrl.u32 s13, $0x3;
	s29 =	sshrl.u32 s17, $0x3;
	s17 =	sshrl.u32 s30, $0x3  }
0x13: {  	s10 =	sadd.s32 s15, s11;
	s11 =	sadd.s32 s15, s20;
	s12 =	sadd.s32 s15, s13  }
0x14: {  	s13 =	sadd.s32 s15, s29;
	s14 =	sadd.s32 s15, s17;
	s15 =	smax.u32 s16, $0x1  }
0x15: {  	v0 =	vimm.f32 $0.0e+00;
	s16 =	sadd.s32 $0xC800, s31;
	s17 =	sadd.s32 $0x2A00, s31;
	s20 =	simm.s32 $0x18000  }
.LBB2_1:
0x16: {  	s26 =	simm.s32 $0x0;
	s28 =	simm.s32 $0x200  }
.LBB2_2:
0x17: {  	p0 =	sne.s32 s28, $0xFE00;
	[tilespmem:s26+$0x14070] =	vst v0  }
0x18: {  	[tilespmem:s26+$0x14000] =	vst v0  }
0x19: {  	[tilespmem:s26+$0x14010] =	vst v0  }
.Ltmp0:
0x1a: {  	[tilespmem:s26+$0x14020] =	vst v0;
	(pc) =	sbr.rel @p0 .LBB2_2-.Ltmp0, $4  }
0x1b: {  	[tilespmem:s26+$0x14030] =	vst v0  }
0x1c: {  	[tilespmem:s26+$0x14040] =	vst v0  }
0x1d: {  	[tilespmem:s26+$0x14050] =	vst v0  }
0x1e: {  	[tilespmem:s26+$0x14060] =	vst v0;
	s26 =	sshra.s32 s28, $0x2;
	s28 =	sadd.s32 $0x200, s28  }
0x1f: {  	[tilespmem:s26+$0x14070] =	vst v0  }
0x20: {  	[tilespmem:s26+$0x14000] =	vst v0  }
0x21: {  	[tilespmem:s26+$0x14010] =	vst v0  }
0x22: {  	[tilespmem:s26+$0x14020] =	vst v0  }
0x23: {  	[tilespmem:s26+$0x14030] =	vst v0  }
0x24: {  	[tilespmem:s26+$0x14040] =	vst v0  }
0x25: {  	[tilespmem:s26+$0x14050] =	vst v0  }
0x26: {  	[tilespmem:s26+$0x14060] =	vst v0  }
0x27: {  	[spmem:s5] =	stream.linear.scatter [tilespmem:s18], [sflag:$0x2], $0x4000, $0x38;
	[tilespmem:$0x1C100] =	vst v63  }
0x28: {  	_ =	swait.ge [sflag:s19], $0x4000  }
0x29: {  	[sflag:s19] =	ssyncset.done $0x0  }
0x2a: {  	[sflag:s19] =	ssyncadd.s32 $0xFFFFC000  }
0x2b: {  	[spmem:s6] =	stream.linear.scatter [tilespmem:s18], [sflag:$0x2], $0x4000, $0x38;
	[tilespmem:$0x1C100] =	vst v63  }
0x2c: {  	_ =	swait.ge [sflag:s19], $0x4000  }
0x2d: {  	[sflag:s19] =	ssyncset.done $0x0  }
0x2e: {  	[sflag:s19] =	ssyncadd.s32 $0xFFFFC000  }
0x2f: {  	[spmem:s7] =	stream.linear.scatter [tilespmem:s18], [sflag:$0x2], $0x4000, $0x38;
	[tilespmem:$0x1C100] =	vst v63  }
0x30: {  	_ =	swait.ge [sflag:s19], $0x4000  }
0x31: {  	[sflag:s19] =	ssyncset.done $0x0  }
0x32: {  	[sflag:s19] =	ssyncadd.s32 $0xFFFFC000  }
0x33: {  	[spmem:s8] =	stream.linear.scatter [tilespmem:s18], [sflag:$0x2], $0x4000, $0x38;
	[tilespmem:$0x1C100] =	vst v63  }
0x34: {  	_ =	swait.ge [sflag:s19], $0x4000  }
0x35: {  	[sflag:s19] =	ssyncset.done $0x0  }
0x36: {  	[sflag:s19] =	ssyncadd.s32 $0xFFFFC000  }
0x37: {  	[spmem:s9] =	stream.linear.scatter [tilespmem:s18], [sflag:$0x2], $0x4000, $0x38;
	[tilespmem:$0x1C100] =	vst v63  }
0x38: {  	_ =	swait.ge [sflag:s19], $0x4000  }
0x39: {  	[sflag:s19] =	ssyncset.done $0x0  }
0x3a: {  	[sflag:s19] =	ssyncadd.s32 $0xFFFFC000  }
0x3b: {  	s30 =	sadd.s32 $0x0, s17;
	[bflag:$0x0] =	sbarrier.arrive $0xFFFF  }
0x3c: {  	[tilespmem:s20], [sflag:$0x2] =	stream.linear.gather [hbm4b:s30+s3], $0x80, $0x38;
	[tilespmem:$0x1C100] =	vst v63  }
0x3d: {  	_ =	swait.ge [sflag:s19], $0x80  }
0x3e: {  	[sflag:s19] =	ssyncset.done $0x0  }
0x3f: {  	s31 =	sadd.s32 $0x0, s16;
	[sflag:s19] =	ssyncadd.s32 $0xFFFFFF80  }
0x40: {  	[tilespmem:s21], [sflag:$0x2] =	stream.linear.gather [hbm4b:s31+s3], $0x80, $0x38;
	[tilespmem:$0x1C100] =	vst v63  }
0x41: {  	_ =	swait.ge [sflag:s19], $0x80  }
0x42: {  	[sflag:s19] =	ssyncset.done $0x0  }
0x43: {  	[sflag:s19] =	ssyncadd.s32 $0xFFFFFF80  }
0x44: {  	[tilespmem:s23], [sflag:$0x1] =	stream.indirect.gather [hbm4b:s4+s22], $0x80, s20, s22, $0xb8;
	[tilespmem:$0x1C100] =	vst v63  }
0x45: {  	_ =	swait.ge [sflag:s24], $0x4000  }
0x46: {  	[sflag:s24] =	ssyncset.done $0x0  }
0x47: {  	[sflag:s24] =	ssyncadd.s32 $0xFFFFC000  }
0x48: {  	[spmem:s2] =	stream.indirect.scatter.add.f32 [tilespmem:s23], [sflag:$0x2], $0x80, s21, s22, $0xb8;
	[tilespmem:$0x1C100] =	vst v63  }
0x49: {  	_ =	swait.ge [sflag:s19], $0x4000  }
0x4a: {  	s26 =	simm.s32 $0x10;
	s28 =	simm.s32 $0x20;
	[sflag:s19] =	ssyncset.done $0x0  }
.LBB2_4:
0x4b: {  	s29 =	sadd.s32 s26, s17  }
0x4c: {  	[sflag:s19] =	ssyncadd.s32 $0xFFFFC000;
	s30 =	smov.u32 s28;
	s31 =	sadd.s32 $0x10, s28  }
0x4d: {  	[tilespmem:s20], [sflag:$0x2] =	stream.linear.gather [hbm4b:s29+s3], $0x80, $0x38;
	[tilespmem:$0x1C100] =	vst v63  }
0x4e: {  	p0 =	sne.s32 s28, $0x4E0;
	_ =	swait.ge [sflag:s19], $0x80  }
0x4f: {  	[sflag:s19] =	ssyncset.done $0x0  }
0x50: {  	s28 =	sadd.s32 s26, s16;
	s26 =	smov.u32 s30;
	[sflag:s19] =	ssyncadd.s32 $0xFFFFFF80  }
0x51: {  	[tilespmem:s21], [sflag:$0x2] =	stream.linear.gather [hbm4b:s28+s3], $0x80, $0x38;
	[tilespmem:$0x1C100] =	vst v63  }
0x52: {  	_ =	swait.ge [sflag:s19], $0x80  }
0x53: {  	[sflag:s19] =	ssyncset.done $0x0  }
0x54: {  	[sflag:s19] =	ssyncadd.s32 $0xFFFFFF80  }
0x55: {  	[tilespmem:s23], [sflag:$0x1] =	stream.indirect.gather [hbm4b:s4+s22], $0x80, s20, s22, $0xb8;
	[tilespmem:$0x1C100] =	vst v63  }
0x56: {  	_ =	swait.ge [sflag:s24], $0x4000  }
.Ltmp1:
0x57: {  	[sflag:s24] =	ssyncset.done $0x0;
	(pc) =	sbr.rel @p0 .LBB2_4-.Ltmp1, $4  }
0x58: {  	[sflag:s24] =	ssyncadd.s32 $0xFFFFC000  }
0x59: {  	[spmem:s2] =	stream.indirect.scatter.add.f32 [tilespmem:s23], [sflag:$0x2], $0x80, s21, s22, $0xb8;
	[tilespmem:$0x1C100] =	vst v63  }
0x5a: {  	_ =	swait.ge [sflag:s19], $0x4000  }
0x5b: {  	s28 =	smov.u32 s31;
	[sflag:s19] =	ssyncset.done $0x0  }
0x5c: {  	s28 =	sadd.s32 s26, s17;
	[sflag:s19] =	ssyncadd.s32 $0xFFFFC000  }
0x5d: {  	[tilespmem:s20], [sflag:$0x2] =	stream.linear.gather [hbm4b:s28+s3], $0x80, $0x38;
	[tilespmem:$0x1C100] =	vst v63  }
0x5e: {  	_ =	swait.ge [sflag:s19], $0x80  }
0x5f: {  	[sflag:s19] =	ssyncset.done $0x0  }
0x60: {  	s31 =	sadd.s32 s26, s16;
	[sflag:s19] =	ssyncadd.s32 $0xFFFFFF80  }
0x61: {  	[tilespmem:s21], [sflag:$0x2] =	stream.linear.gather [hbm4b:s31+s3], $0x80, $0x38;
	[tilespmem:$0x1C100] =	vst v63  }
0x62: {  	_ =	swait.ge [sflag:s19], $0x80  }
0x63: {  	[sflag:s19] =	ssyncset.done $0x0  }
0x64: {  	[sflag:s19] =	ssyncadd.s32 $0xFFFFFF80  }
0x65: {  	[tilespmem:s23], [sflag:$0x1] =	stream.indirect.gather [hbm4b:s4+s22], $0x80, s20, s22, $0xb8;
	[tilespmem:$0x1C100] =	vst v63  }
0x66: {  	_ =	swait.ge [sflag:s24], $0x4000  }
0x67: {  	[sflag:s24] =	ssyncset.done $0x0  }
0x68: {  	[sflag:s24] =	ssyncadd.s32 $0xFFFFC000  }
0x69: {  	[spmem:s2] =	stream.indirect.scatter.add.f32 [tilespmem:s23], [sflag:$0x2], $0x80, s21, s22, $0xb8;
	[tilespmem:$0x1C100] =	vst v63  }
0x6a: {  	_ =	swait.ge [sflag:s19], $0x4000  }
0x6b: {  	[sflag:s19] =	ssyncset.done $0x0  }
0x6c: {  	[sflag:s19] =	ssyncadd.s32 $0xFFFFC000  }
0x6d: {  	[bflag:$0x0] =	sbarrier.arrive $0xFFFF  }
0x6e: {  	[tilespmem:s23], [sflag:$0x2] =	stream.linear.gather [spmem:s5], $0x4000, $0x38;
	[tilespmem:$0x1C100] =	vst v63  }
0x6f: {  	_ =	swait.ge [sflag:s19], $0x4000  }
0x70: {  	[sflag:s19] =	ssyncset.done $0x0  }
0x71: {  	[sflag:s19] =	ssyncadd.s32 $0xFFFFC000  }
0x72: {  	[hbm4b:s10+s3] =	stream.linear.scatter [tilespmem:s23], [sflag:$0x2], $0x4000, $0x38;
	[tilespmem:$0x1C100] =	vst v63  }
0x73: {  	_ =	swait.ge [sflag:s19], $0x4000  }
0x74: {  	[sflag:s19] =	ssyncset.done $0x0  }
0x75: {  	[sflag:s19] =	ssyncadd.s32 $0xFFFFC000  }
0x76: {  	[tilespmem:s23], [sflag:$0x2] =	stream.linear.gather [spmem:s6], $0x4000, $0x38;
	[tilespmem:$0x1C100] =	vst v63  }
0x77: {  	_ =	swait.ge [sflag:s19], $0x4000  }
0x78: {  	[sflag:s19] =	ssyncset.done $0x0  }
0x79: {  	[sflag:s19] =	ssyncadd.s32 $0xFFFFC000  }
0x7a: {  	[hbm4b:s11+s3] =	stream.linear.scatter [tilespmem:s23], [sflag:$0x2], $0x4000, $0x38;
	[tilespmem:$0x1C100] =	vst v63  }
0x7b: {  	_ =	swait.ge [sflag:s19], $0x4000  }
0x7c: {  	[sflag:s19] =	ssyncset.done $0x0  }
0x7d: {  	[sflag:s19] =	ssyncadd.s32 $0xFFFFC000  }
0x7e: {  	[tilespmem:s23], [sflag:$0x2] =	stream.linear.gather [spmem:s7], $0x4000, $0x38;
	[tilespmem:$0x1C100] =	vst v63  }
0x7f: {  	_ =	swait.ge [sflag:s19], $0x4000  }
0x80: {  	[sflag:s19] =	ssyncset.done $0x0  }
0x81: {  	[sflag:s19] =	ssyncadd.s32 $0xFFFFC000  }
0x82: {  	[hbm4b:s12+s3] =	stream.linear.scatter [tilespmem:s23], [sflag:$0x2], $0x4000, $0x38;
	[tilespmem:$0x1C100] =	vst v63  }
0x83: {  	_ =	swait.ge [sflag:s19], $0x4000  }
0x84: {  	[sflag:s19] =	ssyncset.done $0x0  }
0x85: {  	[sflag:s19] =	ssyncadd.s32 $0xFFFFC000  }
0x86: {  	[tilespmem:s23], [sflag:$0x2] =	stream.linear.gather [spmem:s8], $0x4000, $0x38;
	[tilespmem:$0x1C100] =	vst v63  }
0x87: {  	_ =	swait.ge [sflag:s19], $0x4000  }
0x88: {  	[sflag:s19] =	ssyncset.done $0x0  }
0x89: {  	[sflag:s19] =	ssyncadd.s32 $0xFFFFC000  }
0x8a: {  	[hbm4b:s13+s3] =	stream.linear.scatter [tilespmem:s23], [sflag:$0x2], $0x4000, $0x38;
	[tilespmem:$0x1C100] =	vst v63  }
0x8b: {  	_ =	swait.ge [sflag:s19], $0x4000  }
0x8c: {  	[sflag:s19] =	ssyncset.done $0x0  }
0x8d: {  	[sflag:s19] =	ssyncadd.s32 $0xFFFFC000  }
0x8e: {  	[tilespmem:s23], [sflag:$0x2] =	stream.linear.gather [spmem:s9], $0x4000, $0x38;
	[tilespmem:$0x1C100] =	vst v63  }
0x8f: {  	s25 =	sadd.s32 $0x1, s25;
	_ =	swait.ge [sflag:s19], $0x4000  }
0x90: {  	p0 =	sne.s32 s25, s15;
	[sflag:s19] =	ssyncset.done $0x0  }
.Ltmp2:
0x91: {  	[sflag:s19] =	ssyncadd.s32 $0xFFFFC000;
	(pc) =	sbr.rel @p0 .LBB2_1-.Ltmp2, $4  }
0x92: {  	[hbm4b:s14+s3] =	stream.linear.scatter [tilespmem:s23], [sflag:$0x2], $0x4000, $0x38;
	[tilespmem:$0x1C100] =	vst v63  }
0x93: {  	_ =	swait.ge [sflag:s19], $0x4000  }
0x94: {  	[sflag:s19] =	ssyncset.done $0x0  }
0x95: {  	[sflag:s19] =	ssyncadd.s32 $0xFFFFC000  }
0x96: {  	_ =	sfence.sel $0x180000  }
0x97: {  	[bflag:$0x0] =	sbarrier.arrive $0xFFFF  }
0x98: {  	p0 =	sne.s32 s1, $0x0;
	_ =	strace $0x9000004A  }
0x99: {  	s0 =	sadd.s32 @!p0 $0x100000, s0;
	[bflag:$0x2] =	sbarrier.arrive $0xFFFF  }
0x9a: {  	[sflag:s0] =	ssyncadd.tile.s32 @!p0 $0x1;
	_ =	shalt  }
.Lfunc_end2:
_tile_overlayer_lowered:
.L_overlay_start_2:
0x9b: {  	(tag) =	ssettag $0x2  }
0x9c: {  	s0 =	rddreg [dreg:$0x0];
	s2 =	stileid.u32  }
0x9d: {  	s1 =	rddreg [dreg:$0x1];
	p0 =	sne.s32 s2, $0x0  }
0x9e: {  	s3 =	rddreg [dreg:$0x2];
	[bflag:$0x3] =	sbarrier.arrive $0xFFFF;
	s2 =	simm.s32 @!p0 $0x1C02  }
0x9f: {  	[timem:s3], [sflag:s2] =	dma.local @!p0 [hbm:s0], s1  }
0xa0: {  	s0 =	simm.s32 @!p0 $0x2  }
0xa1: {  	_ =	swait.ge @!p0 [sflag:s0], s1  }
0xa2: {  	s1 =	ssub.s32 @!p0 $0x0, s1;
	[sflag:s0] =	ssyncset.done @!p0 $0x0  }
0xa3: {  	[sflag:s0] =	ssyncadd.s32 @!p0 s1  }
0xa4: {  	[bflag:$0x3] =	sbarrier.arrive $0xFFFF  }
0xa5: {  	_ =	shalt  }

// kernel: kernel.16.cloned.1.call-start
scs
__scs_entry_jumppad:
0x0: {  	(pc) =	sbr.rel $0x88, $3  }
0x1: {  	(tag) =	ssettag $0x0;
	lr =	simm.s32 $0x1  }
0x2: {  	[smem:$0x3F95] =	sst lr;
	_ =	strace $0xD0000000  }
0x3: {  	_ = 	snop  }
0x4: {  	_ = 	snop  }
0x5: {  	_ = 	snop  }
0x6: {  	_ = 	snop  }
0x7: {  	_ = 	snop  }
__scs_overlays_trampoline_lowered:
0x8: {  	[smem:$0x3FA4] =	sst s0  }
0x9: {  	[smem:$0x3FA5] =	sst s1  }
0xa: {  	[smem:$0x3FA6] =	sst s2  }
0xb: {  	[smem:$0x3FA7] =	sst s3  }
0xc: {  	[smem:$0x3FA8] =	sst s4  }
0xd: {  	[smem:$0x3FA9] =	sst s5  }
0xe: {  	[smem:$0x3FAA] =	sst s6  }
0xf: {  	[smem:$0x3FAB] =	sst s7  }
0x10: {  	[smem:$0x3FAC] =	sst s8  }
0x11: {  	[smem:$0x3FAD] =	sst s9;
	s0 =	simm.s32 @!p0 $0x0  }
0x12: {  	s1 =	sld [smem:$0x3F93];
	s0 =	simm.s32 @p0 $0x1  }
0x13: {  	[smem:$0x3FAE] =	sst s0;
	s0 =	simm.s32 @!p1 $0x0  }
0x14: {  	s2 =	sld [smem:$0x3F92];
	s0 =	simm.s32 @p1 $0x1  }
0x15: {  	[smem:$0x3FAF] =	sst s0;
	s0 =	simm.s32 @!p2 $0x0  }
0x16: {  	s3 =	sld [smem:$0x3FDB];
	s0 =	simm.s32 @p2 $0x1  }
0x17: {  	s4 =	simm.s32 $0x1BF5;
	[smem:$0x3FB1] =	sst s0  }
0x18: {  	s0 =	sld [smem:$0x3F94];
	_ =	swait.ge [sflag:s4], $0x0  }
0x19: {  	s7 =	sld [smem:$0x3F95]  }
0x1a: {  	s8 =	sadd.s32 $0xFFFFE003, lr  }
0x1b: {  	s9 =	sadd.s32 $0xFFFFFEF7, lr;
	s5 =	simm.s32 $0xFFFFFFFF;
	p2 =	slt.u32 s8, $0xFFFFF086  }
0x1c: {  	p1 =	slt.u32 s9, $0xF7A;
	s5 =	simm.s32 @!p2 $0x0  }
0x1d: {  	s5 =	simm.s32 @p1 $0x1;
	p0 =	seq.s32 s7, s2  }
0x1e: {  	s7 =	smul.u32 @!p0 $0xF7A, s2;
	p2 =	seq.s32 @!p0 s5, $0x0  }
0x1f: {  	s9 =	smul.u32 $0xF7A, s1;
	s8 =	simm.s32 @!p0 $0x1BF5;
	p2 =	por !p2, p0  }
0x20: {  	[sflag:s8] =	ssyncset.s32 @!p0 $0xFFFFF086;
	s6 =	sadd.s32 @!p0 s3, s7;
	s7 =	simm.s32 @!p0 $0x108  }
0x21: {  	s3 =	sadd.s32 s3, s9;
	s6 =	sadd.s32 @!p0 $0x88, s6;
	s7 =	simm.s32 @p2 $0x1082  }
0x22: {  	[simem:s7], [sflag:s8] =	dma.local @!p0 [hbm:s6], $0xF7A  }
0x23: {  	s9 =	sor.u32 $0xD0000000, s2;
	s6 =	simm.s32 $0x108;
	_ =	swait.ge @!p0 [sflag:s8], $0x0  }
0x24: {  	s3 =	sadd.s32 $0x88, s3;
	s6 =	simm.s32 @!p1 $0x1082;
	[sflag:s4] =	ssyncset.s32 $0xFFFFF086  }
0x25: {  	[simem:s6], [sflag:s4] =	dma.local [hbm:s3], $0xF7A  }
0x26: {  	[smem:$0x3F95] =	sst s1;
	(tag) =	ssettag s2;
	_ =	strace s9  }
0x27: {  	s1 =	sld [smem:$0x3FA5]  }
0x28: {  	s2 =	sld [smem:$0x3FA6]  }
0x29: {  	s4 =	sld [smem:$0x3FA8]  }
0x2a: {  	p0 =	seq.s32 s5, $0x0;
	s5 =	sld [smem:$0x3FA9]  }
0x2b: {  	s6 =	sld [smem:$0x3FAA]  }
0x2c: {  	s7 =	sld [smem:$0x3FAB]  }
0x2d: {  	s3 =	simm.s32 $0x108;
	s8 =	sld [smem:$0x3FAC]  }
0x2e: {  	s3 =	simm.s32 @!p0 $0x1082;
	s9 =	sld [smem:$0x3FAD]  }
0x2f: {  	lr =	sadd.s32 s0, s3;
	s0 =	sld [smem:$0x3FA4]  }
0x30: {  	s3 =	sld [smem:$0x3FA7]  }
0x31: {  	[smem:$0x3FB0] =	sst s10  }
0x32: {  	s10 =	sld [smem:$0x3FAE];
	_ =	sdelay $0x3  }
0x33: {  	p0 =	seq.s32 s10, $0x1;
	s10 =	sld [smem:$0x3FB0];
	_ =	sdelay $0x3  }
0x34: {  	[smem:$0x3FB0] =	sst s10  }
0x35: {  	s10 =	sld [smem:$0x3FAF];
	_ =	sdelay $0x3  }
0x36: {  	p1 =	seq.s32 s10, $0x1;
	s10 =	sld [smem:$0x3FB0];
	_ =	sdelay $0x3  }
0x37: {  	[smem:$0x3FB0] =	sst s10  }
0x38: {  	s10 =	sld [smem:$0x3FB1]  }
0x39: {  	_ = 	snop;
	(pc) =	sbr.ind lr, $3  }
0x3a: {  	_ = 	snop  }
0x3b: {  	_ = 	snop  }
0x3c: {  	p2 =	seq.s32 s10, $0x1;
	s10 =	sld [smem:$0x3FB0]  }
0x3d: {  	_ =	shalt  }
0x3e: {  	_ =	shalt  }
0x3f: {  	_ =	shalt  }
0x40: {  	_ =	shalt  }
0x41: {  	_ =	shalt  }
0x42: {  	_ =	shalt  }
0x43: {  	_ =	shalt  }
0x44: {  	_ =	shalt  }
0x45: {  	_ =	shalt  }
0x46: {  	_ =	shalt  }
0x47: {  	_ =	shalt  }
0x48: {  	_ =	shalt  }
0x49: {  	_ =	shalt  }
0x4a: {  	_ =	shalt  }
0x4b: {  	_ =	shalt  }
0x4c: {  	_ =	shalt  }
0x4d: {  	_ =	shalt  }
0x4e: {  	_ =	shalt  }
0x4f: {  	_ =	shalt  }
0x50: {  	_ =	shalt  }
0x51: {  	_ =	shalt  }
0x52: {  	_ =	shalt  }
0x53: {  	_ =	shalt  }
0x54: {  	_ =	shalt  }
0x55: {  	_ =	shalt  }
0x56: {  	_ =	shalt  }
0x57: {  	_ =	shalt  }
0x58: {  	_ =	shalt  }
0x59: {  	_ =	shalt  }
0x5a: {  	_ =	shalt  }
0x5b: {  	_ =	shalt  }
0x5c: {  	_ =	shalt  }
0x5d: {  	_ =	shalt  }
0x5e: {  	_ =	shalt  }
0x5f: {  	_ =	shalt  }
0x60: {  	_ =	shalt  }
0x61: {  	_ =	shalt  }
0x62: {  	_ =	shalt  }
0x63: {  	_ =	shalt  }
0x64: {  	_ =	shalt  }
0x65: {  	_ =	shalt  }
0x66: {  	_ =	shalt  }
0x67: {  	_ =	shalt  }
0x68: {  	_ =	shalt  }
0x69: {  	_ =	shalt  }
0x6a: {  	_ =	shalt  }
0x6b: {  	_ =	shalt  }
0x6c: {  	_ =	shalt  }
0x6d: {  	_ =	shalt  }
0x6e: {  	_ =	shalt  }
0x6f: {  	_ =	shalt  }
0x70: {  	_ =	shalt  }
0x71: {  	_ =	shalt  }
0x72: {  	_ =	shalt  }
0x73: {  	_ =	shalt  }
0x74: {  	_ =	shalt  }
0x75: {  	_ =	shalt  }
0x76: {  	_ =	shalt  }
0x77: {  	_ =	shalt  }
0x78: {  	_ =	shalt  }
0x79: {  	_ =	shalt  }
0x7a: {  	_ =	shalt  }
0x7b: {  	_ =	shalt  }
0x7c: {  	_ =	shalt  }
0x7d: {  	_ =	shalt  }
0x7e: {  	_ =	shalt  }
0x7f: {  	_ =	shalt  }
0x80: {  	_ =	shalt  }
0x81: {  	_ =	shalt  }
0x82: {  	_ =	shalt  }
0x83: {  	_ =	shalt  }
0x84: {  	_ =	shalt  }
0x85: {  	_ =	shalt  }
0x86: {  	_ =	shalt  }
0x87: {  	_ =	shalt  }
.Lfunc_end0:
.L_simem_size_0:
called_computation.2_lowered:
.L_overlay_start_0:
0x88: {  	s2 =	sld [smem:$0x3FD9]  }
0x89: {  	s3 =	sld [smem:$0x3FFE];
	_ =	sdelay $0x1  }
0x8a: {  	s1 =	srdreg.scid  }
0x8b: {  	s0 =	sand.u32 $0x1, s1  }
0x8c: {  	s16 =	sshll.u32 s0, $0xA;
	s2 =	sadd.s32 s3, s2  }
0x8d: {  	s2 =	sadd.s32 s2, s16  }
0x8e: {  	[smem:$0x3FBC] =	sst s2  }
0x8f: {  	_ = 	snop  }
0x90: {  	(tm) =	ssettm $0x1  }
0x91: {  	s17 =	sld [smem:$0x3FFB];
	_ =	sdelay $0x3  }
0x92: {  	_ =	strace s17  }
0x93: {  	s2 =	sld [smem:$0x3FFC];
	_ =	sdelay $0x3  }
0x94: {  	_ =	strace s2  }
0x95: {  	s2 =	sld [smem:$0x3FFD];
	_ =	sdelay $0x3  }
0x96: {  	_ =	strace s2  }
0x97: {  	_ =	strace $0x8FFFFFFF  }
0x98: {  	s18 =	sld [smem:$0x3FDB];
	_ =	sdelay $0x1  }
0x99: {  	s19 =	simm.s32 $_scs_section_size  }
0x9a: {  	s4 =	simm.s32 $_size__tile_overlayer_lowered;
	s5 =	simm.s32 $_tile_overlayer_lowered  }
0x9b: {  	s22 =	simm.s32 $0x1BFF;
	s21 =	sshll.u32 s5, $0x1;
	s2 =	sadd.s32 s19, s18  }
0x9c: {  	s6 =	simm.s32 $0x0;
	s20 =	sshll.u32 s4, $0x1;
	s4 =	sadd.s32 s21, s2  }
0x9d: {  	[timem:s6], [sflag:s22] =	dma.local [hbm:s4], s20  }
0x9e: {  	_ =	swait.ge [sflag:s22], s20  }
0x9f: {  	s3 =	ssub.s32 $0x0, s20;
	[sflag:s22] =	ssyncset.done $0x0  }
0xa0: {  	[sflag:s22] =	ssyncadd.s32 s3;
	_ =	sdelay $0x1  }
0xa1: {  	s23 =	simm.s32 $0x1B8B  }
0xa2: {  	_ =	swait.ge [sflag:s23], $0x1  }
0xa3: {  	[sflag:s23] =	ssyncset.done $0x0  }
0xa4: {  	s25 =	simm.s32 $0x1B8E;
	s24 =	sld [smem:$0x3FFE];
	[sflag:s23] =	ssyncadd.s32 $0xFFFFFFFF  }
0xa5: {  	s26 =	simm.s32 $execute0_lowered;
	[smem:$0x3FD2] =	sst s25  }
0xa6: {  	s4 =	sshll.u32 s26, $0x1;
	_ =	strace $0x8000004C;
	[dreg:$0x1] =	wrdreg $0xFFFFFFFF  }
0xa7: {  	s28 =	simm.s32 $_size_execute0_lowered;
	s2 =	sadd.s32 s2, s4;
	[dreg:$0x0] =	wrdreg $0x0  }
0xa8: {  	s4 =	sshll.u32 s28, $0x1;
	[dreg:$0x2] =	wrdreg s2  }
0xa9: {  	[dreg:$0x3] =	wrdreg s4  }
0xaa: {  	[dreg:$0x4] =	wrdreg $0xC0  }
0xab: {  	_ =	task [dreg:s6], $0x5FFFF  }
0xac: {  	[dreg:$0x1] =	wrdreg $0xFFFFFFFF  }
0xad: {  	[dreg:$0x0] =	wrdreg $0x60  }
0xae: {  	[dreg:$0x2] =	wrdreg s24  }
0xaf: {  	[dreg:$0x3] =	wrdreg $0x0  }
0xb0: {  	[dreg:$0x4] =	wrdreg $0x9  }
0xb1: {  	_ =	task.clear_ibuf [dreg:s6], $0x5FFFF;
	_ =	strace $0x9000004C  }
0xb2: {  	s29 =	simm.s32 $0x9;
	_ =	strace $0x8000004E  }
0xb3: {  	_ =	swait.ge [sflag:s29], $0x1  }
0xb4: {  	[sflag:s29] =	ssyncadd.s32 $0xFFFFFFFF  }
0xb5: {  	_ =	strace $0x9000004E  }
0xb6: {  	_ =	sfence  }
0xb7: {  	s30 =	sld [smem:$0x0];
	_ =	sdelay $0x2  }
0xb8: {  	s31 =	sshll.u32 s1, $0xD;
	s1 =	sshrl.u32 s1, $0x2  }
0xb9: {  	s3 =	sand.u32 $0x4000, s31;
	s1 =	sadd.s32 s1, s30  }
0xba: {  	s0 =	sor.u32 s3, s0;
	s1 =	sshll.u32 s1, $0x11  }
0xbb: {  	s0 =	sor.u32 s1, s0  }
0xbc: {  	s0 =	sadd.s32 $0x8F2B, s0  }
0xbd: {  	[sflag:s0] =	ssyncadd.remote.s32 $0x1  }
0xbe: {  	_ =	sfence.sel $0xFFFF  }
0xbf: {  	[dreg:$0x0] =	wrdreg $0xFFFFFFFF;
	(pc) =	sbr.abs _section_cstart, $3  }
0xc0: {  	[dreg:$0x1] =	wrdreg $0xFFFFFFFF  }
0xc1: {  	_ =	task.clear_ibuf [dreg:s6], $0x2FFFF;
	_ =	strace $0x9FFFFFFF  }
0xc2: {  	(tm) =	ssettm $0x7FFFFFFF  }
0xc3: {  	_ =	shalt  }
tec
execute0_lowered:
.L_overlay_start_1:
0x0: {  	(tag) =	ssettag $0x1  }
0x1: {  	s5 =	rddreg [dreg:$0x0]  }
0x2: {  	s2 =	rddreg [dreg:$0x1]  }
0x3: {  	s0 =	rddreg [dreg:$0x2]  }
0x4: {  	s3 =	simm.s32 $0x0;
	s1 =	stileid.u32;
	s7 =	srdreg.scid  }
0x5: {  	s21 =	simm.s32 $0x18080;
	s22 =	simm.s32 $0x80;
	s6 =	smul.u32 $0x9E0, s1  }
0x6: {  	s23 =	simm.s32 $0x18100;
	[smem:$0x7FF] =	sst s3;
	s24 =	smul.u32 $0x50000, s1  }
0x7: {  	s4 =	sadd.s32 $0x16600, s5;
	s12 =	sand.u32 $0x1, s7;
	s9 =	smul.u32 $0x14000, s1  }
0x8: {  	s15 =	sadd.s32 $0x3D800, s5;
	_ =	strace $0x8000004D;
	s18 =	smul.u32 $0x140000, s12  }
0x9: {  	s25 =	ssub.s32 $0x2, s12;
	s28 =	smul.u32 $0x4F0, s12;
	s14 =	sadd.s32 s6, s5  }
0xa: {  	s26 =	sshrl.u32 s25, $0x1;
	s7 =	sshrl.u32 s24, $0x2;
	s10 =	sadd.s32 $0x4000, s9  }
0xb: {  	s13 =	sadd.s32 $0x8000, s9;
	s17 =	sadd.s32 $0xC000, s9;
	s19 =	sadd.s32 $0x10000, s9  }
0xc: {  	s24 =	simm.s32 $0x1;
	s16 =	ssub.s32 s25, s26;
	s5 =	sadd.s32 s7, s2  }
0xd: {  	s6 =	sadd.s32 s10, s2;
	s7 =	sadd.s32 s13, s2;
	s8 =	sadd.s32 s17, s2  }
0xe: {  	s11 =	sadd.s32 s9, s18;
	s10 =	sadd.s32 s18, s10;
	s9 =	sadd.s32 s19, s2  }
0xf: {  	s13 =	sadd.s32 s18, s13;
	s17 =	sadd.s32 s18, s17;
	s30 =	sadd.s32 s18, s19  }
0x10: {  	s31 =	sadd.s32 s28, s14;
	s18 =	simm.s32 $0x14000;
	s19 =	simm.s32 $0x2  }
0x11: {  	s25 =	simm.s32 $0x0;
	s11 =	sshrl.u32 s11, $0x3;
	s20 =	sshrl.u32 s10, $0x3  }
0x12: {  	s13 =	sshrl.u32 s13, $0x3;
	s29 =	sshrl.u32 s17, $0x3;
	s17 =	sshrl.u32 s30, $0x3  }
0x13: {  	s10 =	sadd.s32 s15, s11;
	s11 =	sadd.s32 s15, s20;
	s12 =	sadd.s32 s15, s13  }
0x14: {  	s13 =	sadd.s32 s15, s29;
	s14 =	sadd.s32 s15, s17;
	s15 =	smax.u32 s16, $0x1  }
0x15: {  	v0 =	vimm.f32 $0.0e+00;
	s16 =	sadd.s32 $0xC800, s31;
	s17 =	sadd.s32 $0x2A00, s31;
	s20 =	simm.s32 $0x18000  }
.LBB2_1:
0x16: {  	s26 =	simm.s32 $0x0;
	s28 =	simm.s32 $0x200  }
.LBB2_2:
0x17: {  	p0 =	sne.s32 s28, $0xFE00;
	[tilespmem:s26+$0x14070] =	vst v0  }
0x18: {  	[tilespmem:s26+$0x14000] =	vst v0  }
0x19: {  	[tilespmem:s26+$0x14010] =	vst v0  }
.Ltmp0:
0x1a: {  	[tilespmem:s26+$0x14020] =	vst v0;
	(pc) =	sbr.rel @p0 .LBB2_2-.Ltmp0, $4  }
0x1b: {  	[tilespmem:s26+$0x14030] =	vst v0  }
0x1c: {  	[tilespmem:s26+$0x14040] =	vst v0  }
0x1d: {  	[tilespmem:s26+$0x14050] =	vst v0  }
0x1e: {  	[tilespmem:s26+$0x14060] =	vst v0;
	s26 =	sshra.s32 s28, $0x2;
	s28 =	sadd.s32 $0x200, s28  }
0x1f: {  	[tilespmem:s26+$0x14070] =	vst v0  }
0x20: {  	[tilespmem:s26+$0x14000] =	vst v0  }
0x21: {  	[tilespmem:s26+$0x14010] =	vst v0  }
0x22: {  	[tilespmem:s26+$0x14020] =	vst v0  }
0x23: {  	[tilespmem:s26+$0x14030] =	vst v0  }
0x24: {  	[tilespmem:s26+$0x14040] =	vst v0  }
0x25: {  	[tilespmem:s26+$0x14050] =	vst v0  }
0x26: {  	[tilespmem:s26+$0x14060] =	vst v0  }
0x27: {  	[spmem:s5] =	stream.linear.scatter [tilespmem:s18], [sflag:$0x2], $0x4000, $0x38;
	[tilespmem:$0x1C100] =	vst v63  }
0x28: {  	_ =	swait.ge [sflag:s19], $0x4000  }
0x29: {  	[sflag:s19] =	ssyncset.done $0x0  }
0x2a: {  	[sflag:s19] =	ssyncadd.s32 $0xFFFFC000  }
0x2b: {  	[spmem:s6] =	stream.linear.scatter [tilespmem:s18], [sflag:$0x2], $0x4000, $0x38;
	[tilespmem:$0x1C100] =	vst v63  }
0x2c: {  	_ =	swait.ge [sflag:s19], $0x4000  }
0x2d: {  	[sflag:s19] =	ssyncset.done $0x0  }
0x2e: {  	[sflag:s19] =	ssyncadd.s32 $0xFFFFC000  }
0x2f: {  	[spmem:s7] =	stream.linear.scatter [tilespmem:s18], [sflag:$0x2], $0x4000, $0x38;
	[tilespmem:$0x1C100] =	vst v63  }
0x30: {  	_ =	swait.ge [sflag:s19], $0x4000  }
0x31: {  	[sflag:s19] =	ssyncset.done $0x0  }
0x32: {  	[sflag:s19] =	ssyncadd.s32 $0xFFFFC000  }
0x33: {  	[spmem:s8] =	stream.linear.scatter [tilespmem:s18], [sflag:$0x2], $0x4000, $0x38;
	[tilespmem:$0x1C100] =	vst v63  }
0x34: {  	_ =	swait.ge [sflag:s19], $0x4000  }
0x35: {  	[sflag:s19] =	ssyncset.done $0x0  }
0x36: {  	[sflag:s19] =	ssyncadd.s32 $0xFFFFC000  }
0x37: {  	[spmem:s9] =	stream.linear.scatter [tilespmem:s18], [sflag:$0x2], $0x4000, $0x38;
	[tilespmem:$0x1C100] =	vst v63  }
0x38: {  	_ =	swait.ge [sflag:s19], $0x4000  }
0x39: {  	[sflag:s19] =	ssyncset.done $0x0  }
0x3a: {  	[sflag:s19] =	ssyncadd.s32 $0xFFFFC000  }
0x3b: {  	s30 =	sadd.s32 $0x0, s17;
	[bflag:$0x0] =	sbarrier.arrive $0xFFFF  }
0x3c: {  	[tilespmem:s20], [sflag:$0x2] =	stream.linear.gather [hbm4b:s30+s3], $0x80, $0x38;
	[tilespmem:$0x1C100] =	vst v63  }
0x3d: {  	_ =	swait.ge [sflag:s19], $0x80  }
0x3e: {  	[sflag:s19] =	ssyncset.done $0x0  }
0x3f: {  	s31 =	sadd.s32 $0x0, s16;
	[sflag:s19] =	ssyncadd.s32 $0xFFFFFF80  }
0x40: {  	[tilespmem:s21], [sflag:$0x2] =	stream.linear.gather [hbm4b:s31+s3], $0x80, $0x38;
	[tilespmem:$0x1C100] =	vst v63  }
0x41: {  	_ =	swait.ge [sflag:s19], $0x80  }
0x42: {  	[sflag:s19] =	ssyncset.done $0x0  }
0x43: {  	[sflag:s19] =	ssyncadd.s32 $0xFFFFFF80  }
0x44: {  	[tilespmem:s23], [sflag:$0x1] =	stream.indirect.gather [hbm4b:s4+s22], $0x80, s20, s22, $0xb8;
	[tilespmem:$0x1C100] =	vst v63  }
0x45: {  	_ =	swait.ge [sflag:s24], $0x4000  }
0x46: {  	[sflag:s24] =	ssyncset.done $0x0  }
0x47: {  	[sflag:s24] =	ssyncadd.s32 $0xFFFFC000  }
0x48: {  	[spmem:s2] =	stream.indirect.scatter.add.f32 [tilespmem:s23], [sflag:$0x2], $0x80, s21, s22, $0xb8;
	[tilespmem:$0x1C100] =	vst v63  }
0x49: {  	_ =	swait.ge [sflag:s19], $0x4000  }
0x4a: {  	s26 =	simm.s32 $0x10;
	s28 =	simm.s32 $0x20;
	[sflag:s19] =	ssyncset.done $0x0  }
.LBB2_4:
0x4b: {  	s29 =	sadd.s32 s26, s17  }
0x4c: {  	[sflag:s19] =	ssyncadd.s32 $0xFFFFC000;
	s30 =	smov.u32 s28;
	s31 =	sadd.s32 $0x10, s28  }
0x4d: {  	[tilespmem:s20], [sflag:$0x2] =	stream.linear.gather [hbm4b:s29+s3], $0x80, $0x38;
	[tilespmem:$0x1C100] =	vst v63  }
0x4e: {  	p0 =	sne.s32 s28, $0x4E0;
	_ =	swait.ge [sflag:s19], $0x80  }
0x4f: {  	[sflag:s19] =	ssyncset.done $0x0  }
0x50: {  	s28 =	sadd.s32 s26, s16;
	s26 =	smov.u32 s30;
	[sflag:s19] =	ssyncadd.s32 $0xFFFFFF80  }
0x51: {  	[tilespmem:s21], [sflag:$0x2] =	stream.linear.gather [hbm4b:s28+s3], $0x80, $0x38;
	[tilespmem:$0x1C100] =	vst v63  }
0x52: {  	_ =	swait.ge [sflag:s19], $0x80  }
0x53: {  	[sflag:s19] =	ssyncset.done $0x0  }
0x54: {  	[sflag:s19] =	ssyncadd.s32 $0xFFFFFF80  }
0x55: {  	[tilespmem:s23], [sflag:$0x1] =	stream.indirect.gather [hbm4b:s4+s22], $0x80, s20, s22, $0xb8;
	[tilespmem:$0x1C100] =	vst v63  }
0x56: {  	_ =	swait.ge [sflag:s24], $0x4000  }
.Ltmp1:
0x57: {  	[sflag:s24] =	ssyncset.done $0x0;
	(pc) =	sbr.rel @p0 .LBB2_4-.Ltmp1, $4  }
0x58: {  	[sflag:s24] =	ssyncadd.s32 $0xFFFFC000  }
0x59: {  	[spmem:s2] =	stream.indirect.scatter.add.f32 [tilespmem:s23], [sflag:$0x2], $0x80, s21, s22, $0xb8;
	[tilespmem:$0x1C100] =	vst v63  }
0x5a: {  	_ =	swait.ge [sflag:s19], $0x4000  }
0x5b: {  	s28 =	smov.u32 s31;
	[sflag:s19] =	ssyncset.done $0x0  }
0x5c: {  	s28 =	sadd.s32 s26, s17;
	[sflag:s19] =	ssyncadd.s32 $0xFFFFC000  }
0x5d: {  	[tilespmem:s20], [sflag:$0x2] =	stream.linear.gather [hbm4b:s28+s3], $0x80, $0x38;
	[tilespmem:$0x1C100] =	vst v63  }
0x5e: {  	_ =	swait.ge [sflag:s19], $0x80  }
0x5f: {  	[sflag:s19] =	ssyncset.done $0x0  }
0x60: {  	s31 =	sadd.s32 s26, s16;
	[sflag:s19] =	ssyncadd.s32 $0xFFFFFF80  }
0x61: {  	[tilespmem:s21], [sflag:$0x2] =	stream.linear.gather [hbm4b:s31+s3], $0x80, $0x38;
	[tilespmem:$0x1C100] =	vst v63  }
0x62: {  	_ =	swait.ge [sflag:s19], $0x80  }
0x63: {  	[sflag:s19] =	ssyncset.done $0x0  }
0x64: {  	[sflag:s19] =	ssyncadd.s32 $0xFFFFFF80  }
0x65: {  	[tilespmem:s23], [sflag:$0x1] =	stream.indirect.gather [hbm4b:s4+s22], $0x80, s20, s22, $0xb8;
	[tilespmem:$0x1C100] =	vst v63  }
0x66: {  	_ =	swait.ge [sflag:s24], $0x4000  }
0x67: {  	[sflag:s24] =	ssyncset.done $0x0  }
0x68: {  	[sflag:s24] =	ssyncadd.s32 $0xFFFFC000  }
0x69: {  	[spmem:s2] =	stream.indirect.scatter.add.f32 [tilespmem:s23], [sflag:$0x2], $0x80, s21, s22, $0xb8;
	[tilespmem:$0x1C100] =	vst v63  }
0x6a: {  	_ =	swait.ge [sflag:s19], $0x4000  }
0x6b: {  	[sflag:s19] =	ssyncset.done $0x0  }
0x6c: {  	[sflag:s19] =	ssyncadd.s32 $0xFFFFC000  }
0x6d: {  	[bflag:$0x0] =	sbarrier.arrive $0xFFFF  }
0x6e: {  	[tilespmem:s23], [sflag:$0x2] =	stream.linear.gather [spmem:s5], $0x4000, $0x38;
	[tilespmem:$0x1C100] =	vst v63  }
0x6f: {  	_ =	swait.ge [sflag:s19], $0x4000  }
0x70: {  	[sflag:s19] =	ssyncset.done $0x0  }
0x71: {  	[sflag:s19] =	ssyncadd.s32 $0xFFFFC000  }
0x72: {  	[hbm4b:s10+s3] =	stream.linear.scatter [tilespmem:s23], [sflag:$0x2], $0x4000, $0x38;
	[tilespmem:$0x1C100] =	vst v63  }
0x73: {  	_ =	swait.ge [sflag:s19], $0x4000  }
0x74: {  	[sflag:s19] =	ssyncset.done $0x0  }
0x75: {  	[sflag:s19] =	ssyncadd.s32 $0xFFFFC000  }
0x76: {  	[tilespmem:s23], [sflag:$0x2] =	stream.linear.gather [spmem:s6], $0x4000, $0x38;
	[tilespmem:$0x1C100] =	vst v63  }
0x77: {  	_ =	swait.ge [sflag:s19], $0x4000  }
0x78: {  	[sflag:s19] =	ssyncset.done $0x0  }
0x79: {  	[sflag:s19] =	ssyncadd.s32 $0xFFFFC000  }
0x7a: {  	[hbm4b:s11+s3] =	stream.linear.scatter [tilespmem:s23], [sflag:$0x2], $0x4000, $0x38;
	[tilespmem:$0x1C100] =	vst v63  }
0x7b: {  	_ =	swait.ge [sflag:s19], $0x4000  }
0x7c: {  	[sflag:s19] =	ssyncset.done $0x0  }
0x7d: {  	[sflag:s19] =	ssyncadd.s32 $0xFFFFC000  }
0x7e: {  	[tilespmem:s23], [sflag:$0x2] =	stream.linear.gather [spmem:s7], $0x4000, $0x38;
	[tilespmem:$0x1C100] =	vst v63  }
0x7f: {  	_ =	swait.ge [sflag:s19], $0x4000  }
0x80: {  	[sflag:s19] =	ssyncset.done $0x0  }
0x81: {  	[sflag:s19] =	ssyncadd.s32 $0xFFFFC000  }
0x82: {  	[hbm4b:s12+s3] =	stream.linear.scatter [tilespmem:s23], [sflag:$0x2], $0x4000, $0x38;
	[tilespmem:$0x1C100] =	vst v63  }
0x83: {  	_ =	swait.ge [sflag:s19], $0x4000  }
0x84: {  	[sflag:s19] =	ssyncset.done $0x0  }
0x85: {  	[sflag:s19] =	ssyncadd.s32 $0xFFFFC000  }
0x86: {  	[tilespmem:s23], [sflag:$0x2] =	stream.linear.gather [spmem:s8], $0x4000, $0x38;
	[tilespmem:$0x1C100] =	vst v63  }
0x87: {  	_ =	swait.ge [sflag:s19], $0x4000  }
0x88: {  	[sflag:s19] =	ssyncset.done $0x0  }
0x89: {  	[sflag:s19] =	ssyncadd.s32 $0xFFFFC000  }
0x8a: {  	[hbm4b:s13+s3] =	stream.linear.scatter [tilespmem:s23], [sflag:$0x2], $0x4000, $0x38;
	[tilespmem:$0x1C100] =	vst v63  }
0x8b: {  	_ =	swait.ge [sflag:s19], $0x4000  }
0x8c: {  	[sflag:s19] =	ssyncset.done $0x0  }
0x8d: {  	[sflag:s19] =	ssyncadd.s32 $0xFFFFC000  }
0x8e: {  	[tilespmem:s23], [sflag:$0x2] =	stream.linear.gather [spmem:s9], $0x4000, $0x38;
	[tilespmem:$0x1C100] =	vst v63  }
0x8f: {  	s25 =	sadd.s32 $0x1, s25;
	_ =	swait.ge [sflag:s19], $0x4000  }
0x90: {  	p0 =	sne.s32 s25, s15;
	[sflag:s19] =	ssyncset.done $0x0  }
.Ltmp2:
0x91: {  	[sflag:s19] =	ssyncadd.s32 $0xFFFFC000;
	(pc) =	sbr.rel @p0 .LBB2_1-.Ltmp2, $4  }
0x92: {  	[hbm4b:s14+s3] =	stream.linear.scatter [tilespmem:s23], [sflag:$0x2], $0x4000, $0x38;
	[tilespmem:$0x1C100] =	vst v63  }
0x93: {  	_ =	swait.ge [sflag:s19], $0x4000  }
0x94: {  	[sflag:s19] =	ssyncset.done $0x0  }
0x95: {  	[sflag:s19] =	ssyncadd.s32 $0xFFFFC000  }
0x96: {  	_ =	sfence.sel $0x180000  }
0x97: {  	[bflag:$0x0] =	sbarrier.arrive $0xFFFF  }
0x98: {  	p0 =	sne.s32 s1, $0x0;
	_ =	strace $0x9000004D  }
0x99: {  	s0 =	sadd.s32 @!p0 $0x100000, s0;
	[bflag:$0x2] =	sbarrier.arrive $0xFFFF  }
0x9a: {  	[sflag:s0] =	ssyncadd.tile.s32 @!p0 $0x1;
	_ =	shalt  }
.Lfunc_end2:
_tile_overlayer_lowered:
.L_overlay_start_2:
0x9b: {  	(tag) =	ssettag $0x2  }
0x9c: {  	s0 =	rddreg [dreg:$0x0];
	s2 =	stileid.u32  }
0x9d: {  	s1 =	rddreg [dreg:$0x1];
	p0 =	sne.s32 s2, $0x0  }
0x9e: {  	s3 =	rddreg [dreg:$0x2];
	[bflag:$0x3] =	sbarrier.arrive $0xFFFF;
	s2 =	simm.s32 @!p0 $0x1C02  }
0x9f: {  	[timem:s3], [sflag:s2] =	dma.local @!p0 [hbm:s0], s1  }
0xa0: {  	s0 =	simm.s32 @!p0 $0x2  }
0xa1: {  	_ =	swait.ge @!p0 [sflag:s0], s1  }
0xa2: {  	s1 =	ssub.s32 @!p0 $0x0, s1;
	[sflag:s0] =	ssyncset.done @!p0 $0x0  }
0xa3: {  	[sflag:s0] =	ssyncadd.s32 @!p0 s1  }
0xa4: {  	[bflag:$0x3] =	sbarrier.arrive $0xFFFF  }
0xa5: {  	_ =	shalt  }

</sc_bundles>
